<compile_context>
chip_gen: v7x
topology: tpu7x:2x2x1
jax: 0.10.2.dev20260603
libtpu: 0.0.44.dev20260713+nightly
codegen_flags: <defaults>
</compile_context>

<pallas_src>
import functools

import jax
import jax.numpy as jnp
from jax import lax
from jax.experimental import pallas as pl
from jax.experimental.pallas import tpu as pltpu
from jax.experimental.pallas import tpu_sc as plsc

NC = 2
NS = 16
NW = NC * NS
CHUNK = 128
NBUF = 2



def _deg_body(n, npad, ch, ei_hbm, deg_hbm, rowsg_hbm,
              rows_v, cols_v, val_v, zeros_v, deg_sp, sem_s):
  cid = lax.axis_index("c")
  sid = lax.axis_index("s")
  wid = sid * NC + cid
  rpt = npad // NS
  dump = npad - n

  def _z(i, c):
    zeros_v[pl.ds(i * 16, 16)] = jnp.zeros((16,), jnp.float32)
    return c
  lax.fori_loop(0, rpt // 16, _z, 0)
  pltpu.sync_copy(zeros_v, deg_sp.at[pl.ds(sid * rpt, rpt)])

  pltpu.sync_copy(ei_hbm.at[0, pl.ds(wid * ch, ch)], rows_v)
  pltpu.sync_copy(ei_hbm.at[1, pl.ds(wid * ch, ch)], cols_v)
  plsc.subcore_barrier()

  lanes = lax.iota(jnp.int32, 16)

  def _chunk(k, c):
    for j in range(CHUNK // 16):
      sl = pl.ds(j * 16, 16)
      r = rows_v[k, sl]
      cc = cols_v[k, sl]
      m = r != cc
      base = (wid * ch + k) * CHUNK + j * 16
      spr = n + ((base + lanes) % dump)
      rows_v[k, sl] = jnp.where(m, r, spr)
      val_v[k, sl] = jnp.where(m, 1.0, 0.0)
    pltpu.async_copy(val_v.at[k], deg_sp.at[cols_v.at[k]], sem_s, add=True)
    return c
  lax.fori_loop(0, ch, _chunk, 0)

  pltpu.sync_copy(rows_v, rowsg_hbm.at[pl.ds(wid * ch, ch)])

  def _drain(k, c):
    pltpu.make_async_copy(val_v.at[k], deg_sp.at[cols_v.at[k]], sem_s).wait()
    return c
  lax.fori_loop(0, ch, _drain, 0)

  plsc.subcore_barrier()
  pltpu.sync_copy(deg_sp.at[pl.ds(sid * rpt, rpt)],
                  deg_hbm.at[cid, 0, pl.ds(sid * rpt, rpt)])


def _spmm_body(npad, ch, fw, table_hbm, rows_hbm, ei_hbm, part_hbm,
               rows_v, cols_v, gbuf, acc_sp, sem_g, sem_s):
  cid = lax.axis_index("c")
  sid = lax.axis_index("s")
  wid = sid * NC + cid
  rpt = npad // NS
  r0 = sid * rpt

  def _z(i, c):
    for j in range(fw // 16):
      gbuf[0, 0, i, pl.ds(j * 16, 16)] = jnp.zeros((16,), jnp.float32)
    return c
  lax.fori_loop(0, CHUNK, _z, 0)
  for b in range(rpt // CHUNK):
    pltpu.sync_copy(gbuf.at[0, 0], acc_sp.at[pl.ds(r0 + b * CHUNK, CHUNK)])

  pltpu.sync_copy(rows_hbm.at[pl.ds(wid * ch, ch)], rows_v)
  pltpu.sync_copy(ei_hbm.at[1, pl.ds(wid * ch, ch)], cols_v)

  def _gathers(g, bank):
    for j in range(NBUF):
      pltpu.async_copy(table_hbm.at[rows_v.at[g * NBUF + j]],
                       gbuf.at[bank, j], sem_g)

  def _gathers_wait(g, bank):
    for j in range(NBUF):
      pltpu.make_async_copy(table_hbm.at[rows_v.at[g * NBUF + j]],
                            gbuf.at[bank, j], sem_g).wait()

  def _scatters(g, bank):
    for j in range(NBUF):
      pltpu.async_copy(gbuf.at[bank, j],
                       acc_sp.at[cols_v.at[g * NBUF + j]], sem_s, add=True)

  def _scatters_wait(g, bank):
    for j in range(NBUF):
      pltpu.make_async_copy(gbuf.at[bank, j],
                            acc_sp.at[cols_v.at[g * NBUF + j]], sem_s).wait()

  npairs = ch // NBUF // 2
  plsc.subcore_barrier()
  _gathers(0, 0)

  def _pair(p, c):
    a = 2 * p
    _gathers(a + 1, 1)
    _gathers_wait(a, 0)
    _scatters(a, 0)
    _scatters_wait(a, 0)

    @pl.when(p < npairs - 1)
    def _():
      _gathers(a + 2, 0)

    _gathers_wait(a + 1, 1)
    _scatters(a + 1, 1)
    _scatters_wait(a + 1, 1)
    return c
  lax.fori_loop(0, npairs, _pair, 0)

  plsc.subcore_barrier()
  pltpu.sync_copy(acc_sp.at[pl.ds(r0, rpt)],
                  part_hbm.at[cid, pl.ds(r0, rpt)])



def _mm1_body(x_ref, w_ref, y_ref):
  y_ref[...] = jnp.dot(x_ref[...], w_ref[...],
                       preferred_element_type=jnp.float32)


def _scale_body(y_ref, disb_ref, t_ref):
  t_ref[...] = disb_ref[...] * y_ref[...]


def _tc2_body(part_ref, t1_ref, disb_ref, b1_ref, w2_ref, t2_ref):
  agg = disb_ref[...] * (part_ref[0] + part_ref[1] + t1_ref[...])
  h = jnp.maximum(agg + b1_ref[...], 0.0)
  y2 = jnp.dot(h, w2_ref[...], preferred_element_type=jnp.float32)
  t2_ref[...] = disb_ref[...] * y2


def _tc3_body(fw, part_ref, t2_ref, disb_ref, b2_ref, out_ref):
  o = disb_ref[...] * (part_ref[0] + part_ref[1] + t2_ref[...]) + b2_ref[...]
  for h in range(2):
    oh = o[:, h * fw:(h + 1) * fw]
    m = jnp.max(oh, axis=-1, keepdims=True)
    lse = jnp.log(jnp.sum(jnp.exp(oh - m), axis=-1, keepdims=True)) + m
    out_ref[:, pl.ds(h * fw, fw)] = oh - lse



def kernel(x, edge_index, W1, b1, W2, b2):
  n, f_in = x.shape
  h_dim = W1.shape[1]
  c_dim = W2.shape[1]
  e = edge_index.shape[1]

  npad = ((n + 511) // 512 + (1 if n % 512 == 0 else 0)) * 512
  ch = -(-e // (NW * CHUNK))
  ch = -(-ch // 8) * 8
  e_pad = ch * NW * CHUNK
  blk = 2048
  blk2 = blk // 2
  grid = npad // blk

  ei_pad = jnp.pad(edge_index, ((0, 0), (0, e_pad - e)))
  ei_pad = ei_pad.reshape(2, e_pad // CHUNK, CHUNK)

  mesh = plsc.VectorSubcoreMesh(core_axis_name="c", subcore_axis_name="s")
  scp = pltpu.CompilerParams(use_tc_tiling_on_sc=False)

  deg_call = pl.kernel(
      functools.partial(_deg_body, n, npad, ch),
      out_type=(
          jax.ShapeDtypeStruct((NC, 1, npad), jnp.float32),
          jax.ShapeDtypeStruct((e_pad // CHUNK, CHUNK), jnp.int32),
      ),
      mesh=mesh,
      scratch_types=[
          pltpu.VMEM((ch, CHUNK), jnp.int32),
          pltpu.VMEM((ch, CHUNK), jnp.int32),
          pltpu.VMEM((ch, CHUNK), jnp.float32),
          pltpu.VMEM((npad // NS,), jnp.float32),
          pltpu.VMEM_SHARED((npad,), jnp.float32),
          pltpu.SemaphoreType.DMA,
      ],
      compiler_params=scp,
  )

  def spmm_call(fw):
    return pl.kernel(
        functools.partial(_spmm_body, npad, ch, fw),
        out_type=jax.ShapeDtypeStruct((NC, npad, fw), jnp.float32),
        mesh=mesh,
        scratch_types=[
            pltpu.VMEM((ch, CHUNK), jnp.int32),
            pltpu.VMEM((ch, CHUNK), jnp.int32),
            pltpu.VMEM((2, NBUF, CHUNK, fw), jnp.float32),
            pltpu.VMEM_SHARED((npad, fw), jnp.float32),
            pltpu.SemaphoreType.DMA,
            pltpu.SemaphoreType.DMA,
        ],
        compiler_params=scp,
    )

  spmm1 = spmm_call(h_dim)
  spmm2 = spmm1 if c_dim == h_dim else spmm_call(c_dim)

  deg_part, rows2d = deg_call(ei_pad)

  deg = deg_part[0, 0] + deg_part[1, 0] + 1.0
  dis = jnp.where(jnp.arange(npad) < n, lax.rsqrt(deg), 0.0)
  disb = jnp.repeat(dis.reshape(npad // 2, 2), h_dim, axis=1)

  y1 = pl.pallas_call(
      _mm1_body,
      grid=(grid,),
      in_specs=[
          pl.BlockSpec((blk, f_in), lambda i: (i, 0)),
          pl.BlockSpec((f_in, h_dim), lambda i: (0, 0)),
      ],
      out_specs=pl.BlockSpec((blk, h_dim), lambda i: (i, 0)),
      out_shape=jax.ShapeDtypeStruct((npad, h_dim), jnp.float32),
  )(x, W1)

  pk = (blk2, 2 * h_dim)
  t1p = pl.pallas_call(
      _scale_body,
      grid=(grid,),
      in_specs=[
          pl.BlockSpec(pk, lambda i: (i, 0)),
          pl.BlockSpec(pk, lambda i: (i, 0)),
      ],
      out_specs=pl.BlockSpec(pk, lambda i: (i, 0)),
      out_shape=jax.ShapeDtypeStruct((npad // 2, 2 * h_dim), jnp.float32),
  )(y1.reshape(npad // 2, 2 * h_dim), disb)

  t1 = t1p.reshape(npad, h_dim)
  part1 = spmm1(t1, rows2d, ei_pad)

  w2d = jnp.zeros((2 * h_dim, 2 * c_dim), jnp.float32)
  w2d = w2d.at[:h_dim, :c_dim].set(W2).at[h_dim:, c_dim:].set(W2)
  b1p = jnp.concatenate([b1, b1]).reshape(1, 2 * h_dim)
  b2p = jnp.concatenate([b2, b2]).reshape(1, 2 * c_dim)

  t2p = pl.pallas_call(
      _tc2_body,
      grid=(grid,),
      in_specs=[
          pl.BlockSpec((NC, blk2, 2 * h_dim), lambda i: (0, i, 0)),
          pl.BlockSpec(pk, lambda i: (i, 0)),
          pl.BlockSpec(pk, lambda i: (i, 0)),
          pl.BlockSpec((1, 2 * h_dim), lambda i: (0, 0)),
          pl.BlockSpec((2 * h_dim, 2 * c_dim), lambda i: (0, 0)),
      ],
      out_specs=pl.BlockSpec((blk2, 2 * c_dim), lambda i: (i, 0)),
      out_shape=jax.ShapeDtypeStruct((npad // 2, 2 * c_dim), jnp.float32),
  )(part1.reshape(NC, npad // 2, 2 * h_dim), t1p, disb, b1p, w2d)

  part2 = spmm2(t2p.reshape(npad, c_dim), rows2d, ei_pad)

  outp = pl.pallas_call(
      functools.partial(_tc3_body, c_dim),
      grid=(grid,),
      in_specs=[
          pl.BlockSpec((NC, blk2, 2 * c_dim), lambda i: (0, i, 0)),
          pl.BlockSpec((blk2, 2 * c_dim), lambda i: (i, 0)),
          pl.BlockSpec((blk2, 2 * c_dim), lambda i: (i, 0)),
          pl.BlockSpec((1, 2 * c_dim), lambda i: (0, 0)),
      ],
      out_specs=pl.BlockSpec((blk2, 2 * c_dim), lambda i: (i, 0)),
      out_shape=jax.ShapeDtypeStruct((npad // 2, 2 * c_dim), jnp.float32),
  )(part2.reshape(NC, npad // 2, 2 * c_dim), t2p, disb, b2p)

  return outp.reshape(npad, c_dim)[:n]

# --- scband reference (transcript-rebuilt; emitter-appended) ---
"""Pipeline reference for scband-drop-gcn-73151882985965 (READ-ONLY COPY).

The authoritative reference and input builder live on the scoring server;
editing this copy changes nothing except your own understanding.
"""

import jax, jax.numpy as jnp
import numpy as np


def _glorot(key, shape):
    stdv = float(np.sqrt(6.0 / (shape[0] + shape[1])))
    return jax.random.uniform(key, shape, jnp.float32, -stdv, stdv)


def setup_inputs(seed: int = 0) -> dict:
    key = jax.random.key(seed)
    k1, k2, k3, k4 = jax.random.split(key, 4)
    N, F_in, H, C = 10000, 128, 64, 64
    E = 320000
    x = jax.random.normal(k1, (N, F_in), dtype=jnp.float32)
    edge_index = jax.random.randint(k2, (2, E), 0, N, dtype=jnp.int32)
    W1 = _glorot(k3, (F_in, H))
    b1 = jnp.zeros((H,), jnp.float32)
    W2 = _glorot(k4, (H, C))
    b2 = jnp.zeros((C,), jnp.float32)
    return {"x": x, "edge_index": edge_index, "W1": W1, "b1": b1, "W2": W2, "b2": b2}


def _pretreat(edge_index, n):
    # remove self loops, add self loops, GCN symmetric normalization
    row, col = edge_index[0], edge_index[1]
    valid = (row != col).astype(jnp.float32)
    loop = jnp.arange(n, dtype=row.dtype)
    row = jnp.concatenate([row, loop])
    col = jnp.concatenate([col, loop])
    w = jnp.concatenate([valid, jnp.ones((n,), jnp.float32)])
    deg = jnp.zeros((n,), jnp.float32).at[col].add(w)
    deg_inv_sqrt = deg ** -0.5
    ew = deg_inv_sqrt[row] * deg_inv_sqrt[col] * w
    return row, col, ew


def _gcn_layer(x, W, b, row, col, ew):
    # message: x_j * edge_weight (drop_rate=0, eval mode -> dropout is a no-op)
    msg = x[row] * ew[:, None]
    # aggregate: scatter-add at destination (col)
    agg = jnp.zeros((x.shape[0], x.shape[1]), x.dtype).at[col].add(msg)
    # transform_first=False: matmul after aggregation, then bias
    return agg @ W + b


def reference(x, edge_index, W1, b1, W2, b2):
    row, col, ew = _pretreat(edge_index, x.shape[0])
    h = jax.nn.relu(_gcn_layer(x, W1, b1, row, col, ew))
    out = _gcn_layer(h, W2, b2, row, col, ew)
    return jax.nn.log_softmax(out, axis=-1)

if __name__ == "__main__":
    import jax
    _d = setup_inputs()
    print(jax.jit(kernel)(*tuple(_d.values())))

</pallas_src>

<mosaic_0001>
#map = affine_map<(d0, d1) -> (0, 0, 0)>
#map1 = affine_map<(d0, d1) -> (0, 0)>
module attributes {stable_mosaic.version = 14 : i64} {
  func.func @_deg_body(%arg0: i32, %arg1: i32, %arg2: memref<2x2560x128xi32, #tpu.memory_space<hbm>>, %arg3: memref<2x1x10240xf32, #tpu.memory_space<hbm>>, %arg4: memref<2560x128xi32, #tpu.memory_space<hbm>>, %arg5: memref<80x128xi32, #tpu.memory_space<vmem>>, %arg6: memref<80x128xi32, #tpu.memory_space<vmem>>, %arg7: memref<80x128xf32, #tpu.memory_space<vmem>>, %arg8: memref<640xf32, #tpu.memory_space<vmem>>, %arg9: memref<10240xf32, #tpu.memory_space<vmem_shared>>, %arg10: memref<!tpu.dma_semaphore, #tpu.memory_space<semaphore_mem>>) attributes {dimension_semantics = [#tpu.dimension_semantics<core_parallel>, #tpu.dimension_semantics<subcore_parallel>], iteration_bounds = array<i64: 2, 16>, scalar_prefetch = 0 : i64, scratch_operands = 6 : i64, tpu.core_type = #tpu.core_type<sc_vector_subcore>, window_params = [{transform_indices = #map}, {transform_indices = #map}, {transform_indices = #map1}]} {
    %mul3A = arith.constant 2 : i32
    %mul3A_0 = arith.muli %arg1, %mul3A : i32
    %add3A = arith.addi %mul3A_0, %arg0 : i32
    %scan3A = arith.constant 0 : i32
    %scan3A_1 = arith.constant 0 : i32
    %scan3A_2 = arith.constant 40 : i32
    %scan3A_3 = arith.addi %scan3A_1, %scan3A_2 : i32
    %scan3A_4 = arith.constant 1 : i32
    scf.for %scan3A_33 = %scan3A_1 to %scan3A_3 step %scan3A_4  : i32 {
      %broadcast_in_dim3A = arith.constant 0.000000e+00 : f32
      %broadcast_in_dim3A_34 = vector.broadcast %broadcast_in_dim3A : f32 to vector<16xf32>
      %mul3A_35 = arith.constant 16 : i32
      %mul3A_36 = arith.muli %scan3A_33, %mul3A_35 : i32
      %swap3A = arith.index_cast %mul3A_36 : i32 to index
      %swap3A_37 = tpu.vector_load %arg8[%swap3A] {strides = array<i32>} : memref<640xf32, #tpu.memory_space<vmem>>, vector<16xf32>,
      %swap3A_38 = vector.shape_cast %swap3A_37 : vector<16xf32> to vector<16xf32>
      %swap3A_39 = vector.shape_cast %broadcast_in_dim3A_34 : vector<16xf32> to vector<16xf32>
      tpu.vector_store %arg8[%swap3A], %swap3A_39 {strides = array<i32>} : memref<640xf32, #tpu.memory_space<vmem>>, vector<16xf32>,
    }
    %scan3A_5 = arith.constant 40 : i32
    %mul3A_6 = arith.constant 640 : i32
    %mul3A_7 = arith.muli %arg1, %mul3A_6 : i32
    "tpu.region"() ({
      %run_scoped3A_33 = tpu.sem_alloc : memref<!tpu.dma_semaphore, #tpu.memory_space<semaphore_mem>>
      %dma_start3A = tpu.memref_slice %arg9[%mul3A_7] : memref<10240xf32, #tpu.memory_space<vmem_shared>> -> memref<640xf32, #tpu.memory_space<vmem_shared>>
      %dma_start3A_34 = tpu.memref_slice %arg9[%mul3A_7] : memref<10240xf32, #tpu.memory_space<vmem_shared>> -> memref<640xf32, #tpu.memory_space<vmem_shared>>
      tpu.enqueue_dma source(%arg8 : memref<640xf32, #tpu.memory_space<vmem>>) target(%dma_start3A_34 : memref<640xf32, #tpu.memory_space<vmem_shared>>) target_semaphore(%run_scoped3A_33 : memref<!tpu.dma_semaphore, #tpu.memory_space<semaphore_mem>>)
      %dma_wait3A = tpu.memref_slice %arg9[%mul3A_7] : memref<10240xf32, #tpu.memory_space<vmem_shared>> -> memref<640xf32, #tpu.memory_space<vmem_shared>>
      %dma_wait3A_35 = tpu.memref_slice %arg9[%mul3A_7] : memref<10240xf32, #tpu.memory_space<vmem_shared>> -> memref<640xf32, #tpu.memory_space<vmem_shared>>
      tpu.wait_dma2 semaphore(%run_scoped3A_33 : memref<!tpu.dma_semaphore, #tpu.memory_space<semaphore_mem>>) src(%arg8 : memref<640xf32, #tpu.memory_space<vmem>>) dst(%dma_wait3A_35 : memref<640xf32, #tpu.memory_space<vmem_shared>>)
      tpu.yield
    }) : () -> ()
    %mul3A_8 = arith.constant 80 : i32
    %mul3A_9 = arith.muli %add3A, %mul3A_8 : i32
    %run_scoped3A = arith.constant 0 : i32
    "tpu.region"() ({
      %run_scoped3A_33 = tpu.sem_alloc : memref<!tpu.dma_semaphore, #tpu.memory_space<semaphore_mem>>
      %dma_start3A = arith.constant 0 : i32
      %dma_start3A_34 = tpu.memref_slice %arg2[%run_scoped3A, %mul3A_9, %dma_start3A] : memref<2x2560x128xi32, #tpu.memory_space<hbm>> -> memref<1x80x128xi32, #tpu.memory_space<hbm>>
      %dma_start3A_35 = tpu.memref_squeeze %dma_start3A_34 : memref<1x80x128xi32, #tpu.memory_space<hbm>> -> memref<80x128xi32, #tpu.memory_space<hbm>>
      %dma_start3A_36 = arith.constant 0 : i32
      %dma_start3A_37 = tpu.memref_slice %arg2[%run_scoped3A, %mul3A_9, %dma_start3A_36] : memref<2x2560x128xi32, #tpu.memory_space<hbm>> -> memref<1x80x128xi32, #tpu.memory_space<hbm>>
      %dma_start3A_38 = tpu.memref_squeeze %dma_start3A_37 : memref<1x80x128xi32, #tpu.memory_space<hbm>> -> memref<80x128xi32, #tpu.memory_space<hbm>>
      tpu.enqueue_dma source(%dma_start3A_38 : memref<80x128xi32, #tpu.memory_space<hbm>>) target(%arg5 : memref<80x128xi32, #tpu.memory_space<vmem>>) target_semaphore(%run_scoped3A_33 : memref<!tpu.dma_semaphore, #tpu.memory_space<semaphore_mem>>)
      %dma_wait3A = arith.constant 0 : i32
      %dma_wait3A_39 = tpu.memref_slice %arg2[%run_scoped3A, %mul3A_9, %dma_wait3A] : memref<2x2560x128xi32, #tpu.memory_space<hbm>> -> memref<1x80x128xi32, #tpu.memory_space<hbm>>
      %dma_wait3A_40 = tpu.memref_squeeze %dma_wait3A_39 : memref<1x80x128xi32, #tpu.memory_space<hbm>> -> memref<80x128xi32, #tpu.memory_space<hbm>>
      %dma_wait3A_41 = arith.constant 0 : i32
      %dma_wait3A_42 = tpu.memref_slice %arg2[%run_scoped3A, %mul3A_9, %dma_wait3A_41] : memref<2x2560x128xi32, #tpu.memory_space<hbm>> -> memref<1x80x128xi32, #tpu.memory_space<hbm>>
      %dma_wait3A_43 = tpu.memref_squeeze %dma_wait3A_42 : memref<1x80x128xi32, #tpu.memory_space<hbm>> -> memref<80x128xi32, #tpu.memory_space<hbm>>
      tpu.wait_dma2 semaphore(%run_scoped3A_33 : memref<!tpu.dma_semaphore, #tpu.memory_space<semaphore_mem>>) src(%dma_wait3A_43 : memref<80x128xi32, #tpu.memory_space<hbm>>) dst(%arg5 : memref<80x128xi32, #tpu.memory_space<vmem>>)
      tpu.yield
    }) : () -> ()
    %mul3A_10 = arith.constant 80 : i32
    %mul3A_11 = arith.muli %add3A, %mul3A_10 : i32
    %run_scoped3A_12 = arith.constant 1 : i32
    "tpu.region"() ({
      %run_scoped3A_33 = tpu.sem_alloc : memref<!tpu.dma_semaphore, #tpu.memory_space<semaphore_mem>>
      %dma_start3A = arith.constant 0 : i32
      %dma_start3A_34 = tpu.memref_slice %arg2[%run_scoped3A_12, %mul3A_11, %dma_start3A] : memref<2x2560x128xi32, #tpu.memory_space<hbm>> -> memref<1x80x128xi32, #tpu.memory_space<hbm>>
      %dma_start3A_35 = tpu.memref_squeeze %dma_start3A_34 : memref<1x80x128xi32, #tpu.memory_space<hbm>> -> memref<80x128xi32, #tpu.memory_space<hbm>>
      %dma_start3A_36 = arith.constant 0 : i32
      %dma_start3A_37 = tpu.memref_slice %arg2[%run_scoped3A_12, %mul3A_11, %dma_start3A_36] : memref<2x2560x128xi32, #tpu.memory_space<hbm>> -> memref<1x80x128xi32, #tpu.memory_space<hbm>>
      %dma_start3A_38 = tpu.memref_squeeze %dma_start3A_37 : memref<1x80x128xi32, #tpu.memory_space<hbm>> -> memref<80x128xi32, #tpu.memory_space<hbm>>
      tpu.enqueue_dma source(%dma_start3A_38 : memref<80x128xi32, #tpu.memory_space<hbm>>) target(%arg6 : memref<80x128xi32, #tpu.memory_space<vmem>>) target_semaphore(%run_scoped3A_33 : memref<!tpu.dma_semaphore, #tpu.memory_space<semaphore_mem>>)
      %dma_wait3A = arith.constant 0 : i32
      %dma_wait3A_39 = tpu.memref_slice %arg2[%run_scoped3A_12, %mul3A_11, %dma_wait3A] : memref<2x2560x128xi32, #tpu.memory_space<hbm>> -> memref<1x80x128xi32, #tpu.memory_space<hbm>>
      %dma_wait3A_40 = tpu.memref_squeeze %dma_wait3A_39 : memref<1x80x128xi32, #tpu.memory_space<hbm>> -> memref<80x128xi32, #tpu.memory_space<hbm>>
      %dma_wait3A_41 = arith.constant 0 : i32
      %dma_wait3A_42 = tpu.memref_slice %arg2[%run_scoped3A_12, %mul3A_11, %dma_wait3A_41] : memref<2x2560x128xi32, #tpu.memory_space<hbm>> -> memref<1x80x128xi32, #tpu.memory_space<hbm>>
      %dma_wait3A_43 = tpu.memref_squeeze %dma_wait3A_42 : memref<1x80x128xi32, #tpu.memory_space<hbm>> -> memref<80x128xi32, #tpu.memory_space<hbm>>
      tpu.wait_dma2 semaphore(%run_scoped3A_33 : memref<!tpu.dma_semaphore, #tpu.memory_space<semaphore_mem>>) src(%dma_wait3A_43 : memref<80x128xi32, #tpu.memory_space<hbm>>) dst(%arg6 : memref<80x128xi32, #tpu.memory_space<vmem>>)
      tpu.yield
    }) : () -> ()
    %barrier3A = arith.constant 0 : index
    tpu.barrier barrier_id(%barrier3A)
    %iota3A = tpu.iota {dimensions = array<i32: 0>} : vector<16xi32>
    %scan3A_13 = arith.constant 0 : i32
    %scan3A_14 = arith.constant 0 : i32
    %scan3A_15 = arith.constant 80 : i32
    %scan3A_16 = arith.addi %scan3A_14, %scan3A_15 : i32
    %scan3A_17 = arith.constant 1 : i32
    scf.for %scan3A_33 = %scan3A_14 to %scan3A_16 step %scan3A_17  : i32 {
      %get3A = arith.index_cast %scan3A_33 : i32 to index
      %get3A_34 = arith.constant 0 : index
      %get3A_35 = tpu.vector_load %arg5[%get3A, %get3A_34] {strides = array<i32>} : memref<80x128xi32, #tpu.memory_space<vmem>>, vector<1x16xi32>,
      %get3A_36 = vector.shape_cast %get3A_35 : vector<1x16xi32> to vector<16xi32>
      %get3A_37 = arith.index_cast %scan3A_33 : i32 to index
      %get3A_38 = arith.constant 0 : index
      %get3A_39 = tpu.vector_load %arg6[%get3A_37, %get3A_38] {strides = array<i32>} : memref<80x128xi32, #tpu.memory_space<vmem>>, vector<1x16xi32>,
      %get3A_40 = vector.shape_cast %get3A_39 : vector<1x16xi32> to vector<16xi32>
      %ne3A = arith.cmpi ne, %get3A_36, %get3A_40 : vector<16xi32>
      %mul3A_41 = arith.constant 80 : i32
      %mul3A_42 = arith.muli %add3A, %mul3A_41 : i32
      %add3A_43 = arith.addi %mul3A_42, %scan3A_33 : i32
      %mul3A_44 = arith.constant 128 : i32
      %mul3A_45 = arith.muli %add3A_43, %mul3A_44 : i32
      %add3A_46 = arith.constant 0 : i32
      %add3A_47 = arith.addi %mul3A_45, %add3A_46 : i32
      %add3A_48 = vector.broadcast %add3A_47 : i32 to vector<16xi32>
      %add3A_49 = arith.addi %add3A_48, %iota3A : vector<16xi32>
      %jit3A = arith.constant 240 : i32
      %eq3A = arith.constant 0 : i32
      %eq3A_50 = arith.cmpi eq, %jit3A, %eq3A : i32
      %jit3A_51 = arith.constant 1 : i32
      %select_n3A = arith.select %eq3A_50, %jit3A_51, %jit3A : i32
      %rem3A = vector.broadcast %select_n3A : i32 to vector<16xi32>
      %rem3A_52 = arith.remsi %add3A_49, %rem3A : vector<16xi32>
      %ne3A_53 = arith.constant 0 : i32
      %ne3A_54 = vector.broadcast %ne3A_53 : i32 to vector<16xi32>
      %ne3A_55 = arith.cmpi ne, %rem3A_52, %ne3A_54 : vector<16xi32>
      %lt3A = arith.constant 0 : i32
      %lt3A_56 = vector.broadcast %lt3A : i32 to vector<16xi32>
      %lt3A_57 = arith.cmpi slt, %rem3A_52, %lt3A_56 : vector<16xi32>
      %lt3A_58 = arith.constant 0 : i32
      %lt3A_59 = arith.cmpi slt, %select_n3A, %lt3A_58 : i32
      %ne3A_60 = vector.broadcast %lt3A_59 : i1 to vector<16xi1>
      %ne3A_61 = vector.broadcast %ne3A_60 : vector<16xi1> to vector<16xi1>
      %ne3A_62 = arith.xori %lt3A_57, %ne3A_61 : vector<16xi1>
      %and3A = arith.andi %ne3A_62, %ne3A_55 : vector<16xi1>
      %add3A_63 = vector.broadcast %select_n3A : i32 to vector<16xi32>
      %add3A_64 = arith.addi %rem3A_52, %add3A_63 : vector<16xi32>
      %select_n3A_65 = arith.select %and3A, %add3A_64, %rem3A_52 : vector<16xi1>, vector<16xi32>
      %add3A_66 = arith.constant 10000 : i32
      %add3A_67 = vector.broadcast %add3A_66 : i32 to vector<16xi32>
      %add3A_68 = arith.addi %add3A_67, %select_n3A_65 : vector<16xi32>
      %select_n3A_69 = arith.select %ne3A, %get3A_36, %add3A_68 : vector<16xi1>, vector<16xi32>
      %swap3A = arith.index_cast %scan3A_33 : i32 to index
      %swap3A_70 = arith.constant 0 : index
      %swap3A_71 = tpu.vector_load %arg5[%swap3A, %swap3A_70] {strides = array<i32>} : memref<80x128xi32, #tpu.memory_space<vmem>>, vector<1x16xi32>,
      %swap3A_72 = vector.shape_cast %swap3A_71 : vector<1x16xi32> to vector<16xi32>
      %swap3A_73 = vector.shape_cast %select_n3A_69 : vector<16xi32> to vector<1x16xi32>
      tpu.vector_store %arg5[%swap3A, %swap3A_70], %swap3A_73 {strides = array<i32>} : memref<80x128xi32, #tpu.memory_space<vmem>>, vector<1x16xi32>,
      %jit3A_74 = arith.constant 1.000000e+00 : f32
      %jit3A_75 = arith.constant 0.000000e+00 : f32
      %broadcast_in_dim3A = vector.broadcast %jit3A_74 : f32 to vector<16xf32>
      %broadcast_in_dim3A_76 = vector.broadcast %jit3A_75 : f32 to vector<16xf32>
      %select_n3A_77 = arith.select %ne3A, %broadcast_in_dim3A, %broadcast_in_dim3A_76 : vector<16xi1>, vector<16xf32>
      %swap3A_78 = arith.index_cast %scan3A_33 : i32 to index
      %swap3A_79 = arith.constant 0 : index
      %swap3A_80 = tpu.vector_load %arg7[%swap3A_78, %swap3A_79] {strides = array<i32>} : memref<80x128xf32, #tpu.memory_space<vmem>>, vector<1x16xf32>,
      %swap3A_81 = vector.shape_cast %swap3A_80 : vector<1x16xf32> to vector<16xf32>
      %swap3A_82 = vector.shape_cast %select_n3A_77 : vector<16xf32> to vector<1x16xf32>
      tpu.vector_store %arg7[%swap3A_78, %swap3A_79], %swap3A_82 {strides = array<i32>} : memref<80x128xf32, #tpu.memory_space<vmem>>, vector<1x16xf32>,
      %get3A_83 = arith.index_cast %scan3A_33 : i32 to index
      %get3A_84 = arith.constant 16 : index
      %get3A_85 = tpu.vector_load %arg5[%get3A_83, %get3A_84] {strides = array<i32>} : memref<80x128xi32, #tpu.memory_space<vmem>>, vector<1x16xi32>,
      %get3A_86 = vector.shape_cast %get3A_85 : vector<1x16xi32> to vector<16xi32>
      %get3A_87 = arith.index_cast %scan3A_33 : i32 to index
      %get3A_88 = arith.constant 16 : index
      %get3A_89 = tpu.vector_load %arg6[%get3A_87, %get3A_88] {strides = array<i32>} : memref<80x128xi32, #tpu.memory_space<vmem>>, vector<1x16xi32>,
      %get3A_90 = vector.shape_cast %get3A_89 : vector<1x16xi32> to vector<16xi32>
      %ne3A_91 = arith.cmpi ne, %get3A_86, %get3A_90 : vector<16xi32>
      %mul3A_92 = arith.constant 80 : i32
      %mul3A_93 = arith.muli %add3A, %mul3A_92 : i32
      %add3A_94 = arith.addi %mul3A_93, %scan3A_33 : i32
      %mul3A_95 = arith.constant 128 : i32
      %mul3A_96 = arith.muli %add3A_94, %mul3A_95 : i32
      %add3A_97 = arith.constant 16 : i32
      %add3A_98 = arith.addi %mul3A_96, %add3A_97 : i32
      %add3A_99 = vector.broadcast %add3A_98 : i32 to vector<16xi32>
      %add3A_100 = arith.addi %add3A_99, %iota3A : vector<16xi32>
      %jit3A_101 = arith.constant 240 : i32
      %eq3A_102 = arith.constant 0 : i32
      %eq3A_103 = arith.cmpi eq, %jit3A_101, %eq3A_102 : i32
      %jit3A_104 = arith.constant 1 : i32
      %select_n3A_105 = arith.select %eq3A_103, %jit3A_104, %jit3A_101 : i32
      %rem3A_106 = vector.broadcast %select_n3A_105 : i32 to vector<16xi32>
      %rem3A_107 = arith.remsi %add3A_100, %rem3A_106 : vector<16xi32>
      %ne3A_108 = arith.constant 0 : i32
      %ne3A_109 = vector.broadcast %ne3A_108 : i32 to vector<16xi32>
      %ne3A_110 = arith.cmpi ne, %rem3A_107, %ne3A_109 : vector<16xi32>
      %lt3A_111 = arith.constant 0 : i32
      %lt3A_112 = vector.broadcast %lt3A_111 : i32 to vector<16xi32>
      %lt3A_113 = arith.cmpi slt, %rem3A_107, %lt3A_112 : vector<16xi32>
      %lt3A_114 = arith.constant 0 : i32
      %lt3A_115 = arith.cmpi slt, %select_n3A_105, %lt3A_114 : i32
      %ne3A_116 = vector.broadcast %lt3A_115 : i1 to vector<16xi1>
      %ne3A_117 = vector.broadcast %ne3A_116 : vector<16xi1> to vector<16xi1>
      %ne3A_118 = arith.xori %lt3A_113, %ne3A_117 : vector<16xi1>
      %and3A_119 = arith.andi %ne3A_118, %ne3A_110 : vector<16xi1>
      %add3A_120 = vector.broadcast %select_n3A_105 : i32 to vector<16xi32>
      %add3A_121 = arith.addi %rem3A_107, %add3A_120 : vector<16xi32>
      %select_n3A_122 = arith.select %and3A_119, %add3A_121, %rem3A_107 : vector<16xi1>, vector<16xi32>
      %add3A_123 = arith.constant 10000 : i32
      %add3A_124 = vector.broadcast %add3A_123 : i32 to vector<16xi32>
      %add3A_125 = arith.addi %add3A_124, %select_n3A_122 : vector<16xi32>
      %select_n3A_126 = arith.select %ne3A_91, %get3A_86, %add3A_125 : vector<16xi1>, vector<16xi32>
      %swap3A_127 = arith.index_cast %scan3A_33 : i32 to index
      %swap3A_128 = arith.constant 16 : index
      %swap3A_129 = tpu.vector_load %arg5[%swap3A_127, %swap3A_128] {strides = array<i32>} : memref<80x128xi32, #tpu.memory_space<vmem>>, vector<1x16xi32>,
      %swap3A_130 = vector.shape_cast %swap3A_129 : vector<1x16xi32> to vector<16xi32>
      %swap3A_131 = vector.shape_cast %select_n3A_126 : vector<16xi32> to vector<1x16xi32>
      tpu.vector_store %arg5[%swap3A_127, %swap3A_128], %swap3A_131 {strides = array<i32>} : memref<80x128xi32, #tpu.memory_space<vmem>>, vector<1x16xi32>,
      %jit3A_132 = arith.constant 1.000000e+00 : f32
      %jit3A_133 = arith.constant 0.000000e+00 : f32
      %broadcast_in_dim3A_134 = vector.broadcast %jit3A_132 : f32 to vector<16xf32>
      %broadcast_in_dim3A_135 = vector.broadcast %jit3A_133 : f32 to vector<16xf32>
      %select_n3A_136 = arith.select %ne3A_91, %broadcast_in_dim3A_134, %broadcast_in_dim3A_135 : vector<16xi1>, vector<16xf32>
      %swap3A_137 = arith.index_cast %scan3A_33 : i32 to index
      %swap3A_138 = arith.constant 16 : index
      %swap3A_139 = tpu.vector_load %arg7[%swap3A_137, %swap3A_138] {strides = array<i32>} : memref<80x128xf32, #tpu.memory_space<vmem>>, vector<1x16xf32>,
      %swap3A_140 = vector.shape_cast %swap3A_139 : vector<1x16xf32> to vector<16xf32>
      %swap3A_141 = vector.shape_cast %select_n3A_136 : vector<16xf32> to vector<1x16xf32>
      tpu.vector_store %arg7[%swap3A_137, %swap3A_138], %swap3A_141 {strides = array<i32>} : memref<80x128xf32, #tpu.memory_space<vmem>>, vector<1x16xf32>,
      %get3A_142 = arith.index_cast %scan3A_33 : i32 to index
      %get3A_143 = arith.constant 32 : index
      %get3A_144 = tpu.vector_load %arg5[%get3A_142, %get3A_143] {strides = array<i32>} : memref<80x128xi32, #tpu.memory_space<vmem>>, vector<1x16xi32>,
      %get3A_145 = vector.shape_cast %get3A_144 : vector<1x16xi32> to vector<16xi32>
      %get3A_146 = arith.index_cast %scan3A_33 : i32 to index
      %get3A_147 = arith.constant 32 : index
      %get3A_148 = tpu.vector_load %arg6[%get3A_146, %get3A_147] {strides = array<i32>} : memref<80x128xi32, #tpu.memory_space<vmem>>, vector<1x16xi32>,
      %get3A_149 = vector.shape_cast %get3A_148 : vector<1x16xi32> to vector<16xi32>
      %ne3A_150 = arith.cmpi ne, %get3A_145, %get3A_149 : vector<16xi32>
      %mul3A_151 = arith.constant 80 : i32
      %mul3A_152 = arith.muli %add3A, %mul3A_151 : i32
      %add3A_153 = arith.addi %mul3A_152, %scan3A_33 : i32
      %mul3A_154 = arith.constant 128 : i32
      %mul3A_155 = arith.muli %add3A_153, %mul3A_154 : i32
      %add3A_156 = arith.constant 32 : i32
      %add3A_157 = arith.addi %mul3A_155, %add3A_156 : i32
      %add3A_158 = vector.broadcast %add3A_157 : i32 to vector<16xi32>
      %add3A_159 = arith.addi %add3A_158, %iota3A : vector<16xi32>
      %jit3A_160 = arith.constant 240 : i32
      %eq3A_161 = arith.constant 0 : i32
      %eq3A_162 = arith.cmpi eq, %jit3A_160, %eq3A_161 : i32
      %jit3A_163 = arith.constant 1 : i32
      %select_n3A_164 = arith.select %eq3A_162, %jit3A_163, %jit3A_160 : i32
      %rem3A_165 = vector.broadcast %select_n3A_164 : i32 to vector<16xi32>
      %rem3A_166 = arith.remsi %add3A_159, %rem3A_165 : vector<16xi32>
      %ne3A_167 = arith.constant 0 : i32
      %ne3A_168 = vector.broadcast %ne3A_167 : i32 to vector<16xi32>
      %ne3A_169 = arith.cmpi ne, %rem3A_166, %ne3A_168 : vector<16xi32>
      %lt3A_170 = arith.constant 0 : i32
      %lt3A_171 = vector.broadcast %lt3A_170 : i32 to vector<16xi32>
      %lt3A_172 = arith.cmpi slt, %rem3A_166, %lt3A_171 : vector<16xi32>
      %lt3A_173 = arith.constant 0 : i32
      %lt3A_174 = arith.cmpi slt, %select_n3A_164, %lt3A_173 : i32
      %ne3A_175 = vector.broadcast %lt3A_174 : i1 to vector<16xi1>
      %ne3A_176 = vector.broadcast %ne3A_175 : vector<16xi1> to vector<16xi1>
      %ne3A_177 = arith.xori %lt3A_172, %ne3A_176 : vector<16xi1>
      %and3A_178 = arith.andi %ne3A_177, %ne3A_169 : vector<16xi1>
      %add3A_179 = vector.broadcast %select_n3A_164 : i32 to vector<16xi32>
      %add3A_180 = arith.addi %rem3A_166, %add3A_179 : vector<16xi32>
      %select_n3A_181 = arith.select %and3A_178, %add3A_180, %rem3A_166 : vector<16xi1>, vector<16xi32>
      %add3A_182 = arith.constant 10000 : i32
      %add3A_183 = vector.broadcast %add3A_182 : i32 to vector<16xi32>
      %add3A_184 = arith.addi %add3A_183, %select_n3A_181 : vector<16xi32>
      %select_n3A_185 = arith.select %ne3A_150, %get3A_145, %add3A_184 : vector<16xi1>, vector<16xi32>
      %swap3A_186 = arith.index_cast %scan3A_33 : i32 to index
      %swap3A_187 = arith.constant 32 : index
      %swap3A_188 = tpu.vector_load %arg5[%swap3A_186, %swap3A_187] {strides = array<i32>} : memref<80x128xi32, #tpu.memory_space<vmem>>, vector<1x16xi32>,
      %swap3A_189 = vector.shape_cast %swap3A_188 : vector<1x16xi32> to vector<16xi32>
      %swap3A_190 = vector.shape_cast %select_n3A_185 : vector<16xi32> to vector<1x16xi32>
      tpu.vector_store %arg5[%swap3A_186, %swap3A_187], %swap3A_190 {strides = array<i32>} : memref<80x128xi32, #tpu.memory_space<vmem>>, vector<1x16xi32>,
      %jit3A_191 = arith.constant 1.000000e+00 : f32
      %jit3A_192 = arith.constant 0.000000e+00 : f32
      %broadcast_in_dim3A_193 = vector.broadcast %jit3A_191 : f32 to vector<16xf32>
      %broadcast_in_dim3A_194 = vector.broadcast %jit3A_192 : f32 to vector<16xf32>
      %select_n3A_195 = arith.select %ne3A_150, %broadcast_in_dim3A_193, %broadcast_in_dim3A_194 : vector<16xi1>, vector<16xf32>
      %swap3A_196 = arith.index_cast %scan3A_33 : i32 to index
      %swap3A_197 = arith.constant 32 : index
      %swap3A_198 = tpu.vector_load %arg7[%swap3A_196, %swap3A_197] {strides = array<i32>} : memref<80x128xf32, #tpu.memory_space<vmem>>, vector<1x16xf32>,
      %swap3A_199 = vector.shape_cast %swap3A_198 : vector<1x16xf32> to vector<16xf32>
      %swap3A_200 = vector.shape_cast %select_n3A_195 : vector<16xf32> to vector<1x16xf32>
      tpu.vector_store %arg7[%swap3A_196, %swap3A_197], %swap3A_200 {strides = array<i32>} : memref<80x128xf32, #tpu.memory_space<vmem>>, vector<1x16xf32>,
      %get3A_201 = arith.index_cast %scan3A_33 : i32 to index
      %get3A_202 = arith.constant 48 : index
      %get3A_203 = tpu.vector_load %arg5[%get3A_201, %get3A_202] {strides = array<i32>} : memref<80x128xi32, #tpu.memory_space<vmem>>, vector<1x16xi32>,
      %get3A_204 = vector.shape_cast %get3A_203 : vector<1x16xi32> to vector<16xi32>
      %get3A_205 = arith.index_cast %scan3A_33 : i32 to index
      %get3A_206 = arith.constant 48 : index
      %get3A_207 = tpu.vector_load %arg6[%get3A_205, %get3A_206] {strides = array<i32>} : memref<80x128xi32, #tpu.memory_space<vmem>>, vector<1x16xi32>,
      %get3A_208 = vector.shape_cast %get3A_207 : vector<1x16xi32> to vector<16xi32>
      %ne3A_209 = arith.cmpi ne, %get3A_204, %get3A_208 : vector<16xi32>
      %mul3A_210 = arith.constant 80 : i32
      %mul3A_211 = arith.muli %add3A, %mul3A_210 : i32
      %add3A_212 = arith.addi %mul3A_211, %scan3A_33 : i32
      %mul3A_213 = arith.constant 128 : i32
      %mul3A_214 = arith.muli %add3A_212, %mul3A_213 : i32
      %add3A_215 = arith.constant 48 : i32
      %add3A_216 = arith.addi %mul3A_214, %add3A_215 : i32
      %add3A_217 = vector.broadcast %add3A_216 : i32 to vector<16xi32>
      %add3A_218 = arith.addi %add3A_217, %iota3A : vector<16xi32>
      %jit3A_219 = arith.constant 240 : i32
      %eq3A_220 = arith.constant 0 : i32
      %eq3A_221 = arith.cmpi eq, %jit3A_219, %eq3A_220 : i32
      %jit3A_222 = arith.constant 1 : i32
      %select_n3A_223 = arith.select %eq3A_221, %jit3A_222, %jit3A_219 : i32
      %rem3A_224 = vector.broadcast %select_n3A_223 : i32 to vector<16xi32>
      %rem3A_225 = arith.remsi %add3A_218, %rem3A_224 : vector<16xi32>
      %ne3A_226 = arith.constant 0 : i32
      %ne3A_227 = vector.broadcast %ne3A_226 : i32 to vector<16xi32>
      %ne3A_228 = arith.cmpi ne, %rem3A_225, %ne3A_227 : vector<16xi32>
      %lt3A_229 = arith.constant 0 : i32
      %lt3A_230 = vector.broadcast %lt3A_229 : i32 to vector<16xi32>
      %lt3A_231 = arith.cmpi slt, %rem3A_225, %lt3A_230 : vector<16xi32>
      %lt3A_232 = arith.constant 0 : i32
      %lt3A_233 = arith.cmpi slt, %select_n3A_223, %lt3A_232 : i32
      %ne3A_234 = vector.broadcast %lt3A_233 : i1 to vector<16xi1>
      %ne3A_235 = vector.broadcast %ne3A_234 : vector<16xi1> to vector<16xi1>
      %ne3A_236 = arith.xori %lt3A_231, %ne3A_235 : vector<16xi1>
      %and3A_237 = arith.andi %ne3A_236, %ne3A_228 : vector<16xi1>
      %add3A_238 = vector.broadcast %select_n3A_223 : i32 to vector<16xi32>
      %add3A_239 = arith.addi %rem3A_225, %add3A_238 : vector<16xi32>
      %select_n3A_240 = arith.select %and3A_237, %add3A_239, %rem3A_225 : vector<16xi1>, vector<16xi32>
      %add3A_241 = arith.constant 10000 : i32
      %add3A_242 = vector.broadcast %add3A_241 : i32 to vector<16xi32>
      %add3A_243 = arith.addi %add3A_242, %select_n3A_240 : vector<16xi32>
      %select_n3A_244 = arith.select %ne3A_209, %get3A_204, %add3A_243 : vector<16xi1>, vector<16xi32>
      %swap3A_245 = arith.index_cast %scan3A_33 : i32 to index
      %swap3A_246 = arith.constant 48 : index
      %swap3A_247 = tpu.vector_load %arg5[%swap3A_245, %swap3A_246] {strides = array<i32>} : memref<80x128xi32, #tpu.memory_space<vmem>>, vector<1x16xi32>,
      %swap3A_248 = vector.shape_cast %swap3A_247 : vector<1x16xi32> to vector<16xi32>
      %swap3A_249 = vector.shape_cast %select_n3A_244 : vector<16xi32> to vector<1x16xi32>
      tpu.vector_store %arg5[%swap3A_245, %swap3A_246], %swap3A_249 {strides = array<i32>} : memref<80x128xi32, #tpu.memory_space<vmem>>, vector<1x16xi32>,
      %jit3A_250 = arith.constant 1.000000e+00 : f32
      %jit3A_251 = arith.constant 0.000000e+00 : f32
      %broadcast_in_dim3A_252 = vector.broadcast %jit3A_250 : f32 to vector<16xf32>
      %broadcast_in_dim3A_253 = vector.broadcast %jit3A_251 : f32 to vector<16xf32>
      %select_n3A_254 = arith.select %ne3A_209, %broadcast_in_dim3A_252, %broadcast_in_dim3A_253 : vector<16xi1>, vector<16xf32>
      %swap3A_255 = arith.index_cast %scan3A_33 : i32 to index
      %swap3A_256 = arith.constant 48 : index
      %swap3A_257 = tpu.vector_load %arg7[%swap3A_255, %swap3A_256] {strides = array<i32>} : memref<80x128xf32, #tpu.memory_space<vmem>>, vector<1x16xf32>,
      %swap3A_258 = vector.shape_cast %swap3A_257 : vector<1x16xf32> to vector<16xf32>
      %swap3A_259 = vector.shape_cast %select_n3A_254 : vector<16xf32> to vector<1x16xf32>
      tpu.vector_store %arg7[%swap3A_255, %swap3A_256], %swap3A_259 {strides = array<i32>} : memref<80x128xf32, #tpu.memory_space<vmem>>, vector<1x16xf32>,
      %get3A_260 = arith.index_cast %scan3A_33 : i32 to index
      %get3A_261 = arith.constant 64 : index
      %get3A_262 = tpu.vector_load %arg5[%get3A_260, %get3A_261] {strides = array<i32>} : memref<80x128xi32, #tpu.memory_space<vmem>>, vector<1x16xi32>,
      %get3A_263 = vector.shape_cast %get3A_262 : vector<1x16xi32> to vector<16xi32>
      %get3A_264 = arith.index_cast %scan3A_33 : i32 to index
      %get3A_265 = arith.constant 64 : index
      %get3A_266 = tpu.vector_load %arg6[%get3A_264, %get3A_265] {strides = array<i32>} : memref<80x128xi32, #tpu.memory_space<vmem>>, vector<1x16xi32>,
      %get3A_267 = vector.shape_cast %get3A_266 : vector<1x16xi32> to vector<16xi32>
      %ne3A_268 = arith.cmpi ne, %get3A_263, %get3A_267 : vector<16xi32>
      %mul3A_269 = arith.constant 80 : i32
      %mul3A_270 = arith.muli %add3A, %mul3A_269 : i32
      %add3A_271 = arith.addi %mul3A_270, %scan3A_33 : i32
      %mul3A_272 = arith.constant 128 : i32
      %mul3A_273 = arith.muli %add3A_271, %mul3A_272 : i32
      %add3A_274 = arith.constant 64 : i32
      %add3A_275 = arith.addi %mul3A_273, %add3A_274 : i32
      %add3A_276 = vector.broadcast %add3A_275 : i32 to vector<16xi32>
      %add3A_277 = arith.addi %add3A_276, %iota3A : vector<16xi32>
      %jit3A_278 = arith.constant 240 : i32
      %eq3A_279 = arith.constant 0 : i32
      %eq3A_280 = arith.cmpi eq, %jit3A_278, %eq3A_279 : i32
      %jit3A_281 = arith.constant 1 : i32
      %select_n3A_282 = arith.select %eq3A_280, %jit3A_281, %jit3A_278 : i32
      %rem3A_283 = vector.broadcast %select_n3A_282 : i32 to vector<16xi32>
      %rem3A_284 = arith.remsi %add3A_277, %rem3A_283 : vector<16xi32>
      %ne3A_285 = arith.constant 0 : i32
      %ne3A_286 = vector.broadcast %ne3A_285 : i32 to vector<16xi32>
      %ne3A_287 = arith.cmpi ne, %rem3A_284, %ne3A_286 : vector<16xi32>
      %lt3A_288 = arith.constant 0 : i32
      %lt3A_289 = vector.broadcast %lt3A_288 : i32 to vector<16xi32>
      %lt3A_290 = arith.cmpi slt, %rem3A_284, %lt3A_289 : vector<16xi32>
      %lt3A_291 = arith.constant 0 : i32
      %lt3A_292 = arith.cmpi slt, %select_n3A_282, %lt3A_291 : i32
      %ne3A_293 = vector.broadcast %lt3A_292 : i1 to vector<16xi1>
      %ne3A_294 = vector.broadcast %ne3A_293 : vector<16xi1> to vector<16xi1>
      %ne3A_295 = arith.xori %lt3A_290, %ne3A_294 : vector<16xi1>
      %and3A_296 = arith.andi %ne3A_295, %ne3A_287 : vector<16xi1>
      %add3A_297 = vector.broadcast %select_n3A_282 : i32 to vector<16xi32>
      %add3A_298 = arith.addi %rem3A_284, %add3A_297 : vector<16xi32>
      %select_n3A_299 = arith.select %and3A_296, %add3A_298, %rem3A_284 : vector<16xi1>, vector<16xi32>
      %add3A_300 = arith.constant 10000 : i32
      %add3A_301 = vector.broadcast %add3A_300 : i32 to vector<16xi32>
      %add3A_302 = arith.addi %add3A_301, %select_n3A_299 : vector<16xi32>
      %select_n3A_303 = arith.select %ne3A_268, %get3A_263, %add3A_302 : vector<16xi1>, vector<16xi32>
      %swap3A_304 = arith.index_cast %scan3A_33 : i32 to index
      %swap3A_305 = arith.constant 64 : index
      %swap3A_306 = tpu.vector_load %arg5[%swap3A_304, %swap3A_305] {strides = array<i32>} : memref<80x128xi32, #tpu.memory_space<vmem>>, vector<1x16xi32>,
      %swap3A_307 = vector.shape_cast %swap3A_306 : vector<1x16xi32> to vector<16xi32>
      %swap3A_308 = vector.shape_cast %select_n3A_303 : vector<16xi32> to vector<1x16xi32>
      tpu.vector_store %arg5[%swap3A_304, %swap3A_305], %swap3A_308 {strides = array<i32>} : memref<80x128xi32, #tpu.memory_space<vmem>>, vector<1x16xi32>,
      %jit3A_309 = arith.constant 1.000000e+00 : f32
      %jit3A_310 = arith.constant 0.000000e+00 : f32
      %broadcast_in_dim3A_311 = vector.broadcast %jit3A_309 : f32 to vector<16xf32>
      %broadcast_in_dim3A_312 = vector.broadcast %jit3A_310 : f32 to vector<16xf32>
      %select_n3A_313 = arith.select %ne3A_268, %broadcast_in_dim3A_311, %broadcast_in_dim3A_312 : vector<16xi1>, vector<16xf32>
      %swap3A_314 = arith.index_cast %scan3A_33 : i32 to index
      %swap3A_315 = arith.constant 64 : index
      %swap3A_316 = tpu.vector_load %arg7[%swap3A_314, %swap3A_315] {strides = array<i32>} : memref<80x128xf32, #tpu.memory_space<vmem>>, vector<1x16xf32>,
      %swap3A_317 = vector.shape_cast %swap3A_316 : vector<1x16xf32> to vector<16xf32>
      %swap3A_318 = vector.shape_cast %select_n3A_313 : vector<16xf32> to vector<1x16xf32>
      tpu.vector_store %arg7[%swap3A_314, %swap3A_315], %swap3A_318 {strides = array<i32>} : memref<80x128xf32, #tpu.memory_space<vmem>>, vector<1x16xf32>,
      %get3A_319 = arith.index_cast %scan3A_33 : i32 to index
      %get3A_320 = arith.constant 80 : index
      %get3A_321 = tpu.vector_load %arg5[%get3A_319, %get3A_320] {strides = array<i32>} : memref<80x128xi32, #tpu.memory_space<vmem>>, vector<1x16xi32>,
      %get3A_322 = vector.shape_cast %get3A_321 : vector<1x16xi32> to vector<16xi32>
      %get3A_323 = arith.index_cast %scan3A_33 : i32 to index
      %get3A_324 = arith.constant 80 : index
      %get3A_325 = tpu.vector_load %arg6[%get3A_323, %get3A_324] {strides = array<i32>} : memref<80x128xi32, #tpu.memory_space<vmem>>, vector<1x16xi32>,
      %get3A_326 = vector.shape_cast %get3A_325 : vector<1x16xi32> to vector<16xi32>
      %ne3A_327 = arith.cmpi ne, %get3A_322, %get3A_326 : vector<16xi32>
      %mul3A_328 = arith.constant 80 : i32
      %mul3A_329 = arith.muli %add3A, %mul3A_328 : i32
      %add3A_330 = arith.addi %mul3A_329, %scan3A_33 : i32
      %mul3A_331 = arith.constant 128 : i32
      %mul3A_332 = arith.muli %add3A_330, %mul3A_331 : i32
      %add3A_333 = arith.constant 80 : i32
      %add3A_334 = arith.addi %mul3A_332, %add3A_333 : i32
      %add3A_335 = vector.broadcast %add3A_334 : i32 to vector<16xi32>
      %add3A_336 = arith.addi %add3A_335, %iota3A : vector<16xi32>
      %jit3A_337 = arith.constant 240 : i32
      %eq3A_338 = arith.constant 0 : i32
      %eq3A_339 = arith.cmpi eq, %jit3A_337, %eq3A_338 : i32
      %jit3A_340 = arith.constant 1 : i32
      %select_n3A_341 = arith.select %eq3A_339, %jit3A_340, %jit3A_337 : i32
      %rem3A_342 = vector.broadcast %select_n3A_341 : i32 to vector<16xi32>
      %rem3A_343 = arith.remsi %add3A_336, %rem3A_342 : vector<16xi32>
      %ne3A_344 = arith.constant 0 : i32
      %ne3A_345 = vector.broadcast %ne3A_344 : i32 to vector<16xi32>
      %ne3A_346 = arith.cmpi ne, %rem3A_343, %ne3A_345 : vector<16xi32>
      %lt3A_347 = arith.constant 0 : i32
      %lt3A_348 = vector.broadcast %lt3A_347 : i32 to vector<16xi32>
      %lt3A_349 = arith.cmpi slt, %rem3A_343, %lt3A_348 : vector<16xi32>
      %lt3A_350 = arith.constant 0 : i32
      %lt3A_351 = arith.cmpi slt, %select_n3A_341, %lt3A_350 : i32
      %ne3A_352 = vector.broadcast %lt3A_351 : i1 to vector<16xi1>
      %ne3A_353 = vector.broadcast %ne3A_352 : vector<16xi1> to vector<16xi1>
      %ne3A_354 = arith.xori %lt3A_349, %ne3A_353 : vector<16xi1>
      %and3A_355 = arith.andi %ne3A_354, %ne3A_346 : vector<16xi1>
      %add3A_356 = vector.broadcast %select_n3A_341 : i32 to vector<16xi32>
      %add3A_357 = arith.addi %rem3A_343, %add3A_356 : vector<16xi32>
      %select_n3A_358 = arith.select %and3A_355, %add3A_357, %rem3A_343 : vector<16xi1>, vector<16xi32>
      %add3A_359 = arith.constant 10000 : i32
      %add3A_360 = vector.broadcast %add3A_359 : i32 to vector<16xi32>
      %add3A_361 = arith.addi %add3A_360, %select_n3A_358 : vector<16xi32>
      %select_n3A_362 = arith.select %ne3A_327, %get3A_322, %add3A_361 : vector<16xi1>, vector<16xi32>
      %swap3A_363 = arith.index_cast %scan3A_33 : i32 to index
      %swap3A_364 = arith.constant 80 : index
      %swap3A_365 = tpu.vector_load %arg5[%swap3A_363, %swap3A_364] {strides = array<i32>} : memref<80x128xi32, #tpu.memory_space<vmem>>, vector<1x16xi32>,
      %swap3A_366 = vector.shape_cast %swap3A_365 : vector<1x16xi32> to vector<16xi32>
      %swap3A_367 = vector.shape_cast %select_n3A_362 : vector<16xi32> to vector<1x16xi32>
      tpu.vector_store %arg5[%swap3A_363, %swap3A_364], %swap3A_367 {strides = array<i32>} : memref<80x128xi32, #tpu.memory_space<vmem>>, vector<1x16xi32>,
      %jit3A_368 = arith.constant 1.000000e+00 : f32
      %jit3A_369 = arith.constant 0.000000e+00 : f32
      %broadcast_in_dim3A_370 = vector.broadcast %jit3A_368 : f32 to vector<16xf32>
      %broadcast_in_dim3A_371 = vector.broadcast %jit3A_369 : f32 to vector<16xf32>
      %select_n3A_372 = arith.select %ne3A_327, %broadcast_in_dim3A_370, %broadcast_in_dim3A_371 : vector<16xi1>, vector<16xf32>
      %swap3A_373 = arith.index_cast %scan3A_33 : i32 to index
      %swap3A_374 = arith.constant 80 : index
      %swap3A_375 = tpu.vector_load %arg7[%swap3A_373, %swap3A_374] {strides = array<i32>} : memref<80x128xf32, #tpu.memory_space<vmem>>, vector<1x16xf32>,
      %swap3A_376 = vector.shape_cast %swap3A_375 : vector<1x16xf32> to vector<16xf32>
      %swap3A_377 = vector.shape_cast %select_n3A_372 : vector<16xf32> to vector<1x16xf32>
      tpu.vector_store %arg7[%swap3A_373, %swap3A_374], %swap3A_377 {strides = array<i32>} : memref<80x128xf32, #tpu.memory_space<vmem>>, vector<1x16xf32>,
      %get3A_378 = arith.index_cast %scan3A_33 : i32 to index
      %get3A_379 = arith.constant 96 : index
      %get3A_380 = tpu.vector_load %arg5[%get3A_378, %get3A_379] {strides = array<i32>} : memref<80x128xi32, #tpu.memory_space<vmem>>, vector<1x16xi32>,
      %get3A_381 = vector.shape_cast %get3A_380 : vector<1x16xi32> to vector<16xi32>
      %get3A_382 = arith.index_cast %scan3A_33 : i32 to index
      %get3A_383 = arith.constant 96 : index
      %get3A_384 = tpu.vector_load %arg6[%get3A_382, %get3A_383] {strides = array<i32>} : memref<80x128xi32, #tpu.memory_space<vmem>>, vector<1x16xi32>,
      %get3A_385 = vector.shape_cast %get3A_384 : vector<1x16xi32> to vector<16xi32>
      %ne3A_386 = arith.cmpi ne, %get3A_381, %get3A_385 : vector<16xi32>
      %mul3A_387 = arith.constant 80 : i32
      %mul3A_388 = arith.muli %add3A, %mul3A_387 : i32
      %add3A_389 = arith.addi %mul3A_388, %scan3A_33 : i32
      %mul3A_390 = arith.constant 128 : i32
      %mul3A_391 = arith.muli %add3A_389, %mul3A_390 : i32
      %add3A_392 = arith.constant 96 : i32
      %add3A_393 = arith.addi %mul3A_391, %add3A_392 : i32
      %add3A_394 = vector.broadcast %add3A_393 : i32 to vector<16xi32>
      %add3A_395 = arith.addi %add3A_394, %iota3A : vector<16xi32>
      %jit3A_396 = arith.constant 240 : i32
      %eq3A_397 = arith.constant 0 : i32
      %eq3A_398 = arith.cmpi eq, %jit3A_396, %eq3A_397 : i32
      %jit3A_399 = arith.constant 1 : i32
      %select_n3A_400 = arith.select %eq3A_398, %jit3A_399, %jit3A_396 : i32
      %rem3A_401 = vector.broadcast %select_n3A_400 : i32 to vector<16xi32>
      %rem3A_402 = arith.remsi %add3A_395, %rem3A_401 : vector<16xi32>
      %ne3A_403 = arith.constant 0 : i32
      %ne3A_404 = vector.broadcast %ne3A_403 : i32 to vector<16xi32>
      %ne3A_405 = arith.cmpi ne, %rem3A_402, %ne3A_404 : vector<16xi32>
      %lt3A_406 = arith.constant 0 : i32
      %lt3A_407 = vector.broadcast %lt3A_406 : i32 to vector<16xi32>
      %lt3A_408 = arith.cmpi slt, %rem3A_402, %lt3A_407 : vector<16xi32>
      %lt3A_409 = arith.constant 0 : i32
      %lt3A_410 = arith.cmpi slt, %select_n3A_400, %lt3A_409 : i32
      %ne3A_411 = vector.broadcast %lt3A_410 : i1 to vector<16xi1>
      %ne3A_412 = vector.broadcast %ne3A_411 : vector<16xi1> to vector<16xi1>
      %ne3A_413 = arith.xori %lt3A_408, %ne3A_412 : vector<16xi1>
      %and3A_414 = arith.andi %ne3A_413, %ne3A_405 : vector<16xi1>
      %add3A_415 = vector.broadcast %select_n3A_400 : i32 to vector<16xi32>
      %add3A_416 = arith.addi %rem3A_402, %add3A_415 : vector<16xi32>
      %select_n3A_417 = arith.select %and3A_414, %add3A_416, %rem3A_402 : vector<16xi1>, vector<16xi32>
      %add3A_418 = arith.constant 10000 : i32
      %add3A_419 = vector.broadcast %add3A_418 : i32 to vector<16xi32>
      %add3A_420 = arith.addi %add3A_419, %select_n3A_417 : vector<16xi32>
      %select_n3A_421 = arith.select %ne3A_386, %get3A_381, %add3A_420 : vector<16xi1>, vector<16xi32>
      %swap3A_422 = arith.index_cast %scan3A_33 : i32 to index
      %swap3A_423 = arith.constant 96 : index
      %swap3A_424 = tpu.vector_load %arg5[%swap3A_422, %swap3A_423] {strides = array<i32>} : memref<80x128xi32, #tpu.memory_space<vmem>>, vector<1x16xi32>,
      %swap3A_425 = vector.shape_cast %swap3A_424 : vector<1x16xi32> to vector<16xi32>
      %swap3A_426 = vector.shape_cast %select_n3A_421 : vector<16xi32> to vector<1x16xi32>
      tpu.vector_store %arg5[%swap3A_422, %swap3A_423], %swap3A_426 {strides = array<i32>} : memref<80x128xi32, #tpu.memory_space<vmem>>, vector<1x16xi32>,
      %jit3A_427 = arith.constant 1.000000e+00 : f32
      %jit3A_428 = arith.constant 0.000000e+00 : f32
      %broadcast_in_dim3A_429 = vector.broadcast %jit3A_427 : f32 to vector<16xf32>
      %broadcast_in_dim3A_430 = vector.broadcast %jit3A_428 : f32 to vector<16xf32>
      %select_n3A_431 = arith.select %ne3A_386, %broadcast_in_dim3A_429, %broadcast_in_dim3A_430 : vector<16xi1>, vector<16xf32>
      %swap3A_432 = arith.index_cast %scan3A_33 : i32 to index
      %swap3A_433 = arith.constant 96 : index
      %swap3A_434 = tpu.vector_load %arg7[%swap3A_432, %swap3A_433] {strides = array<i32>} : memref<80x128xf32, #tpu.memory_space<vmem>>, vector<1x16xf32>,
      %swap3A_435 = vector.shape_cast %swap3A_434 : vector<1x16xf32> to vector<16xf32>
      %swap3A_436 = vector.shape_cast %select_n3A_431 : vector<16xf32> to vector<1x16xf32>
      tpu.vector_store %arg7[%swap3A_432, %swap3A_433], %swap3A_436 {strides = array<i32>} : memref<80x128xf32, #tpu.memory_space<vmem>>, vector<1x16xf32>,
      %get3A_437 = arith.index_cast %scan3A_33 : i32 to index
      %get3A_438 = arith.constant 112 : index
      %get3A_439 = tpu.vector_load %arg5[%get3A_437, %get3A_438] {strides = array<i32>} : memref<80x128xi32, #tpu.memory_space<vmem>>, vector<1x16xi32>,
      %get3A_440 = vector.shape_cast %get3A_439 : vector<1x16xi32> to vector<16xi32>
      %get3A_441 = arith.index_cast %scan3A_33 : i32 to index
      %get3A_442 = arith.constant 112 : index
      %get3A_443 = tpu.vector_load %arg6[%get3A_441, %get3A_442] {strides = array<i32>} : memref<80x128xi32, #tpu.memory_space<vmem>>, vector<1x16xi32>,
      %get3A_444 = vector.shape_cast %get3A_443 : vector<1x16xi32> to vector<16xi32>
      %ne3A_445 = arith.cmpi ne, %get3A_440, %get3A_444 : vector<16xi32>
      %mul3A_446 = arith.constant 80 : i32
      %mul3A_447 = arith.muli %add3A, %mul3A_446 : i32
      %add3A_448 = arith.addi %mul3A_447, %scan3A_33 : i32
      %mul3A_449 = arith.constant 128 : i32
      %mul3A_450 = arith.muli %add3A_448, %mul3A_449 : i32
      %add3A_451 = arith.constant 112 : i32
      %add3A_452 = arith.addi %mul3A_450, %add3A_451 : i32
      %add3A_453 = vector.broadcast %add3A_452 : i32 to vector<16xi32>
      %add3A_454 = arith.addi %add3A_453, %iota3A : vector<16xi32>
      %jit3A_455 = arith.constant 240 : i32
      %eq3A_456 = arith.constant 0 : i32
      %eq3A_457 = arith.cmpi eq, %jit3A_455, %eq3A_456 : i32
      %jit3A_458 = arith.constant 1 : i32
      %select_n3A_459 = arith.select %eq3A_457, %jit3A_458, %jit3A_455 : i32
      %rem3A_460 = vector.broadcast %select_n3A_459 : i32 to vector<16xi32>
      %rem3A_461 = arith.remsi %add3A_454, %rem3A_460 : vector<16xi32>
      %ne3A_462 = arith.constant 0 : i32
      %ne3A_463 = vector.broadcast %ne3A_462 : i32 to vector<16xi32>
      %ne3A_464 = arith.cmpi ne, %rem3A_461, %ne3A_463 : vector<16xi32>
      %lt3A_465 = arith.constant 0 : i32
      %lt3A_466 = vector.broadcast %lt3A_465 : i32 to vector<16xi32>
      %lt3A_467 = arith.cmpi slt, %rem3A_461, %lt3A_466 : vector<16xi32>
      %lt3A_468 = arith.constant 0 : i32
      %lt3A_469 = arith.cmpi slt, %select_n3A_459, %lt3A_468 : i32
      %ne3A_470 = vector.broadcast %lt3A_469 : i1 to vector<16xi1>
      %ne3A_471 = vector.broadcast %ne3A_470 : vector<16xi1> to vector<16xi1>
      %ne3A_472 = arith.xori %lt3A_467, %ne3A_471 : vector<16xi1>
      %and3A_473 = arith.andi %ne3A_472, %ne3A_464 : vector<16xi1>
      %add3A_474 = vector.broadcast %select_n3A_459 : i32 to vector<16xi32>
      %add3A_475 = arith.addi %rem3A_461, %add3A_474 : vector<16xi32>
      %select_n3A_476 = arith.select %and3A_473, %add3A_475, %rem3A_461 : vector<16xi1>, vector<16xi32>
      %add3A_477 = arith.constant 10000 : i32
      %add3A_478 = vector.broadcast %add3A_477 : i32 to vector<16xi32>
      %add3A_479 = arith.addi %add3A_478, %select_n3A_476 : vector<16xi32>
      %select_n3A_480 = arith.select %ne3A_445, %get3A_440, %add3A_479 : vector<16xi1>, vector<16xi32>
      %swap3A_481 = arith.index_cast %scan3A_33 : i32 to index
      %swap3A_482 = arith.constant 112 : index
      %swap3A_483 = tpu.vector_load %arg5[%swap3A_481, %swap3A_482] {strides = array<i32>} : memref<80x128xi32, #tpu.memory_space<vmem>>, vector<1x16xi32>,
      %swap3A_484 = vector.shape_cast %swap3A_483 : vector<1x16xi32> to vector<16xi32>
      %swap3A_485 = vector.shape_cast %select_n3A_480 : vector<16xi32> to vector<1x16xi32>
      tpu.vector_store %arg5[%swap3A_481, %swap3A_482], %swap3A_485 {strides = array<i32>} : memref<80x128xi32, #tpu.memory_space<vmem>>, vector<1x16xi32>,
      %jit3A_486 = arith.constant 1.000000e+00 : f32
      %jit3A_487 = arith.constant 0.000000e+00 : f32
      %broadcast_in_dim3A_488 = vector.broadcast %jit3A_486 : f32 to vector<16xf32>
      %broadcast_in_dim3A_489 = vector.broadcast %jit3A_487 : f32 to vector<16xf32>
      %select_n3A_490 = arith.select %ne3A_445, %broadcast_in_dim3A_488, %broadcast_in_dim3A_489 : vector<16xi1>, vector<16xf32>
      %swap3A_491 = arith.index_cast %scan3A_33 : i32 to index
      %swap3A_492 = arith.constant 112 : index
      %swap3A_493 = tpu.vector_load %arg7[%swap3A_491, %swap3A_492] {strides = array<i32>} : memref<80x128xf32, #tpu.memory_space<vmem>>, vector<1x16xf32>,
      %swap3A_494 = vector.shape_cast %swap3A_493 : vector<1x16xf32> to vector<16xf32>
      %swap3A_495 = vector.shape_cast %select_n3A_490 : vector<16xf32> to vector<1x16xf32>
      tpu.vector_store %arg7[%swap3A_491, %swap3A_492], %swap3A_495 {strides = array<i32>} : memref<80x128xf32, #tpu.memory_space<vmem>>, vector<1x16xf32>,
      %dma_start3A = arith.constant 0 : i32
      %dma_start3A_496 = tpu.memref_slice %arg7[%scan3A_33, %dma_start3A] : memref<80x128xf32, #tpu.memory_space<vmem>> -> memref<1x128xf32, #tpu.memory_space<vmem>>
      %dma_start3A_497 = tpu.memref_squeeze %dma_start3A_496 : memref<1x128xf32, #tpu.memory_space<vmem>> -> memref<128xf32, #tpu.memory_space<vmem>>
      %dma_start3A_498 = arith.constant 0 : i32
      %dma_start3A_499 = tpu.memref_slice %arg6[%scan3A_33, %dma_start3A_498] : memref<80x128xi32, #tpu.memory_space<vmem>> -> memref<1x128xi32, #tpu.memory_space<vmem>>
      %dma_start3A_500 = tpu.memref_squeeze %dma_start3A_499 : memref<1x128xi32, #tpu.memory_space<vmem>> -> memref<128xi32, #tpu.memory_space<vmem>>
      %dma_start3A_501 = arith.constant 0 : i32
      %dma_start3A_502 = tpu.memref_slice %arg9[%dma_start3A_501] : memref<10240xf32, #tpu.memory_space<vmem_shared>> -> memref<10240xf32, #tpu.memory_space<vmem_shared>>
      tpu.enqueue_indirect_dma source(%dma_start3A_497 : memref<128xf32, #tpu.memory_space<vmem>>) target(%dma_start3A_502 : memref<10240xf32, #tpu.memory_space<vmem_shared>>) offsets(%dma_start3A_500 : memref<128xi32, #tpu.memory_space<vmem>>) semaphore(%arg10 : memref<!tpu.dma_semaphore, #tpu.memory_space<semaphore_mem>>) {add = true}
    }
    %scan3A_18 = arith.constant 80 : i32
    %mul3A_19 = arith.constant 80 : i32
    %mul3A_20 = arith.muli %add3A, %mul3A_19 : i32
    "tpu.region"() ({
      %run_scoped3A_33 = tpu.sem_alloc : memref<!tpu.dma_semaphore, #tpu.memory_space<semaphore_mem>>
      %dma_start3A = arith.constant 0 : i32
      %dma_start3A_34 = tpu.memref_slice %arg4[%mul3A_20, %dma_start3A] : memref<2560x128xi32, #tpu.memory_space<hbm>> -> memref<80x128xi32, #tpu.memory_space<hbm>>
      %dma_start3A_35 = arith.constant 0 : i32
      %dma_start3A_36 = tpu.memref_slice %arg4[%mul3A_20, %dma_start3A_35] : memref<2560x128xi32, #tpu.memory_space<hbm>> -> memref<80x128xi32, #tpu.memory_space<hbm>>
      tpu.enqueue_dma source(%arg5 : memref<80x128xi32, #tpu.memory_space<vmem>>) target(%dma_start3A_36 : memref<80x128xi32, #tpu.memory_space<hbm>>) target_semaphore(%run_scoped3A_33 : memref<!tpu.dma_semaphore, #tpu.memory_space<semaphore_mem>>)
      %dma_wait3A = arith.constant 0 : i32
      %dma_wait3A_37 = tpu.memref_slice %arg4[%mul3A_20, %dma_wait3A] : memref<2560x128xi32, #tpu.memory_space<hbm>> -> memref<80x128xi32, #tpu.memory_space<hbm>>
      %dma_wait3A_38 = arith.constant 0 : i32
      %dma_wait3A_39 = tpu.memref_slice %arg4[%mul3A_20, %dma_wait3A_38] : memref<2560x128xi32, #tpu.memory_space<hbm>> -> memref<80x128xi32, #tpu.memory_space<hbm>>
      tpu.wait_dma2 semaphore(%run_scoped3A_33 : memref<!tpu.dma_semaphore, #tpu.memory_space<semaphore_mem>>) src(%arg5 : memref<80x128xi32, #tpu.memory_space<vmem>>) dst(%dma_wait3A_39 : memref<80x128xi32, #tpu.memory_space<hbm>>)
      tpu.yield
    }) : () -> ()
    %scan3A_21 = arith.constant 0 : i32
    %scan3A_22 = arith.constant 0 : i32
    %scan3A_23 = arith.constant 80 : i32
    %scan3A_24 = arith.addi %scan3A_22, %scan3A_23 : i32
    %scan3A_25 = arith.constant 1 : i32
    scf.for %scan3A_33 = %scan3A_22 to %scan3A_24 step %scan3A_25  : i32 {
      %dma_wait3A = arith.constant 0 : i32
      %dma_wait3A_34 = tpu.memref_slice %arg7[%scan3A_33, %dma_wait3A] : memref<80x128xf32, #tpu.memory_space<vmem>> -> memref<1x128xf32, #tpu.memory_space<vmem>>
      %dma_wait3A_35 = tpu.memref_squeeze %dma_wait3A_34 : memref<1x128xf32, #tpu.memory_space<vmem>> -> memref<128xf32, #tpu.memory_space<vmem>>
      %dma_wait3A_36 = arith.constant 0 : i32
      %dma_wait3A_37 = tpu.memref_slice %arg6[%scan3A_33, %dma_wait3A_36] : memref<80x128xi32, #tpu.memory_space<vmem>> -> memref<1x128xi32, #tpu.memory_space<vmem>>
      %dma_wait3A_38 = tpu.memref_squeeze %dma_wait3A_37 : memref<1x128xi32, #tpu.memory_space<vmem>> -> memref<128xi32, #tpu.memory_space<vmem>>
      %dma_wait3A_39 = arith.constant 0 : i32
      %dma_wait3A_40 = tpu.memref_slice %arg9[%dma_wait3A_39] : memref<10240xf32, #tpu.memory_space<vmem_shared>> -> memref<10240xf32, #tpu.memory_space<vmem_shared>>
      tpu.wait_indirect_dma semaphore(%arg10 : memref<!tpu.dma_semaphore, #tpu.memory_space<semaphore_mem>>) src(%dma_wait3A_35 : memref<128xf32, #tpu.memory_space<vmem>>) dst(%dma_wait3A_40 : memref<10240xf32, #tpu.memory_space<vmem_shared>>)
    }
    %scan3A_26 = arith.constant 80 : i32
    %barrier3A_27 = arith.constant 0 : index
    tpu.barrier barrier_id(%barrier3A_27)
    %mul3A_28 = arith.constant 640 : i32
    %mul3A_29 = arith.muli %arg1, %mul3A_28 : i32
    %mul3A_30 = arith.constant 640 : i32
    %mul3A_31 = arith.muli %arg1, %mul3A_30 : i32
    %run_scoped3A_32 = arith.constant 0 : i32
    "tpu.region"() ({
      %run_scoped3A_33 = tpu.sem_alloc : memref<!tpu.dma_semaphore, #tpu.memory_space<semaphore_mem>>
      %dma_start3A = tpu.memref_slice %arg3[%arg0, %run_scoped3A_32, %mul3A_31] : memref<2x1x10240xf32, #tpu.memory_space<hbm>> -> memref<1x1x640xf32, #tpu.memory_space<hbm>>
      %dma_start3A_34 = tpu.memref_squeeze %dma_start3A : memref<1x1x640xf32, #tpu.memory_space<hbm>> -> memref<640xf32, #tpu.memory_space<hbm>>
      %dma_start3A_35 = tpu.memref_slice %arg9[%mul3A_29] : memref<10240xf32, #tpu.memory_space<vmem_shared>> -> memref<640xf32, #tpu.memory_space<vmem_shared>>
      tpu.enqueue_dma source(%dma_start3A_35 : memref<640xf32, #tpu.memory_space<vmem_shared>>) target(%dma_start3A_34 : memref<640xf32, #tpu.memory_space<hbm>>) target_semaphore(%run_scoped3A_33 : memref<!tpu.dma_semaphore, #tpu.memory_space<semaphore_mem>>)
      %dma_wait3A = tpu.memref_slice %arg3[%arg0, %run_scoped3A_32, %mul3A_31] : memref<2x1x10240xf32, #tpu.memory_space<hbm>> -> memref<1x1x640xf32, #tpu.memory_space<hbm>>
      %dma_wait3A_36 = tpu.memref_squeeze %dma_wait3A : memref<1x1x640xf32, #tpu.memory_space<hbm>> -> memref<640xf32, #tpu.memory_space<hbm>>
      %dma_wait3A_37 = tpu.memref_slice %arg9[%mul3A_29] : memref<10240xf32, #tpu.memory_space<vmem_shared>> -> memref<640xf32, #tpu.memory_space<vmem_shared>>
      tpu.wait_dma2 semaphore(%run_scoped3A_33 : memref<!tpu.dma_semaphore, #tpu.memory_space<semaphore_mem>>) src(%dma_wait3A_37 : memref<640xf32, #tpu.memory_space<vmem_shared>>) dst(%dma_wait3A_36 : memref<640xf32, #tpu.memory_space<hbm>>)
      tpu.yield
    }) : () -> ()
    return
  }
}

#map = affine_map<(d0, d1) -> (0, 0)>
#map1 = affine_map<(d0, d1) -> (0, 0, 0)>
module attributes {stable_mosaic.version = 14 : i64} {
  func.func @_spmm_body(%arg0: i32, %arg1: i32, %arg2: memref<10240x64xf32, #tpu.memory_space<hbm>>, %arg3: memref<2560x128xi32, #tpu.memory_space<hbm>>, %arg4: memref<2x2560x128xi32, #tpu.memory_space<hbm>>, %arg5: memref<2x10240x64xf32, #tpu.memory_space<hbm>>, %arg6: memref<80x128xi32, #tpu.memory_space<vmem>>, %arg7: memref<80x128xi32, #tpu.memory_space<vmem>>, %arg8: memref<2x2x128x64xf32, #tpu.memory_space<vmem>>, %arg9: memref<10240x64xf32, #tpu.memory_space<vmem_shared>>, %arg10: memref<!tpu.dma_semaphore, #tpu.memory_space<semaphore_mem>>, %arg11: memref<!tpu.dma_semaphore, #tpu.memory_space<semaphore_mem>>) attributes {dimension_semantics = [#tpu.dimension_semantics<core_parallel>, #tpu.dimension_semantics<subcore_parallel>], iteration_bounds = array<i64: 2, 16>, scalar_prefetch = 0 : i64, scratch_operands = 6 : i64, tpu.core_type = #tpu.core_type<sc_vector_subcore>, window_params = [{transform_indices = #map}, {transform_indices = #map}, {transform_indices = #map1}, {transform_indices = #map1}]} {
    %mul3A = arith.constant 2 : i32
    %mul3A_0 = arith.muli %arg1, %mul3A : i32
    %add3A = arith.addi %mul3A_0, %arg0 : i32
    %mul3A_1 = arith.constant 640 : i32
    %mul3A_2 = arith.muli %arg1, %mul3A_1 : i32
    %scan3A = arith.constant 0 : i32
    %scan3A_3 = arith.constant 0 : i32
    %scan3A_4 = arith.constant 128 : i32
    %scan3A_5 = arith.addi %scan3A_3, %scan3A_4 : i32
    %scan3A_6 = arith.constant 1 : i32
    scf.for %scan3A_64 = %scan3A_3 to %scan3A_5 step %scan3A_6  : i32 {
      %broadcast_in_dim3A = arith.constant 0.000000e+00 : f32
      %broadcast_in_dim3A_65 = vector.broadcast %broadcast_in_dim3A : f32 to vector<16xf32>
      %swap3A = arith.constant 0 : i32
      %swap3A_66 = arith.constant 0 : i32
      %swap3A_67 = arith.index_cast %swap3A : i32 to index
      %swap3A_68 = arith.index_cast %swap3A_66 : i32 to index
      %swap3A_69 = arith.index_cast %scan3A_64 : i32 to index
      %swap3A_70 = arith.constant 0 : index
      %swap3A_71 = tpu.vector_load %arg8[%swap3A_67, %swap3A_68, %swap3A_69, %swap3A_70] {strides = array<i32>} : memref<2x2x128x64xf32, #tpu.memory_space<vmem>>, vector<1x1x1x16xf32>,
      %swap3A_72 = vector.shape_cast %swap3A_71 : vector<1x1x1x16xf32> to vector<16xf32>
      %swap3A_73 = vector.shape_cast %broadcast_in_dim3A_65 : vector<16xf32> to vector<1x1x1x16xf32>
      tpu.vector_store %arg8[%swap3A_67, %swap3A_68, %swap3A_69, %swap3A_70], %swap3A_73 {strides = array<i32>} : memref<2x2x128x64xf32, #tpu.memory_space<vmem>>, vector<1x1x1x16xf32>,
      %broadcast_in_dim3A_74 = arith.constant 0.000000e+00 : f32
      %broadcast_in_dim3A_75 = vector.broadcast %broadcast_in_dim3A_74 : f32 to vector<16xf32>
      %swap3A_76 = arith.constant 0 : i32
      %swap3A_77 = arith.constant 0 : i32
      %swap3A_78 = arith.index_cast %swap3A_76 : i32 to index
      %swap3A_79 = arith.index_cast %swap3A_77 : i32 to index
      %swap3A_80 = arith.index_cast %scan3A_64 : i32 to index
      %swap3A_81 = arith.constant 16 : index
      %swap3A_82 = tpu.vector_load %arg8[%swap3A_78, %swap3A_79, %swap3A_80, %swap3A_81] {strides = array<i32>} : memref<2x2x128x64xf32, #tpu.memory_space<vmem>>, vector<1x1x1x16xf32>,
      %swap3A_83 = vector.shape_cast %swap3A_82 : vector<1x1x1x16xf32> to vector<16xf32>
      %swap3A_84 = vector.shape_cast %broadcast_in_dim3A_75 : vector<16xf32> to vector<1x1x1x16xf32>
      tpu.vector_store %arg8[%swap3A_78, %swap3A_79, %swap3A_80, %swap3A_81], %swap3A_84 {strides = array<i32>} : memref<2x2x128x64xf32, #tpu.memory_space<vmem>>, vector<1x1x1x16xf32>,
      %broadcast_in_dim3A_85 = arith.constant 0.000000e+00 : f32
      %broadcast_in_dim3A_86 = vector.broadcast %broadcast_in_dim3A_85 : f32 to vector<16xf32>
      %swap3A_87 = arith.constant 0 : i32
      %swap3A_88 = arith.constant 0 : i32
      %swap3A_89 = arith.index_cast %swap3A_87 : i32 to index
      %swap3A_90 = arith.index_cast %swap3A_88 : i32 to index
      %swap3A_91 = arith.index_cast %scan3A_64 : i32 to index
      %swap3A_92 = arith.constant 32 : index
      %swap3A_93 = tpu.vector_load %arg8[%swap3A_89, %swap3A_90, %swap3A_91, %swap3A_92] {strides = array<i32>} : memref<2x2x128x64xf32, #tpu.memory_space<vmem>>, vector<1x1x1x16xf32>,
      %swap3A_94 = vector.shape_cast %swap3A_93 : vector<1x1x1x16xf32> to vector<16xf32>
      %swap3A_95 = vector.shape_cast %broadcast_in_dim3A_86 : vector<16xf32> to vector<1x1x1x16xf32>
      tpu.vector_store %arg8[%swap3A_89, %swap3A_90, %swap3A_91, %swap3A_92], %swap3A_95 {strides = array<i32>} : memref<2x2x128x64xf32, #tpu.memory_space<vmem>>, vector<1x1x1x16xf32>,
      %broadcast_in_dim3A_96 = arith.constant 0.000000e+00 : f32
      %broadcast_in_dim3A_97 = vector.broadcast %broadcast_in_dim3A_96 : f32 to vector<16xf32>
      %swap3A_98 = arith.constant 0 : i32
      %swap3A_99 = arith.constant 0 : i32
      %swap3A_100 = arith.index_cast %swap3A_98 : i32 to index
      %swap3A_101 = arith.index_cast %swap3A_99 : i32 to index
      %swap3A_102 = arith.index_cast %scan3A_64 : i32 to index
      %swap3A_103 = arith.constant 48 : index
      %swap3A_104 = tpu.vector_load %arg8[%swap3A_100, %swap3A_101, %swap3A_102, %swap3A_103] {strides = array<i32>} : memref<2x2x128x64xf32, #tpu.memory_space<vmem>>, vector<1x1x1x16xf32>,
      %swap3A_105 = vector.shape_cast %swap3A_104 : vector<1x1x1x16xf32> to vector<16xf32>
      %swap3A_106 = vector.shape_cast %broadcast_in_dim3A_97 : vector<16xf32> to vector<1x1x1x16xf32>
      tpu.vector_store %arg8[%swap3A_100, %swap3A_101, %swap3A_102, %swap3A_103], %swap3A_106 {strides = array<i32>} : memref<2x2x128x64xf32, #tpu.memory_space<vmem>>, vector<1x1x1x16xf32>,
    }
    %scan3A_7 = arith.constant 128 : i32
    %add3A_8 = arith.constant 0 : i32
    %add3A_9 = arith.addi %mul3A_2, %add3A_8 : i32
    %run_scoped3A = arith.constant 0 : i32
    %run_scoped3A_10 = arith.constant 0 : i32
    "tpu.region"() ({
      %run_scoped3A_64 = tpu.sem_alloc : memref<!tpu.dma_semaphore, #tpu.memory_space<semaphore_mem>>
      %dma_start3A_65 = arith.constant 0 : i32
      %dma_start3A_66 = arith.constant 0 : i32
      %dma_start3A_67 = tpu.memref_slice %arg8[%run_scoped3A, %run_scoped3A_10, %dma_start3A_65, %dma_start3A_66] : memref<2x2x128x64xf32, #tpu.memory_space<vmem>> -> memref<1x1x128x64xf32, #tpu.memory_space<vmem>>
      %dma_start3A_68 = tpu.memref_squeeze %dma_start3A_67 : memref<1x1x128x64xf32, #tpu.memory_space<vmem>> -> memref<128x64xf32, #tpu.memory_space<vmem>>
      %dma_start3A_69 = arith.constant 0 : i32
      %dma_start3A_70 = tpu.memref_slice %arg9[%add3A_9, %dma_start3A_69] : memref<10240x64xf32, #tpu.memory_space<vmem_shared>> -> memref<128x64xf32, #tpu.memory_space<vmem_shared>>
      %dma_start3A_71 = arith.constant 0 : i32
      %dma_start3A_72 = tpu.memref_slice %arg9[%add3A_9, %dma_start3A_71] : memref<10240x64xf32, #tpu.memory_space<vmem_shared>> -> memref<128x64xf32, #tpu.memory_space<vmem_shared>>
      %dma_start3A_73 = arith.constant 0 : i32
      %dma_start3A_74 = arith.constant 0 : i32
      %dma_start3A_75 = tpu.memref_slice %arg8[%run_scoped3A, %run_scoped3A_10, %dma_start3A_73, %dma_start3A_74] : memref<2x2x128x64xf32, #tpu.memory_space<vmem>> -> memref<1x1x128x64xf32, #tpu.memory_space<vmem>>
      %dma_start3A_76 = tpu.memref_squeeze %dma_start3A_75 : memref<1x1x128x64xf32, #tpu.memory_space<vmem>> -> memref<128x64xf32, #tpu.memory_space<vmem>>
      tpu.enqueue_dma source(%dma_start3A_76 : memref<128x64xf32, #tpu.memory_space<vmem>>) target(%dma_start3A_72 : memref<128x64xf32, #tpu.memory_space<vmem_shared>>) target_semaphore(%run_scoped3A_64 : memref<!tpu.dma_semaphore, #tpu.memory_space<semaphore_mem>>)
      %dma_wait3A = arith.constant 0 : i32
      %dma_wait3A_77 = arith.constant 0 : i32
      %dma_wait3A_78 = tpu.memref_slice %arg8[%run_scoped3A, %run_scoped3A_10, %dma_wait3A, %dma_wait3A_77] : memref<2x2x128x64xf32, #tpu.memory_space<vmem>> -> memref<1x1x128x64xf32, #tpu.memory_space<vmem>>
      %dma_wait3A_79 = tpu.memref_squeeze %dma_wait3A_78 : memref<1x1x128x64xf32, #tpu.memory_space<vmem>> -> memref<128x64xf32, #tpu.memory_space<vmem>>
      %dma_wait3A_80 = arith.constant 0 : i32
      %dma_wait3A_81 = tpu.memref_slice %arg9[%add3A_9, %dma_wait3A_80] : memref<10240x64xf32, #tpu.memory_space<vmem_shared>> -> memref<128x64xf32, #tpu.memory_space<vmem_shared>>
      %dma_wait3A_82 = arith.constant 0 : i32
      %dma_wait3A_83 = tpu.memref_slice %arg9[%add3A_9, %dma_wait3A_82] : memref<10240x64xf32, #tpu.memory_space<vmem_shared>> -> memref<128x64xf32, #tpu.memory_space<vmem_shared>>
      %dma_wait3A_84 = arith.constant 0 : i32
      %dma_wait3A_85 = arith.constant 0 : i32
      %dma_wait3A_86 = tpu.memref_slice %arg8[%run_scoped3A, %run_scoped3A_10, %dma_wait3A_84, %dma_wait3A_85] : memref<2x2x128x64xf32, #tpu.memory_space<vmem>> -> memref<1x1x128x64xf32, #tpu.memory_space<vmem>>
      %dma_wait3A_87 = tpu.memref_squeeze %dma_wait3A_86 : memref<1x1x128x64xf32, #tpu.memory_space<vmem>> -> memref<128x64xf32, #tpu.memory_space<vmem>>
      tpu.wait_dma2 semaphore(%run_scoped3A_64 : memref<!tpu.dma_semaphore, #tpu.memory_space<semaphore_mem>>) src(%dma_wait3A_87 : memref<128x64xf32, #tpu.memory_space<vmem>>) dst(%dma_wait3A_83 : memref<128x64xf32, #tpu.memory_space<vmem_shared>>)
      tpu.yield
    }) : () -> ()
    %add3A_11 = arith.constant 128 : i32
    %add3A_12 = arith.addi %mul3A_2, %add3A_11 : i32
    %run_scoped3A_13 = arith.constant 0 : i32
    %run_scoped3A_14 = arith.constant 0 : i32
    "tpu.region"() ({
      %run_scoped3A_64 = tpu.sem_alloc : memref<!tpu.dma_semaphore, #tpu.memory_space<semaphore_mem>>
      %dma_start3A_65 = arith.constant 0 : i32
      %dma_start3A_66 = arith.constant 0 : i32
      %dma_start3A_67 = tpu.memref_slice %arg8[%run_scoped3A_13, %run_scoped3A_14, %dma_start3A_65, %dma_start3A_66] : memref<2x2x128x64xf32, #tpu.memory_space<vmem>> -> memref<1x1x128x64xf32, #tpu.memory_space<vmem>>
      %dma_start3A_68 = tpu.memref_squeeze %dma_start3A_67 : memref<1x1x128x64xf32, #tpu.memory_space<vmem>> -> memref<128x64xf32, #tpu.memory_space<vmem>>
      %dma_start3A_69 = arith.constant 0 : i32
      %dma_start3A_70 = tpu.memref_slice %arg9[%add3A_12, %dma_start3A_69] : memref<10240x64xf32, #tpu.memory_space<vmem_shared>> -> memref<128x64xf32, #tpu.memory_space<vmem_shared>>
      %dma_start3A_71 = arith.constant 0 : i32
      %dma_start3A_72 = tpu.memref_slice %arg9[%add3A_12, %dma_start3A_71] : memref<10240x64xf32, #tpu.memory_space<vmem_shared>> -> memref<128x64xf32, #tpu.memory_space<vmem_shared>>
      %dma_start3A_73 = arith.constant 0 : i32
      %dma_start3A_74 = arith.constant 0 : i32
      %dma_start3A_75 = tpu.memref_slice %arg8[%run_scoped3A_13, %run_scoped3A_14, %dma_start3A_73, %dma_start3A_74] : memref<2x2x128x64xf32, #tpu.memory_space<vmem>> -> memref<1x1x128x64xf32, #tpu.memory_space<vmem>>
      %dma_start3A_76 = tpu.memref_squeeze %dma_start3A_75 : memref<1x1x128x64xf32, #tpu.memory_space<vmem>> -> memref<128x64xf32, #tpu.memory_space<vmem>>
      tpu.enqueue_dma source(%dma_start3A_76 : memref<128x64xf32, #tpu.memory_space<vmem>>) target(%dma_start3A_72 : memref<128x64xf32, #tpu.memory_space<vmem_shared>>) target_semaphore(%run_scoped3A_64 : memref<!tpu.dma_semaphore, #tpu.memory_space<semaphore_mem>>)
      %dma_wait3A = arith.constant 0 : i32
      %dma_wait3A_77 = arith.constant 0 : i32
      %dma_wait3A_78 = tpu.memref_slice %arg8[%run_scoped3A_13, %run_scoped3A_14, %dma_wait3A, %dma_wait3A_77] : memref<2x2x128x64xf32, #tpu.memory_space<vmem>> -> memref<1x1x128x64xf32, #tpu.memory_space<vmem>>
      %dma_wait3A_79 = tpu.memref_squeeze %dma_wait3A_78 : memref<1x1x128x64xf32, #tpu.memory_space<vmem>> -> memref<128x64xf32, #tpu.memory_space<vmem>>
      %dma_wait3A_80 = arith.constant 0 : i32
      %dma_wait3A_81 = tpu.memref_slice %arg9[%add3A_12, %dma_wait3A_80] : memref<10240x64xf32, #tpu.memory_space<vmem_shared>> -> memref<128x64xf32, #tpu.memory_space<vmem_shared>>
      %dma_wait3A_82 = arith.constant 0 : i32
      %dma_wait3A_83 = tpu.memref_slice %arg9[%add3A_12, %dma_wait3A_82] : memref<10240x64xf32, #tpu.memory_space<vmem_shared>> -> memref<128x64xf32, #tpu.memory_space<vmem_shared>>
      %dma_wait3A_84 = arith.constant 0 : i32
      %dma_wait3A_85 = arith.constant 0 : i32
      %dma_wait3A_86 = tpu.memref_slice %arg8[%run_scoped3A_13, %run_scoped3A_14, %dma_wait3A_84, %dma_wait3A_85] : memref<2x2x128x64xf32, #tpu.memory_space<vmem>> -> memref<1x1x128x64xf32, #tpu.memory_space<vmem>>
      %dma_wait3A_87 = tpu.memref_squeeze %dma_wait3A_86 : memref<1x1x128x64xf32, #tpu.memory_space<vmem>> -> memref<128x64xf32, #tpu.memory_space<vmem>>
      tpu.wait_dma2 semaphore(%run_scoped3A_64 : memref<!tpu.dma_semaphore, #tpu.memory_space<semaphore_mem>>) src(%dma_wait3A_87 : memref<128x64xf32, #tpu.memory_space<vmem>>) dst(%dma_wait3A_83 : memref<128x64xf32, #tpu.memory_space<vmem_shared>>)
      tpu.yield
    }) : () -> ()
    %add3A_15 = arith.constant 256 : i32
    %add3A_16 = arith.addi %mul3A_2, %add3A_15 : i32
    %run_scoped3A_17 = arith.constant 0 : i32
    %run_scoped3A_18 = arith.constant 0 : i32
    "tpu.region"() ({
      %run_scoped3A_64 = tpu.sem_alloc : memref<!tpu.dma_semaphore, #tpu.memory_space<semaphore_mem>>
      %dma_start3A_65 = arith.constant 0 : i32
      %dma_start3A_66 = arith.constant 0 : i32
      %dma_start3A_67 = tpu.memref_slice %arg8[%run_scoped3A_17, %run_scoped3A_18, %dma_start3A_65, %dma_start3A_66] : memref<2x2x128x64xf32, #tpu.memory_space<vmem>> -> memref<1x1x128x64xf32, #tpu.memory_space<vmem>>
      %dma_start3A_68 = tpu.memref_squeeze %dma_start3A_67 : memref<1x1x128x64xf32, #tpu.memory_space<vmem>> -> memref<128x64xf32, #tpu.memory_space<vmem>>
      %dma_start3A_69 = arith.constant 0 : i32
      %dma_start3A_70 = tpu.memref_slice %arg9[%add3A_16, %dma_start3A_69] : memref<10240x64xf32, #tpu.memory_space<vmem_shared>> -> memref<128x64xf32, #tpu.memory_space<vmem_shared>>
      %dma_start3A_71 = arith.constant 0 : i32
      %dma_start3A_72 = tpu.memref_slice %arg9[%add3A_16, %dma_start3A_71] : memref<10240x64xf32, #tpu.memory_space<vmem_shared>> -> memref<128x64xf32, #tpu.memory_space<vmem_shared>>
      %dma_start3A_73 = arith.constant 0 : i32
      %dma_start3A_74 = arith.constant 0 : i32
      %dma_start3A_75 = tpu.memref_slice %arg8[%run_scoped3A_17, %run_scoped3A_18, %dma_start3A_73, %dma_start3A_74] : memref<2x2x128x64xf32, #tpu.memory_space<vmem>> -> memref<1x1x128x64xf32, #tpu.memory_space<vmem>>
      %dma_start3A_76 = tpu.memref_squeeze %dma_start3A_75 : memref<1x1x128x64xf32, #tpu.memory_space<vmem>> -> memref<128x64xf32, #tpu.memory_space<vmem>>
      tpu.enqueue_dma source(%dma_start3A_76 : memref<128x64xf32, #tpu.memory_space<vmem>>) target(%dma_start3A_72 : memref<128x64xf32, #tpu.memory_space<vmem_shared>>) target_semaphore(%run_scoped3A_64 : memref<!tpu.dma_semaphore, #tpu.memory_space<semaphore_mem>>)
      %dma_wait3A = arith.constant 0 : i32
      %dma_wait3A_77 = arith.constant 0 : i32
      %dma_wait3A_78 = tpu.memref_slice %arg8[%run_scoped3A_17, %run_scoped3A_18, %dma_wait3A, %dma_wait3A_77] : memref<2x2x128x64xf32, #tpu.memory_space<vmem>> -> memref<1x1x128x64xf32, #tpu.memory_space<vmem>>
      %dma_wait3A_79 = tpu.memref_squeeze %dma_wait3A_78 : memref<1x1x128x64xf32, #tpu.memory_space<vmem>> -> memref<128x64xf32, #tpu.memory_space<vmem>>
      %dma_wait3A_80 = arith.constant 0 : i32
      %dma_wait3A_81 = tpu.memref_slice %arg9[%add3A_16, %dma_wait3A_80] : memref<10240x64xf32, #tpu.memory_space<vmem_shared>> -> memref<128x64xf32, #tpu.memory_space<vmem_shared>>
      %dma_wait3A_82 = arith.constant 0 : i32
      %dma_wait3A_83 = tpu.memref_slice %arg9[%add3A_16, %dma_wait3A_82] : memref<10240x64xf32, #tpu.memory_space<vmem_shared>> -> memref<128x64xf32, #tpu.memory_space<vmem_shared>>
      %dma_wait3A_84 = arith.constant 0 : i32
      %dma_wait3A_85 = arith.constant 0 : i32
      %dma_wait3A_86 = tpu.memref_slice %arg8[%run_scoped3A_17, %run_scoped3A_18, %dma_wait3A_84, %dma_wait3A_85] : memref<2x2x128x64xf32, #tpu.memory_space<vmem>> -> memref<1x1x128x64xf32, #tpu.memory_space<vmem>>
      %dma_wait3A_87 = tpu.memref_squeeze %dma_wait3A_86 : memref<1x1x128x64xf32, #tpu.memory_space<vmem>> -> memref<128x64xf32, #tpu.memory_space<vmem>>
      tpu.wait_dma2 semaphore(%run_scoped3A_64 : memref<!tpu.dma_semaphore, #tpu.memory_space<semaphore_mem>>) src(%dma_wait3A_87 : memref<128x64xf32, #tpu.memory_space<vmem>>) dst(%dma_wait3A_83 : memref<128x64xf32, #tpu.memory_space<vmem_shared>>)
      tpu.yield
    }) : () -> ()
    %add3A_19 = arith.constant 384 : i32
    %add3A_20 = arith.addi %mul3A_2, %add3A_19 : i32
    %run_scoped3A_21 = arith.constant 0 : i32
    %run_scoped3A_22 = arith.constant 0 : i32
    "tpu.region"() ({
      %run_scoped3A_64 = tpu.sem_alloc : memref<!tpu.dma_semaphore, #tpu.memory_space<semaphore_mem>>
      %dma_start3A_65 = arith.constant 0 : i32
      %dma_start3A_66 = arith.constant 0 : i32
      %dma_start3A_67 = tpu.memref_slice %arg8[%run_scoped3A_21, %run_scoped3A_22, %dma_start3A_65, %dma_start3A_66] : memref<2x2x128x64xf32, #tpu.memory_space<vmem>> -> memref<1x1x128x64xf32, #tpu.memory_space<vmem>>
      %dma_start3A_68 = tpu.memref_squeeze %dma_start3A_67 : memref<1x1x128x64xf32, #tpu.memory_space<vmem>> -> memref<128x64xf32, #tpu.memory_space<vmem>>
      %dma_start3A_69 = arith.constant 0 : i32
      %dma_start3A_70 = tpu.memref_slice %arg9[%add3A_20, %dma_start3A_69] : memref<10240x64xf32, #tpu.memory_space<vmem_shared>> -> memref<128x64xf32, #tpu.memory_space<vmem_shared>>
      %dma_start3A_71 = arith.constant 0 : i32
      %dma_start3A_72 = tpu.memref_slice %arg9[%add3A_20, %dma_start3A_71] : memref<10240x64xf32, #tpu.memory_space<vmem_shared>> -> memref<128x64xf32, #tpu.memory_space<vmem_shared>>
      %dma_start3A_73 = arith.constant 0 : i32
      %dma_start3A_74 = arith.constant 0 : i32
      %dma_start3A_75 = tpu.memref_slice %arg8[%run_scoped3A_21, %run_scoped3A_22, %dma_start3A_73, %dma_start3A_74] : memref<2x2x128x64xf32, #tpu.memory_space<vmem>> -> memref<1x1x128x64xf32, #tpu.memory_space<vmem>>
      %dma_start3A_76 = tpu.memref_squeeze %dma_start3A_75 : memref<1x1x128x64xf32, #tpu.memory_space<vmem>> -> memref<128x64xf32, #tpu.memory_space<vmem>>
      tpu.enqueue_dma source(%dma_start3A_76 : memref<128x64xf32, #tpu.memory_space<vmem>>) target(%dma_start3A_72 : memref<128x64xf32, #tpu.memory_space<vmem_shared>>) target_semaphore(%run_scoped3A_64 : memref<!tpu.dma_semaphore, #tpu.memory_space<semaphore_mem>>)
      %dma_wait3A = arith.constant 0 : i32
      %dma_wait3A_77 = arith.constant 0 : i32
      %dma_wait3A_78 = tpu.memref_slice %arg8[%run_scoped3A_21, %run_scoped3A_22, %dma_wait3A, %dma_wait3A_77] : memref<2x2x128x64xf32, #tpu.memory_space<vmem>> -> memref<1x1x128x64xf32, #tpu.memory_space<vmem>>
      %dma_wait3A_79 = tpu.memref_squeeze %dma_wait3A_78 : memref<1x1x128x64xf32, #tpu.memory_space<vmem>> -> memref<128x64xf32, #tpu.memory_space<vmem>>
      %dma_wait3A_80 = arith.constant 0 : i32
      %dma_wait3A_81 = tpu.memref_slice %arg9[%add3A_20, %dma_wait3A_80] : memref<10240x64xf32, #tpu.memory_space<vmem_shared>> -> memref<128x64xf32, #tpu.memory_space<vmem_shared>>
      %dma_wait3A_82 = arith.constant 0 : i32
      %dma_wait3A_83 = tpu.memref_slice %arg9[%add3A_20, %dma_wait3A_82] : memref<10240x64xf32, #tpu.memory_space<vmem_shared>> -> memref<128x64xf32, #tpu.memory_space<vmem_shared>>
      %dma_wait3A_84 = arith.constant 0 : i32
      %dma_wait3A_85 = arith.constant 0 : i32
      %dma_wait3A_86 = tpu.memref_slice %arg8[%run_scoped3A_21, %run_scoped3A_22, %dma_wait3A_84, %dma_wait3A_85] : memref<2x2x128x64xf32, #tpu.memory_space<vmem>> -> memref<1x1x128x64xf32, #tpu.memory_space<vmem>>
      %dma_wait3A_87 = tpu.memref_squeeze %dma_wait3A_86 : memref<1x1x128x64xf32, #tpu.memory_space<vmem>> -> memref<128x64xf32, #tpu.memory_space<vmem>>
      tpu.wait_dma2 semaphore(%run_scoped3A_64 : memref<!tpu.dma_semaphore, #tpu.memory_space<semaphore_mem>>) src(%dma_wait3A_87 : memref<128x64xf32, #tpu.memory_space<vmem>>) dst(%dma_wait3A_83 : memref<128x64xf32, #tpu.memory_space<vmem_shared>>)
      tpu.yield
    }) : () -> ()
    %add3A_23 = arith.constant 512 : i32
    %add3A_24 = arith.addi %mul3A_2, %add3A_23 : i32
    %run_scoped3A_25 = arith.constant 0 : i32
    %run_scoped3A_26 = arith.constant 0 : i32
    "tpu.region"() ({
      %run_scoped3A_64 = tpu.sem_alloc : memref<!tpu.dma_semaphore, #tpu.memory_space<semaphore_mem>>
      %dma_start3A_65 = arith.constant 0 : i32
      %dma_start3A_66 = arith.constant 0 : i32
      %dma_start3A_67 = tpu.memref_slice %arg8[%run_scoped3A_25, %run_scoped3A_26, %dma_start3A_65, %dma_start3A_66] : memref<2x2x128x64xf32, #tpu.memory_space<vmem>> -> memref<1x1x128x64xf32, #tpu.memory_space<vmem>>
      %dma_start3A_68 = tpu.memref_squeeze %dma_start3A_67 : memref<1x1x128x64xf32, #tpu.memory_space<vmem>> -> memref<128x64xf32, #tpu.memory_space<vmem>>
      %dma_start3A_69 = arith.constant 0 : i32
      %dma_start3A_70 = tpu.memref_slice %arg9[%add3A_24, %dma_start3A_69] : memref<10240x64xf32, #tpu.memory_space<vmem_shared>> -> memref<128x64xf32, #tpu.memory_space<vmem_shared>>
      %dma_start3A_71 = arith.constant 0 : i32
      %dma_start3A_72 = tpu.memref_slice %arg9[%add3A_24, %dma_start3A_71] : memref<10240x64xf32, #tpu.memory_space<vmem_shared>> -> memref<128x64xf32, #tpu.memory_space<vmem_shared>>
      %dma_start3A_73 = arith.constant 0 : i32
      %dma_start3A_74 = arith.constant 0 : i32
      %dma_start3A_75 = tpu.memref_slice %arg8[%run_scoped3A_25, %run_scoped3A_26, %dma_start3A_73, %dma_start3A_74] : memref<2x2x128x64xf32, #tpu.memory_space<vmem>> -> memref<1x1x128x64xf32, #tpu.memory_space<vmem>>
      %dma_start3A_76 = tpu.memref_squeeze %dma_start3A_75 : memref<1x1x128x64xf32, #tpu.memory_space<vmem>> -> memref<128x64xf32, #tpu.memory_space<vmem>>
      tpu.enqueue_dma source(%dma_start3A_76 : memref<128x64xf32, #tpu.memory_space<vmem>>) target(%dma_start3A_72 : memref<128x64xf32, #tpu.memory_space<vmem_shared>>) target_semaphore(%run_scoped3A_64 : memref<!tpu.dma_semaphore, #tpu.memory_space<semaphore_mem>>)
      %dma_wait3A = arith.constant 0 : i32
      %dma_wait3A_77 = arith.constant 0 : i32
      %dma_wait3A_78 = tpu.memref_slice %arg8[%run_scoped3A_25, %run_scoped3A_26, %dma_wait3A, %dma_wait3A_77] : memref<2x2x128x64xf32, #tpu.memory_space<vmem>> -> memref<1x1x128x64xf32, #tpu.memory_space<vmem>>
      %dma_wait3A_79 = tpu.memref_squeeze %dma_wait3A_78 : memref<1x1x128x64xf32, #tpu.memory_space<vmem>> -> memref<128x64xf32, #tpu.memory_space<vmem>>
      %dma_wait3A_80 = arith.constant 0 : i32
      %dma_wait3A_81 = tpu.memref_slice %arg9[%add3A_24, %dma_wait3A_80] : memref<10240x64xf32, #tpu.memory_space<vmem_shared>> -> memref<128x64xf32, #tpu.memory_space<vmem_shared>>
      %dma_wait3A_82 = arith.constant 0 : i32
      %dma_wait3A_83 = tpu.memref_slice %arg9[%add3A_24, %dma_wait3A_82] : memref<10240x64xf32, #tpu.memory_space<vmem_shared>> -> memref<128x64xf32, #tpu.memory_space<vmem_shared>>
      %dma_wait3A_84 = arith.constant 0 : i32
      %dma_wait3A_85 = arith.constant 0 : i32
      %dma_wait3A_86 = tpu.memref_slice %arg8[%run_scoped3A_25, %run_scoped3A_26, %dma_wait3A_84, %dma_wait3A_85] : memref<2x2x128x64xf32, #tpu.memory_space<vmem>> -> memref<1x1x128x64xf32, #tpu.memory_space<vmem>>
      %dma_wait3A_87 = tpu.memref_squeeze %dma_wait3A_86 : memref<1x1x128x64xf32, #tpu.memory_space<vmem>> -> memref<128x64xf32, #tpu.memory_space<vmem>>
      tpu.wait_dma2 semaphore(%run_scoped3A_64 : memref<!tpu.dma_semaphore, #tpu.memory_space<semaphore_mem>>) src(%dma_wait3A_87 : memref<128x64xf32, #tpu.memory_space<vmem>>) dst(%dma_wait3A_83 : memref<128x64xf32, #tpu.memory_space<vmem_shared>>)
      tpu.yield
    }) : () -> ()
    %mul3A_27 = arith.constant 80 : i32
    %mul3A_28 = arith.muli %add3A, %mul3A_27 : i32
    "tpu.region"() ({
      %run_scoped3A_64 = tpu.sem_alloc : memref<!tpu.dma_semaphore, #tpu.memory_space<semaphore_mem>>
      %dma_start3A_65 = arith.constant 0 : i32
      %dma_start3A_66 = tpu.memref_slice %arg3[%mul3A_28, %dma_start3A_65] : memref<2560x128xi32, #tpu.memory_space<hbm>> -> memref<80x128xi32, #tpu.memory_space<hbm>>
      %dma_start3A_67 = arith.constant 0 : i32
      %dma_start3A_68 = tpu.memref_slice %arg3[%mul3A_28, %dma_start3A_67] : memref<2560x128xi32, #tpu.memory_space<hbm>> -> memref<80x128xi32, #tpu.memory_space<hbm>>
      tpu.enqueue_dma source(%dma_start3A_68 : memref<80x128xi32, #tpu.memory_space<hbm>>) target(%arg6 : memref<80x128xi32, #tpu.memory_space<vmem>>) target_semaphore(%run_scoped3A_64 : memref<!tpu.dma_semaphore, #tpu.memory_space<semaphore_mem>>)
      %dma_wait3A = arith.constant 0 : i32
      %dma_wait3A_69 = tpu.memref_slice %arg3[%mul3A_28, %dma_wait3A] : memref<2560x128xi32, #tpu.memory_space<hbm>> -> memref<80x128xi32, #tpu.memory_space<hbm>>
      %dma_wait3A_70 = arith.constant 0 : i32
      %dma_wait3A_71 = tpu.memref_slice %arg3[%mul3A_28, %dma_wait3A_70] : memref<2560x128xi32, #tpu.memory_space<hbm>> -> memref<80x128xi32, #tpu.memory_space<hbm>>
      tpu.wait_dma2 semaphore(%run_scoped3A_64 : memref<!tpu.dma_semaphore, #tpu.memory_space<semaphore_mem>>) src(%dma_wait3A_71 : memref<80x128xi32, #tpu.memory_space<hbm>>) dst(%arg6 : memref<80x128xi32, #tpu.memory_space<vmem>>)
      tpu.yield
    }) : () -> ()
    %mul3A_29 = arith.constant 80 : i32
    %mul3A_30 = arith.muli %add3A, %mul3A_29 : i32
    %run_scoped3A_31 = arith.constant 1 : i32
    "tpu.region"() ({
      %run_scoped3A_64 = tpu.sem_alloc : memref<!tpu.dma_semaphore, #tpu.memory_space<semaphore_mem>>
      %dma_start3A_65 = arith.constant 0 : i32
      %dma_start3A_66 = tpu.memref_slice %arg4[%run_scoped3A_31, %mul3A_30, %dma_start3A_65] : memref<2x2560x128xi32, #tpu.memory_space<hbm>> -> memref<1x80x128xi32, #tpu.memory_space<hbm>>
      %dma_start3A_67 = tpu.memref_squeeze %dma_start3A_66 : memref<1x80x128xi32, #tpu.memory_space<hbm>> -> memref<80x128xi32, #tpu.memory_space<hbm>>
      %dma_start3A_68 = arith.constant 0 : i32
      %dma_start3A_69 = tpu.memref_slice %arg4[%run_scoped3A_31, %mul3A_30, %dma_start3A_68] : memref<2x2560x128xi32, #tpu.memory_space<hbm>> -> memref<1x80x128xi32, #tpu.memory_space<hbm>>
      %dma_start3A_70 = tpu.memref_squeeze %dma_start3A_69 : memref<1x80x128xi32, #tpu.memory_space<hbm>> -> memref<80x128xi32, #tpu.memory_space<hbm>>
      tpu.enqueue_dma source(%dma_start3A_70 : memref<80x128xi32, #tpu.memory_space<hbm>>) target(%arg7 : memref<80x128xi32, #tpu.memory_space<vmem>>) target_semaphore(%run_scoped3A_64 : memref<!tpu.dma_semaphore, #tpu.memory_space<semaphore_mem>>)
      %dma_wait3A = arith.constant 0 : i32
      %dma_wait3A_71 = tpu.memref_slice %arg4[%run_scoped3A_31, %mul3A_30, %dma_wait3A] : memref<2x2560x128xi32, #tpu.memory_space<hbm>> -> memref<1x80x128xi32, #tpu.memory_space<hbm>>
      %dma_wait3A_72 = tpu.memref_squeeze %dma_wait3A_71 : memref<1x80x128xi32, #tpu.memory_space<hbm>> -> memref<80x128xi32, #tpu.memory_space<hbm>>
      %dma_wait3A_73 = arith.constant 0 : i32
      %dma_wait3A_74 = tpu.memref_slice %arg4[%run_scoped3A_31, %mul3A_30, %dma_wait3A_73] : memref<2x2560x128xi32, #tpu.memory_space<hbm>> -> memref<1x80x128xi32, #tpu.memory_space<hbm>>
      %dma_wait3A_75 = tpu.memref_squeeze %dma_wait3A_74 : memref<1x80x128xi32, #tpu.memory_space<hbm>> -> memref<80x128xi32, #tpu.memory_space<hbm>>
      tpu.wait_dma2 semaphore(%run_scoped3A_64 : memref<!tpu.dma_semaphore, #tpu.memory_space<semaphore_mem>>) src(%dma_wait3A_75 : memref<80x128xi32, #tpu.memory_space<hbm>>) dst(%arg7 : memref<80x128xi32, #tpu.memory_space<vmem>>)
      tpu.yield
    }) : () -> ()
    %barrier3A = arith.constant 0 : index
    tpu.barrier barrier_id(%barrier3A)
    %dma_start3A = arith.constant 0 : i32
    %dma_start3A_32 = arith.constant 0 : i32
    %dma_start3A_33 = arith.constant 0 : i32
    %dma_start3A_34 = arith.constant 0 : i32
    %dma_start3A_35 = arith.constant 0 : i32
    %dma_start3A_36 = tpu.memref_slice %arg8[%dma_start3A_32, %dma_start3A_33, %dma_start3A_34, %dma_start3A_35] : memref<2x2x128x64xf32, #tpu.memory_space<vmem>> -> memref<1x1x128x64xf32, #tpu.memory_space<vmem>>
    %dma_start3A_37 = tpu.memref_squeeze %dma_start3A_36 : memref<1x1x128x64xf32, #tpu.memory_space<vmem>> -> memref<128x64xf32, #tpu.memory_space<vmem>>
    %dma_start3A_38 = arith.constant 0 : i32
    %dma_start3A_39 = tpu.memref_slice %arg6[%dma_start3A, %dma_start3A_38] : memref<80x128xi32, #tpu.memory_space<vmem>> -> memref<1x128xi32, #tpu.memory_space<vmem>>
    %dma_start3A_40 = tpu.memref_squeeze %dma_start3A_39 : memref<1x128xi32, #tpu.memory_space<vmem>> -> memref<128xi32, #tpu.memory_space<vmem>>
    %dma_start3A_41 = arith.constant 0 : i32
    %dma_start3A_42 = arith.constant 0 : i32
    %dma_start3A_43 = tpu.memref_slice %arg2[%dma_start3A_41, %dma_start3A_42] : memref<10240x64xf32, #tpu.memory_space<hbm>> -> memref<10240x64xf32, #tpu.memory_space<hbm>>
    tpu.enqueue_indirect_dma source(%dma_start3A_43 : memref<10240x64xf32, #tpu.memory_space<hbm>>) target(%dma_start3A_37 : memref<128x64xf32, #tpu.memory_space<vmem>>) offsets(%dma_start3A_40 : memref<128xi32, #tpu.memory_space<vmem>>) semaphore(%arg10 : memref<!tpu.dma_semaphore, #tpu.memory_space<semaphore_mem>>)
    %dma_start3A_44 = arith.constant 1 : i32
    %dma_start3A_45 = arith.constant 0 : i32
    %dma_start3A_46 = arith.constant 1 : i32
    %dma_start3A_47 = arith.constant 0 : i32
    %dma_start3A_48 = arith.constant 0 : i32
    %dma_start3A_49 = tpu.memref_slice %arg8[%dma_start3A_45, %dma_start3A_46, %dma_start3A_47, %dma_start3A_48] : memref<2x2x128x64xf32, #tpu.memory_space<vmem>> -> memref<1x1x128x64xf32, #tpu.memory_space<vmem>>
    %dma_start3A_50 = tpu.memref_squeeze %dma_start3A_49 : memref<1x1x128x64xf32, #tpu.memory_space<vmem>> -> memref<128x64xf32, #tpu.memory_space<vmem>>
    %dma_start3A_51 = arith.constant 0 : i32
    %dma_start3A_52 = tpu.memref_slice %arg6[%dma_start3A_44, %dma_start3A_51] : memref<80x128xi32, #tpu.memory_space<vmem>> -> memref<1x128xi32, #tpu.memory_space<vmem>>
    %dma_start3A_53 = tpu.memref_squeeze %dma_start3A_52 : memref<1x128xi32, #tpu.memory_space<vmem>> -> memref<128xi32, #tpu.memory_space<vmem>>
    %dma_start3A_54 = arith.constant 0 : i32
    %dma_start3A_55 = arith.constant 0 : i32
    %dma_start3A_56 = tpu.memref_slice %arg2[%dma_start3A_54, %dma_start3A_55] : memref<10240x64xf32, #tpu.memory_space<hbm>> -> memref<10240x64xf32, #tpu.memory_space<hbm>>
    tpu.enqueue_indirect_dma source(%dma_start3A_56 : memref<10240x64xf32, #tpu.memory_space<hbm>>) target(%dma_start3A_50 : memref<128x64xf32, #tpu.memory_space<vmem>>) offsets(%dma_start3A_53 : memref<128xi32, #tpu.memory_space<vmem>>) semaphore(%arg10 : memref<!tpu.dma_semaphore, #tpu.memory_space<semaphore_mem>>)
    %scan3A_57 = arith.constant 0 : i32
    %scan3A_58 = arith.constant 0 : i32
    %scan3A_59 = arith.constant 20 : i32
    %scan3A_60 = arith.addi %scan3A_58, %scan3A_59 : i32
    %scan3A_61 = arith.constant 1 : i32
    scf.for %scan3A_64 = %scan3A_58 to %scan3A_60 step %scan3A_61  : i32 {
      %mul3A_65 = arith.constant 2 : i32
      %mul3A_66 = arith.muli %mul3A_65, %scan3A_64 : i32
      %add3A_67 = arith.constant 1 : i32
      %add3A_68 = arith.addi %mul3A_66, %add3A_67 : i32
      %mul3A_69 = arith.constant 2 : i32
      %mul3A_70 = arith.muli %add3A_68, %mul3A_69 : i32
      %add3A_71 = arith.constant 0 : i32
      %add3A_72 = arith.addi %mul3A_70, %add3A_71 : i32
      %dma_start3A_73 = arith.constant 1 : i32
      %dma_start3A_74 = arith.constant 0 : i32
      %dma_start3A_75 = arith.constant 0 : i32
      %dma_start3A_76 = arith.constant 0 : i32
      %dma_start3A_77 = tpu.memref_slice %arg8[%dma_start3A_73, %dma_start3A_74, %dma_start3A_75, %dma_start3A_76] : memref<2x2x128x64xf32, #tpu.memory_space<vmem>> -> memref<1x1x128x64xf32, #tpu.memory_space<vmem>>
      %dma_start3A_78 = tpu.memref_squeeze %dma_start3A_77 : memref<1x1x128x64xf32, #tpu.memory_space<vmem>> -> memref<128x64xf32, #tpu.memory_space<vmem>>
      %dma_start3A_79 = arith.constant 0 : i32
      %dma_start3A_80 = tpu.memref_slice %arg6[%add3A_72, %dma_start3A_79] : memref<80x128xi32, #tpu.memory_space<vmem>> -> memref<1x128xi32, #tpu.memory_space<vmem>>
      %dma_start3A_81 = tpu.memref_squeeze %dma_start3A_80 : memref<1x128xi32, #tpu.memory_space<vmem>> -> memref<128xi32, #tpu.memory_space<vmem>>
      %dma_start3A_82 = arith.constant 0 : i32
      %dma_start3A_83 = arith.constant 0 : i32
      %dma_start3A_84 = tpu.memref_slice %arg2[%dma_start3A_82, %dma_start3A_83] : memref<10240x64xf32, #tpu.memory_space<hbm>> -> memref<10240x64xf32, #tpu.memory_space<hbm>>
      tpu.enqueue_indirect_dma source(%dma_start3A_84 : memref<10240x64xf32, #tpu.memory_space<hbm>>) target(%dma_start3A_78 : memref<128x64xf32, #tpu.memory_space<vmem>>) offsets(%dma_start3A_81 : memref<128xi32, #tpu.memory_space<vmem>>) semaphore(%arg10 : memref<!tpu.dma_semaphore, #tpu.memory_space<semaphore_mem>>)
      %mul3A_85 = arith.constant 2 : i32
      %mul3A_86 = arith.muli %add3A_68, %mul3A_85 : i32
      %add3A_87 = arith.constant 1 : i32
      %add3A_88 = arith.addi %mul3A_86, %add3A_87 : i32
      %dma_start3A_89 = arith.constant 1 : i32
      %dma_start3A_90 = arith.constant 1 : i32
      %dma_start3A_91 = arith.constant 0 : i32
      %dma_start3A_92 = arith.constant 0 : i32
      %dma_start3A_93 = tpu.memref_slice %arg8[%dma_start3A_89, %dma_start3A_90, %dma_start3A_91, %dma_start3A_92] : memref<2x2x128x64xf32, #tpu.memory_space<vmem>> -> memref<1x1x128x64xf32, #tpu.memory_space<vmem>>
      %dma_start3A_94 = tpu.memref_squeeze %dma_start3A_93 : memref<1x1x128x64xf32, #tpu.memory_space<vmem>> -> memref<128x64xf32, #tpu.memory_space<vmem>>
      %dma_start3A_95 = arith.constant 0 : i32
      %dma_start3A_96 = tpu.memref_slice %arg6[%add3A_88, %dma_start3A_95] : memref<80x128xi32, #tpu.memory_space<vmem>> -> memref<1x128xi32, #tpu.memory_space<vmem>>
      %dma_start3A_97 = tpu.memref_squeeze %dma_start3A_96 : memref<1x128xi32, #tpu.memory_space<vmem>> -> memref<128xi32, #tpu.memory_space<vmem>>
      %dma_start3A_98 = arith.constant 0 : i32
      %dma_start3A_99 = arith.constant 0 : i32
      %dma_start3A_100 = tpu.memref_slice %arg2[%dma_start3A_98, %dma_start3A_99] : memref<10240x64xf32, #tpu.memory_space<hbm>> -> memref<10240x64xf32, #tpu.memory_space<hbm>>
      tpu.enqueue_indirect_dma source(%dma_start3A_100 : memref<10240x64xf32, #tpu.memory_space<hbm>>) target(%dma_start3A_94 : memref<128x64xf32, #tpu.memory_space<vmem>>) offsets(%dma_start3A_97 : memref<128xi32, #tpu.memory_space<vmem>>) semaphore(%arg10 : memref<!tpu.dma_semaphore, #tpu.memory_space<semaphore_mem>>)
      %mul3A_101 = arith.constant 2 : i32
      %mul3A_102 = arith.muli %mul3A_66, %mul3A_101 : i32
      %add3A_103 = arith.constant 0 : i32
      %add3A_104 = arith.addi %mul3A_102, %add3A_103 : i32
      %dma_wait3A = arith.constant 0 : i32
      %dma_wait3A_105 = arith.constant 0 : i32
      %dma_wait3A_106 = arith.constant 0 : i32
      %dma_wait3A_107 = arith.constant 0 : i32
      %dma_wait3A_108 = tpu.memref_slice %arg8[%dma_wait3A, %dma_wait3A_105, %dma_wait3A_106, %dma_wait3A_107] : memref<2x2x128x64xf32, #tpu.memory_space<vmem>> -> memref<1x1x128x64xf32, #tpu.memory_space<vmem>>
      %dma_wait3A_109 = tpu.memref_squeeze %dma_wait3A_108 : memref<1x1x128x64xf32, #tpu.memory_space<vmem>> -> memref<128x64xf32, #tpu.memory_space<vmem>>
      %dma_wait3A_110 = arith.constant 0 : i32
      %dma_wait3A_111 = tpu.memref_slice %arg6[%add3A_104, %dma_wait3A_110] : memref<80x128xi32, #tpu.memory_space<vmem>> -> memref<1x128xi32, #tpu.memory_space<vmem>>
      %dma_wait3A_112 = tpu.memref_squeeze %dma_wait3A_111 : memref<1x128xi32, #tpu.memory_space<vmem>> -> memref<128xi32, #tpu.memory_space<vmem>>
      %dma_wait3A_113 = arith.constant 0 : i32
      %dma_wait3A_114 = arith.constant 0 : i32
      %dma_wait3A_115 = tpu.memref_slice %arg2[%dma_wait3A_113, %dma_wait3A_114] : memref<10240x64xf32, #tpu.memory_space<hbm>> -> memref<10240x64xf32, #tpu.memory_space<hbm>>
      tpu.wait_indirect_dma semaphore(%arg10 : memref<!tpu.dma_semaphore, #tpu.memory_space<semaphore_mem>>) src(%dma_wait3A_115 : memref<10240x64xf32, #tpu.memory_space<hbm>>) dst(%dma_wait3A_109 : memref<128x64xf32, #tpu.memory_space<vmem>>)
      %mul3A_116 = arith.constant 2 : i32
      %mul3A_117 = arith.muli %mul3A_66, %mul3A_116 : i32
      %add3A_118 = arith.constant 1 : i32
      %add3A_119 = arith.addi %mul3A_117, %add3A_118 : i32
      %dma_wait3A_120 = arith.constant 0 : i32
      %dma_wait3A_121 = arith.constant 1 : i32
      %dma_wait3A_122 = arith.constant 0 : i32
      %dma_wait3A_123 = arith.constant 0 : i32
      %dma_wait3A_124 = tpu.memref_slice %arg8[%dma_wait3A_120, %dma_wait3A_121, %dma_wait3A_122, %dma_wait3A_123] : memref<2x2x128x64xf32, #tpu.memory_space<vmem>> -> memref<1x1x128x64xf32, #tpu.memory_space<vmem>>
      %dma_wait3A_125 = tpu.memref_squeeze %dma_wait3A_124 : memref<1x1x128x64xf32, #tpu.memory_space<vmem>> -> memref<128x64xf32, #tpu.memory_space<vmem>>
      %dma_wait3A_126 = arith.constant 0 : i32
      %dma_wait3A_127 = tpu.memref_slice %arg6[%add3A_119, %dma_wait3A_126] : memref<80x128xi32, #tpu.memory_space<vmem>> -> memref<1x128xi32, #tpu.memory_space<vmem>>
      %dma_wait3A_128 = tpu.memref_squeeze %dma_wait3A_127 : memref<1x128xi32, #tpu.memory_space<vmem>> -> memref<128xi32, #tpu.memory_space<vmem>>
      %dma_wait3A_129 = arith.constant 0 : i32
      %dma_wait3A_130 = arith.constant 0 : i32
      %dma_wait3A_131 = tpu.memref_slice %arg2[%dma_wait3A_129, %dma_wait3A_130] : memref<10240x64xf32, #tpu.memory_space<hbm>> -> memref<10240x64xf32, #tpu.memory_space<hbm>>
      tpu.wait_indirect_dma semaphore(%arg10 : memref<!tpu.dma_semaphore, #tpu.memory_space<semaphore_mem>>) src(%dma_wait3A_131 : memref<10240x64xf32, #tpu.memory_space<hbm>>) dst(%dma_wait3A_125 : memref<128x64xf32, #tpu.memory_space<vmem>>)
      %mul3A_132 = arith.constant 2 : i32
      %mul3A_133 = arith.muli %mul3A_66, %mul3A_132 : i32
      %add3A_134 = arith.constant 0 : i32
      %add3A_135 = arith.addi %mul3A_133, %add3A_134 : i32
      %dma_start3A_136 = arith.constant 0 : i32
      %dma_start3A_137 = arith.constant 0 : i32
      %dma_start3A_138 = arith.constant 0 : i32
      %dma_start3A_139 = arith.constant 0 : i32
      %dma_start3A_140 = tpu.memref_slice %arg8[%dma_start3A_136, %dma_start3A_137, %dma_start3A_138, %dma_start3A_139] : memref<2x2x128x64xf32, #tpu.memory_space<vmem>> -> memref<1x1x128x64xf32, #tpu.memory_space<vmem>>
      %dma_start3A_141 = tpu.memref_squeeze %dma_start3A_140 : memref<1x1x128x64xf32, #tpu.memory_space<vmem>> -> memref<128x64xf32, #tpu.memory_space<vmem>>
      %dma_start3A_142 = arith.constant 0 : i32
      %dma_start3A_143 = tpu.memref_slice %arg7[%add3A_135, %dma_start3A_142] : memref<80x128xi32, #tpu.memory_space<vmem>> -> memref<1x128xi32, #tpu.memory_space<vmem>>
      %dma_start3A_144 = tpu.memref_squeeze %dma_start3A_143 : memref<1x128xi32, #tpu.memory_space<vmem>> -> memref<128xi32, #tpu.memory_space<vmem>>
      %dma_start3A_145 = arith.constant 0 : i32
      %dma_start3A_146 = arith.constant 0 : i32
      %dma_start3A_147 = tpu.memref_slice %arg9[%dma_start3A_145, %dma_start3A_146] : memref<10240x64xf32, #tpu.memory_space<vmem_shared>> -> memref<10240x64xf32, #tpu.memory_space<vmem_shared>>
      tpu.enqueue_indirect_dma source(%dma_start3A_141 : memref<128x64xf32, #tpu.memory_space<vmem>>) target(%dma_start3A_147 : memref<10240x64xf32, #tpu.memory_space<vmem_shared>>) offsets(%dma_start3A_144 : memref<128xi32, #tpu.memory_space<vmem>>) semaphore(%arg11 : memref<!tpu.dma_semaphore, #tpu.memory_space<semaphore_mem>>) {add = true}
      %mul3A_148 = arith.constant 2 : i32
      %mul3A_149 = arith.muli %mul3A_66, %mul3A_148 : i32
      %add3A_150 = arith.constant 1 : i32
      %add3A_151 = arith.addi %mul3A_149, %add3A_150 : i32
      %dma_start3A_152 = arith.constant 0 : i32
      %dma_start3A_153 = arith.constant 1 : i32
      %dma_start3A_154 = arith.constant 0 : i32
      %dma_start3A_155 = arith.constant 0 : i32
      %dma_start3A_156 = tpu.memref_slice %arg8[%dma_start3A_152, %dma_start3A_153, %dma_start3A_154, %dma_start3A_155] : memref<2x2x128x64xf32, #tpu.memory_space<vmem>> -> memref<1x1x128x64xf32, #tpu.memory_space<vmem>>
      %dma_start3A_157 = tpu.memref_squeeze %dma_start3A_156 : memref<1x1x128x64xf32, #tpu.memory_space<vmem>> -> memref<128x64xf32, #tpu.memory_space<vmem>>
      %dma_start3A_158 = arith.constant 0 : i32
      %dma_start3A_159 = tpu.memref_slice %arg7[%add3A_151, %dma_start3A_158] : memref<80x128xi32, #tpu.memory_space<vmem>> -> memref<1x128xi32, #tpu.memory_space<vmem>>
      %dma_start3A_160 = tpu.memref_squeeze %dma_start3A_159 : memref<1x128xi32, #tpu.memory_space<vmem>> -> memref<128xi32, #tpu.memory_space<vmem>>
      %dma_start3A_161 = arith.constant 0 : i32
      %dma_start3A_162 = arith.constant 0 : i32
      %dma_start3A_163 = tpu.memref_slice %arg9[%dma_start3A_161, %dma_start3A_162] : memref<10240x64xf32, #tpu.memory_space<vmem_shared>> -> memref<10240x64xf32, #tpu.memory_space<vmem_shared>>
      tpu.enqueue_indirect_dma source(%dma_start3A_157 : memref<128x64xf32, #tpu.memory_space<vmem>>) target(%dma_start3A_163 : memref<10240x64xf32, #tpu.memory_space<vmem_shared>>) offsets(%dma_start3A_160 : memref<128xi32, #tpu.memory_space<vmem>>) semaphore(%arg11 : memref<!tpu.dma_semaphore, #tpu.memory_space<semaphore_mem>>) {add = true}
      %mul3A_164 = arith.constant 2 : i32
      %mul3A_165 = arith.muli %mul3A_66, %mul3A_164 : i32
      %add3A_166 = arith.constant 0 : i32
      %add3A_167 = arith.addi %mul3A_165, %add3A_166 : i32
      %dma_wait3A_168 = arith.constant 0 : i32
      %dma_wait3A_169 = arith.constant 0 : i32
      %dma_wait3A_170 = arith.constant 0 : i32
      %dma_wait3A_171 = arith.constant 0 : i32
      %dma_wait3A_172 = tpu.memref_slice %arg8[%dma_wait3A_168, %dma_wait3A_169, %dma_wait3A_170, %dma_wait3A_171] : memref<2x2x128x64xf32, #tpu.memory_space<vmem>> -> memref<1x1x128x64xf32, #tpu.memory_space<vmem>>
      %dma_wait3A_173 = tpu.memref_squeeze %dma_wait3A_172 : memref<1x1x128x64xf32, #tpu.memory_space<vmem>> -> memref<128x64xf32, #tpu.memory_space<vmem>>
      %dma_wait3A_174 = arith.constant 0 : i32
      %dma_wait3A_175 = tpu.memref_slice %arg7[%add3A_167, %dma_wait3A_174] : memref<80x128xi32, #tpu.memory_space<vmem>> -> memref<1x128xi32, #tpu.memory_space<vmem>>
      %dma_wait3A_176 = tpu.memref_squeeze %dma_wait3A_175 : memref<1x128xi32, #tpu.memory_space<vmem>> -> memref<128xi32, #tpu.memory_space<vmem>>
      %dma_wait3A_177 = arith.constant 0 : i32
      %dma_wait3A_178 = arith.constant 0 : i32
      %dma_wait3A_179 = tpu.memref_slice %arg9[%dma_wait3A_177, %dma_wait3A_178] : memref<10240x64xf32, #tpu.memory_space<vmem_shared>> -> memref<10240x64xf32, #tpu.memory_space<vmem_shared>>
      tpu.wait_indirect_dma semaphore(%arg11 : memref<!tpu.dma_semaphore, #tpu.memory_space<semaphore_mem>>) src(%dma_wait3A_173 : memref<128x64xf32, #tpu.memory_space<vmem>>) dst(%dma_wait3A_179 : memref<10240x64xf32, #tpu.memory_space<vmem_shared>>)
      %mul3A_180 = arith.constant 2 : i32
      %mul3A_181 = arith.muli %mul3A_66, %mul3A_180 : i32
      %add3A_182 = arith.constant 1 : i32
      %add3A_183 = arith.addi %mul3A_181, %add3A_182 : i32
      %dma_wait3A_184 = arith.constant 0 : i32
      %dma_wait3A_185 = arith.constant 1 : i32
      %dma_wait3A_186 = arith.constant 0 : i32
      %dma_wait3A_187 = arith.constant 0 : i32
      %dma_wait3A_188 = tpu.memref_slice %arg8[%dma_wait3A_184, %dma_wait3A_185, %dma_wait3A_186, %dma_wait3A_187] : memref<2x2x128x64xf32, #tpu.memory_space<vmem>> -> memref<1x1x128x64xf32, #tpu.memory_space<vmem>>
      %dma_wait3A_189 = tpu.memref_squeeze %dma_wait3A_188 : memref<1x1x128x64xf32, #tpu.memory_space<vmem>> -> memref<128x64xf32, #tpu.memory_space<vmem>>
      %dma_wait3A_190 = arith.constant 0 : i32
      %dma_wait3A_191 = tpu.memref_slice %arg7[%add3A_183, %dma_wait3A_190] : memref<80x128xi32, #tpu.memory_space<vmem>> -> memref<1x128xi32, #tpu.memory_space<vmem>>
      %dma_wait3A_192 = tpu.memref_squeeze %dma_wait3A_191 : memref<1x128xi32, #tpu.memory_space<vmem>> -> memref<128xi32, #tpu.memory_space<vmem>>
      %dma_wait3A_193 = arith.constant 0 : i32
      %dma_wait3A_194 = arith.constant 0 : i32
      %dma_wait3A_195 = tpu.memref_slice %arg9[%dma_wait3A_193, %dma_wait3A_194] : memref<10240x64xf32, #tpu.memory_space<vmem_shared>> -> memref<10240x64xf32, #tpu.memory_space<vmem_shared>>
      tpu.wait_indirect_dma semaphore(%arg11 : memref<!tpu.dma_semaphore, #tpu.memory_space<semaphore_mem>>) src(%dma_wait3A_189 : memref<128x64xf32, #tpu.memory_space<vmem>>) dst(%dma_wait3A_195 : memref<10240x64xf32, #tpu.memory_space<vmem_shared>>)
      %lt3A = arith.constant 19 : i32
      %lt3A_196 = arith.cmpi slt, %scan3A_64, %lt3A : i32
      %convert_element_type3A = arith.extui %lt3A_196 : i1 to i32
      %cond3A = arith.constant 0 : i32
      %cond3A_197 = arith.cmpi ne, %convert_element_type3A, %cond3A : i32
      scf.if %cond3A_197 {
        %add3A_300 = arith.constant 2 : i32
        %add3A_301 = arith.addi %mul3A_66, %add3A_300 : i32
        %mul3A_302 = arith.constant 2 : i32
        %mul3A_303 = arith.muli %add3A_301, %mul3A_302 : i32
        %add3A_304 = arith.constant 0 : i32
        %add3A_305 = arith.addi %mul3A_303, %add3A_304 : i32
        %dma_start3A_306 = arith.constant 0 : i32
        %dma_start3A_307 = arith.constant 0 : i32
        %dma_start3A_308 = arith.constant 0 : i32
        %dma_start3A_309 = arith.constant 0 : i32
        %dma_start3A_310 = tpu.memref_slice %arg8[%dma_start3A_306, %dma_start3A_307, %dma_start3A_308, %dma_start3A_309] : memref<2x2x128x64xf32, #tpu.memory_space<vmem>> -> memref<1x1x128x64xf32, #tpu.memory_space<vmem>>
        %dma_start3A_311 = tpu.memref_squeeze %dma_start3A_310 : memref<1x1x128x64xf32, #tpu.memory_space<vmem>> -> memref<128x64xf32, #tpu.memory_space<vmem>>
        %dma_start3A_312 = arith.constant 0 : i32
        %dma_start3A_313 = tpu.memref_slice %arg6[%add3A_305, %dma_start3A_312] : memref<80x128xi32, #tpu.memory_space<vmem>> -> memref<1x128xi32, #tpu.memory_space<vmem>>
        %dma_start3A_314 = tpu.memref_squeeze %dma_start3A_313 : memref<1x128xi32, #tpu.memory_space<vmem>> -> memref<128xi32, #tpu.memory_space<vmem>>
        %dma_start3A_315 = arith.constant 0 : i32
        %dma_start3A_316 = arith.constant 0 : i32
        %dma_start3A_317 = tpu.memref_slice %arg2[%dma_start3A_315, %dma_start3A_316] : memref<10240x64xf32, #tpu.memory_space<hbm>> -> memref<10240x64xf32, #tpu.memory_space<hbm>>
        tpu.enqueue_indirect_dma source(%dma_start3A_317 : memref<10240x64xf32, #tpu.memory_space<hbm>>) target(%dma_start3A_311 : memref<128x64xf32, #tpu.memory_space<vmem>>) offsets(%dma_start3A_314 : memref<128xi32, #tpu.memory_space<vmem>>) semaphore(%arg10 : memref<!tpu.dma_semaphore, #tpu.memory_space<semaphore_mem>>)
        %mul3A_318 = arith.constant 2 : i32
        %mul3A_319 = arith.muli %add3A_301, %mul3A_318 : i32
        %add3A_320 = arith.constant 1 : i32
        %add3A_321 = arith.addi %mul3A_319, %add3A_320 : i32
        %dma_start3A_322 = arith.constant 0 : i32
        %dma_start3A_323 = arith.constant 1 : i32
        %dma_start3A_324 = arith.constant 0 : i32
        %dma_start3A_325 = arith.constant 0 : i32
        %dma_start3A_326 = tpu.memref_slice %arg8[%dma_start3A_322, %dma_start3A_323, %dma_start3A_324, %dma_start3A_325] : memref<2x2x128x64xf32, #tpu.memory_space<vmem>> -> memref<1x1x128x64xf32, #tpu.memory_space<vmem>>
        %dma_start3A_327 = tpu.memref_squeeze %dma_start3A_326 : memref<1x1x128x64xf32, #tpu.memory_space<vmem>> -> memref<128x64xf32, #tpu.memory_space<vmem>>
        %dma_start3A_328 = arith.constant 0 : i32
        %dma_start3A_329 = tpu.memref_slice %arg6[%add3A_321, %dma_start3A_328] : memref<80x128xi32, #tpu.memory_space<vmem>> -> memref<1x128xi32, #tpu.memory_space<vmem>>
        %dma_start3A_330 = tpu.memref_squeeze %dma_start3A_329 : memref<1x128xi32, #tpu.memory_space<vmem>> -> memref<128xi32, #tpu.memory_space<vmem>>
        %dma_start3A_331 = arith.constant 0 : i32
        %dma_start3A_332 = arith.constant 0 : i32
        %dma_start3A_333 = tpu.memref_slice %arg2[%dma_start3A_331, %dma_start3A_332] : memref<10240x64xf32, #tpu.memory_space<hbm>> -> memref<10240x64xf32, #tpu.memory_space<hbm>>
        tpu.enqueue_indirect_dma source(%dma_start3A_333 : memref<10240x64xf32, #tpu.memory_space<hbm>>) target(%dma_start3A_327 : memref<128x64xf32, #tpu.memory_space<vmem>>) offsets(%dma_start3A_330 : memref<128xi32, #tpu.memory_space<vmem>>) semaphore(%arg10 : memref<!tpu.dma_semaphore, #tpu.memory_space<semaphore_mem>>)
      } else {
      }
      %add3A_198 = arith.constant 1 : i32
      %add3A_199 = arith.addi %mul3A_66, %add3A_198 : i32
      %mul3A_200 = arith.constant 2 : i32
      %mul3A_201 = arith.muli %add3A_199, %mul3A_200 : i32
      %add3A_202 = arith.constant 0 : i32
      %add3A_203 = arith.addi %mul3A_201, %add3A_202 : i32
      %dma_wait3A_204 = arith.constant 1 : i32
      %dma_wait3A_205 = arith.constant 0 : i32
      %dma_wait3A_206 = arith.constant 0 : i32
      %dma_wait3A_207 = arith.constant 0 : i32
      %dma_wait3A_208 = tpu.memref_slice %arg8[%dma_wait3A_204, %dma_wait3A_205, %dma_wait3A_206, %dma_wait3A_207] : memref<2x2x128x64xf32, #tpu.memory_space<vmem>> -> memref<1x1x128x64xf32, #tpu.memory_space<vmem>>
      %dma_wait3A_209 = tpu.memref_squeeze %dma_wait3A_208 : memref<1x1x128x64xf32, #tpu.memory_space<vmem>> -> memref<128x64xf32, #tpu.memory_space<vmem>>
      %dma_wait3A_210 = arith.constant 0 : i32
      %dma_wait3A_211 = tpu.memref_slice %arg6[%add3A_203, %dma_wait3A_210] : memref<80x128xi32, #tpu.memory_space<vmem>> -> memref<1x128xi32, #tpu.memory_space<vmem>>
      %dma_wait3A_212 = tpu.memref_squeeze %dma_wait3A_211 : memref<1x128xi32, #tpu.memory_space<vmem>> -> memref<128xi32, #tpu.memory_space<vmem>>
      %dma_wait3A_213 = arith.constant 0 : i32
      %dma_wait3A_214 = arith.constant 0 : i32
      %dma_wait3A_215 = tpu.memref_slice %arg2[%dma_wait3A_213, %dma_wait3A_214] : memref<10240x64xf32, #tpu.memory_space<hbm>> -> memref<10240x64xf32, #tpu.memory_space<hbm>>
      tpu.wait_indirect_dma semaphore(%arg10 : memref<!tpu.dma_semaphore, #tpu.memory_space<semaphore_mem>>) src(%dma_wait3A_215 : memref<10240x64xf32, #tpu.memory_space<hbm>>) dst(%dma_wait3A_209 : memref<128x64xf32, #tpu.memory_space<vmem>>)
      %mul3A_216 = arith.constant 2 : i32
      %mul3A_217 = arith.muli %add3A_199, %mul3A_216 : i32
      %add3A_218 = arith.constant 1 : i32
      %add3A_219 = arith.addi %mul3A_217, %add3A_218 : i32
      %dma_wait3A_220 = arith.constant 1 : i32
      %dma_wait3A_221 = arith.constant 1 : i32
      %dma_wait3A_222 = arith.constant 0 : i32
      %dma_wait3A_223 = arith.constant 0 : i32
      %dma_wait3A_224 = tpu.memref_slice %arg8[%dma_wait3A_220, %dma_wait3A_221, %dma_wait3A_222, %dma_wait3A_223] : memref<2x2x128x64xf32, #tpu.memory_space<vmem>> -> memref<1x1x128x64xf32, #tpu.memory_space<vmem>>
      %dma_wait3A_225 = tpu.memref_squeeze %dma_wait3A_224 : memref<1x1x128x64xf32, #tpu.memory_space<vmem>> -> memref<128x64xf32, #tpu.memory_space<vmem>>
      %dma_wait3A_226 = arith.constant 0 : i32
      %dma_wait3A_227 = tpu.memref_slice %arg6[%add3A_219, %dma_wait3A_226] : memref<80x128xi32, #tpu.memory_space<vmem>> -> memref<1x128xi32, #tpu.memory_space<vmem>>
      %dma_wait3A_228 = tpu.memref_squeeze %dma_wait3A_227 : memref<1x128xi32, #tpu.memory_space<vmem>> -> memref<128xi32, #tpu.memory_space<vmem>>
      %dma_wait3A_229 = arith.constant 0 : i32
      %dma_wait3A_230 = arith.constant 0 : i32
      %dma_wait3A_231 = tpu.memref_slice %arg2[%dma_wait3A_229, %dma_wait3A_230] : memref<10240x64xf32, #tpu.memory_space<hbm>> -> memref<10240x64xf32, #tpu.memory_space<hbm>>
      tpu.wait_indirect_dma semaphore(%arg10 : memref<!tpu.dma_semaphore, #tpu.memory_space<semaphore_mem>>) src(%dma_wait3A_231 : memref<10240x64xf32, #tpu.memory_space<hbm>>) dst(%dma_wait3A_225 : memref<128x64xf32, #tpu.memory_space<vmem>>)
      %add3A_232 = arith.constant 1 : i32
      %add3A_233 = arith.addi %mul3A_66, %add3A_232 : i32
      %mul3A_234 = arith.constant 2 : i32
      %mul3A_235 = arith.muli %add3A_233, %mul3A_234 : i32
      %add3A_236 = arith.constant 0 : i32
      %add3A_237 = arith.addi %mul3A_235, %add3A_236 : i32
      %dma_start3A_238 = arith.constant 1 : i32
      %dma_start3A_239 = arith.constant 0 : i32
      %dma_start3A_240 = arith.constant 0 : i32
      %dma_start3A_241 = arith.constant 0 : i32
      %dma_start3A_242 = tpu.memref_slice %arg8[%dma_start3A_238, %dma_start3A_239, %dma_start3A_240, %dma_start3A_241] : memref<2x2x128x64xf32, #tpu.memory_space<vmem>> -> memref<1x1x128x64xf32, #tpu.memory_space<vmem>>
      %dma_start3A_243 = tpu.memref_squeeze %dma_start3A_242 : memref<1x1x128x64xf32, #tpu.memory_space<vmem>> -> memref<128x64xf32, #tpu.memory_space<vmem>>
      %dma_start3A_244 = arith.constant 0 : i32
      %dma_start3A_245 = tpu.memref_slice %arg7[%add3A_237, %dma_start3A_244] : memref<80x128xi32, #tpu.memory_space<vmem>> -> memref<1x128xi32, #tpu.memory_space<vmem>>
      %dma_start3A_246 = tpu.memref_squeeze %dma_start3A_245 : memref<1x128xi32, #tpu.memory_space<vmem>> -> memref<128xi32, #tpu.memory_space<vmem>>
      %dma_start3A_247 = arith.constant 0 : i32
      %dma_start3A_248 = arith.constant 0 : i32
      %dma_start3A_249 = tpu.memref_slice %arg9[%dma_start3A_247, %dma_start3A_248] : memref<10240x64xf32, #tpu.memory_space<vmem_shared>> -> memref<10240x64xf32, #tpu.memory_space<vmem_shared>>
      tpu.enqueue_indirect_dma source(%dma_start3A_243 : memref<128x64xf32, #tpu.memory_space<vmem>>) target(%dma_start3A_249 : memref<10240x64xf32, #tpu.memory_space<vmem_shared>>) offsets(%dma_start3A_246 : memref<128xi32, #tpu.memory_space<vmem>>) semaphore(%arg11 : memref<!tpu.dma_semaphore, #tpu.memory_space<semaphore_mem>>) {add = true}
      %mul3A_250 = arith.constant 2 : i32
      %mul3A_251 = arith.muli %add3A_233, %mul3A_250 : i32
      %add3A_252 = arith.constant 1 : i32
      %add3A_253 = arith.addi %mul3A_251, %add3A_252 : i32
      %dma_start3A_254 = arith.constant 1 : i32
      %dma_start3A_255 = arith.constant 1 : i32
      %dma_start3A_256 = arith.constant 0 : i32
      %dma_start3A_257 = arith.constant 0 : i32
      %dma_start3A_258 = tpu.memref_slice %arg8[%dma_start3A_254, %dma_start3A_255, %dma_start3A_256, %dma_start3A_257] : memref<2x2x128x64xf32, #tpu.memory_space<vmem>> -> memref<1x1x128x64xf32, #tpu.memory_space<vmem>>
      %dma_start3A_259 = tpu.memref_squeeze %dma_start3A_258 : memref<1x1x128x64xf32, #tpu.memory_space<vmem>> -> memref<128x64xf32, #tpu.memory_space<vmem>>
      %dma_start3A_260 = arith.constant 0 : i32
      %dma_start3A_261 = tpu.memref_slice %arg7[%add3A_253, %dma_start3A_260] : memref<80x128xi32, #tpu.memory_space<vmem>> -> memref<1x128xi32, #tpu.memory_space<vmem>>
      %dma_start3A_262 = tpu.memref_squeeze %dma_start3A_261 : memref<1x128xi32, #tpu.memory_space<vmem>> -> memref<128xi32, #tpu.memory_space<vmem>>
      %dma_start3A_263 = arith.constant 0 : i32
      %dma_start3A_264 = arith.constant 0 : i32
      %dma_start3A_265 = tpu.memref_slice %arg9[%dma_start3A_263, %dma_start3A_264] : memref<10240x64xf32, #tpu.memory_space<vmem_shared>> -> memref<10240x64xf32, #tpu.memory_space<vmem_shared>>
      tpu.enqueue_indirect_dma source(%dma_start3A_259 : memref<128x64xf32, #tpu.memory_space<vmem>>) target(%dma_start3A_265 : memref<10240x64xf32, #tpu.memory_space<vmem_shared>>) offsets(%dma_start3A_262 : memref<128xi32, #tpu.memory_space<vmem>>) semaphore(%arg11 : memref<!tpu.dma_semaphore, #tpu.memory_space<semaphore_mem>>) {add = true}
      %add3A_266 = arith.constant 1 : i32
      %add3A_267 = arith.addi %mul3A_66, %add3A_266 : i32
      %mul3A_268 = arith.constant 2 : i32
      %mul3A_269 = arith.muli %add3A_267, %mul3A_268 : i32
      %add3A_270 = arith.constant 0 : i32
      %add3A_271 = arith.addi %mul3A_269, %add3A_270 : i32
      %dma_wait3A_272 = arith.constant 1 : i32
      %dma_wait3A_273 = arith.constant 0 : i32
      %dma_wait3A_274 = arith.constant 0 : i32
      %dma_wait3A_275 = arith.constant 0 : i32
      %dma_wait3A_276 = tpu.memref_slice %arg8[%dma_wait3A_272, %dma_wait3A_273, %dma_wait3A_274, %dma_wait3A_275] : memref<2x2x128x64xf32, #tpu.memory_space<vmem>> -> memref<1x1x128x64xf32, #tpu.memory_space<vmem>>
      %dma_wait3A_277 = tpu.memref_squeeze %dma_wait3A_276 : memref<1x1x128x64xf32, #tpu.memory_space<vmem>> -> memref<128x64xf32, #tpu.memory_space<vmem>>
      %dma_wait3A_278 = arith.constant 0 : i32
      %dma_wait3A_279 = tpu.memref_slice %arg7[%add3A_271, %dma_wait3A_278] : memref<80x128xi32, #tpu.memory_space<vmem>> -> memref<1x128xi32, #tpu.memory_space<vmem>>
      %dma_wait3A_280 = tpu.memref_squeeze %dma_wait3A_279 : memref<1x128xi32, #tpu.memory_space<vmem>> -> memref<128xi32, #tpu.memory_space<vmem>>
      %dma_wait3A_281 = arith.constant 0 : i32
      %dma_wait3A_282 = arith.constant 0 : i32
      %dma_wait3A_283 = tpu.memref_slice %arg9[%dma_wait3A_281, %dma_wait3A_282] : memref<10240x64xf32, #tpu.memory_space<vmem_shared>> -> memref<10240x64xf32, #tpu.memory_space<vmem_shared>>
      tpu.wait_indirect_dma semaphore(%arg11 : memref<!tpu.dma_semaphore, #tpu.memory_space<semaphore_mem>>) src(%dma_wait3A_277 : memref<128x64xf32, #tpu.memory_space<vmem>>) dst(%dma_wait3A_283 : memref<10240x64xf32, #tpu.memory_space<vmem_shared>>)
      %mul3A_284 = arith.constant 2 : i32
      %mul3A_285 = arith.muli %add3A_267, %mul3A_284 : i32
      %add3A_286 = arith.constant 1 : i32
      %add3A_287 = arith.addi %mul3A_285, %add3A_286 : i32
      %dma_wait3A_288 = arith.constant 1 : i32
      %dma_wait3A_289 = arith.constant 1 : i32
      %dma_wait3A_290 = arith.constant 0 : i32
      %dma_wait3A_291 = arith.constant 0 : i32
      %dma_wait3A_292 = tpu.memref_slice %arg8[%dma_wait3A_288, %dma_wait3A_289, %dma_wait3A_290, %dma_wait3A_291] : memref<2x2x128x64xf32, #tpu.memory_space<vmem>> -> memref<1x1x128x64xf32, #tpu.memory_space<vmem>>
      %dma_wait3A_293 = tpu.memref_squeeze %dma_wait3A_292 : memref<1x1x128x64xf32, #tpu.memory_space<vmem>> -> memref<128x64xf32, #tpu.memory_space<vmem>>
      %dma_wait3A_294 = arith.constant 0 : i32
      %dma_wait3A_295 = tpu.memref_slice %arg7[%add3A_287, %dma_wait3A_294] : memref<80x128xi32, #tpu.memory_space<vmem>> -> memref<1x128xi32, #tpu.memory_space<vmem>>
      %dma_wait3A_296 = tpu.memref_squeeze %dma_wait3A_295 : memref<1x128xi32, #tpu.memory_space<vmem>> -> memref<128xi32, #tpu.memory_space<vmem>>
      %dma_wait3A_297 = arith.constant 0 : i32
      %dma_wait3A_298 = arith.constant 0 : i32
      %dma_wait3A_299 = tpu.memref_slice %arg9[%dma_wait3A_297, %dma_wait3A_298] : memref<10240x64xf32, #tpu.memory_space<vmem_shared>> -> memref<10240x64xf32, #tpu.memory_space<vmem_shared>>
      tpu.wait_indirect_dma semaphore(%arg11 : memref<!tpu.dma_semaphore, #tpu.memory_space<semaphore_mem>>) src(%dma_wait3A_293 : memref<128x64xf32, #tpu.memory_space<vmem>>) dst(%dma_wait3A_299 : memref<10240x64xf32, #tpu.memory_space<vmem_shared>>)
    }
    %scan3A_62 = arith.constant 20 : i32
    %barrier3A_63 = arith.constant 0 : index
    tpu.barrier barrier_id(%barrier3A_63)
    "tpu.region"() ({
      %run_scoped3A_64 = tpu.sem_alloc : memref<!tpu.dma_semaphore, #tpu.memory_space<semaphore_mem>>
      %dma_start3A_65 = arith.constant 0 : i32
      %dma_start3A_66 = tpu.memref_slice %arg5[%arg0, %mul3A_2, %dma_start3A_65] : memref<2x10240x64xf32, #tpu.memory_space<hbm>> -> memref<1x640x64xf32, #tpu.memory_space<hbm>>
      %dma_start3A_67 = tpu.memref_squeeze %dma_start3A_66 : memref<1x640x64xf32, #tpu.memory_space<hbm>> -> memref<640x64xf32, #tpu.memory_space<hbm>>
      %dma_start3A_68 = arith.constant 0 : i32
      %dma_start3A_69 = tpu.memref_slice %arg9[%mul3A_2, %dma_start3A_68] : memref<10240x64xf32, #tpu.memory_space<vmem_shared>> -> memref<640x64xf32, #tpu.memory_space<vmem_shared>>
      tpu.enqueue_dma source(%dma_start3A_69 : memref<640x64xf32, #tpu.memory_space<vmem_shared>>) target(%dma_start3A_67 : memref<640x64xf32, #tpu.memory_space<hbm>>) target_semaphore(%run_scoped3A_64 : memref<!tpu.dma_semaphore, #tpu.memory_space<semaphore_mem>>)
      %dma_wait3A = arith.constant 0 : i32
      %dma_wait3A_70 = tpu.memref_slice %arg5[%arg0, %mul3A_2, %dma_wait3A] : memref<2x10240x64xf32, #tpu.memory_space<hbm>> -> memref<1x640x64xf32, #tpu.memory_space<hbm>>
      %dma_wait3A_71 = tpu.memref_squeeze %dma_wait3A_70 : memref<1x640x64xf32, #tpu.memory_space<hbm>> -> memref<640x64xf32, #tpu.memory_space<hbm>>
      %dma_wait3A_72 = arith.constant 0 : i32
      %dma_wait3A_73 = tpu.memref_slice %arg9[%mul3A_2, %dma_wait3A_72] : memref<10240x64xf32, #tpu.memory_space<vmem_shared>> -> memref<640x64xf32, #tpu.memory_space<vmem_shared>>
      tpu.wait_dma2 semaphore(%run_scoped3A_64 : memref<!tpu.dma_semaphore, #tpu.memory_space<semaphore_mem>>) src(%dma_wait3A_73 : memref<640x64xf32, #tpu.memory_space<vmem_shared>>) dst(%dma_wait3A_71 : memref<640x64xf32, #tpu.memory_space<hbm>>)
      tpu.yield
    }) : () -> ()
    return
  }
}

#map = affine_map<(d0, d1) -> (0, 0)>
#map1 = affine_map<(d0, d1) -> (0, 0, 0)>
module attributes {stable_mosaic.version = 14 : i64} {
  func.func @_spmm_body(%arg0: i32, %arg1: i32, %arg2: memref<10240x64xf32, #tpu.memory_space<hbm>>, %arg3: memref<2560x128xi32, #tpu.memory_space<hbm>>, %arg4: memref<2x2560x128xi32, #tpu.memory_space<hbm>>, %arg5: memref<2x10240x64xf32, #tpu.memory_space<hbm>>, %arg6: memref<80x128xi32, #tpu.memory_space<vmem>>, %arg7: memref<80x128xi32, #tpu.memory_space<vmem>>, %arg8: memref<2x2x128x64xf32, #tpu.memory_space<vmem>>, %arg9: memref<10240x64xf32, #tpu.memory_space<vmem_shared>>, %arg10: memref<!tpu.dma_semaphore, #tpu.memory_space<semaphore_mem>>, %arg11: memref<!tpu.dma_semaphore, #tpu.memory_space<semaphore_mem>>) attributes {dimension_semantics = [#tpu.dimension_semantics<core_parallel>, #tpu.dimension_semantics<subcore_parallel>], iteration_bounds = array<i64: 2, 16>, scalar_prefetch = 0 : i64, scratch_operands = 6 : i64, tpu.core_type = #tpu.core_type<sc_vector_subcore>, window_params = [{transform_indices = #map}, {transform_indices = #map}, {transform_indices = #map1}, {transform_indices = #map1}]} {
    %mul3A = arith.constant 2 : i32
    %mul3A_0 = arith.muli %arg1, %mul3A : i32
    %add3A = arith.addi %mul3A_0, %arg0 : i32
    %mul3A_1 = arith.constant 640 : i32
    %mul3A_2 = arith.muli %arg1, %mul3A_1 : i32
    %scan3A = arith.constant 0 : i32
    %scan3A_3 = arith.constant 0 : i32
    %scan3A_4 = arith.constant 128 : i32
    %scan3A_5 = arith.addi %scan3A_3, %scan3A_4 : i32
    %scan3A_6 = arith.constant 1 : i32
    scf.for %scan3A_64 = %scan3A_3 to %scan3A_5 step %scan3A_6  : i32 {
      %broadcast_in_dim3A = arith.constant 0.000000e+00 : f32
      %broadcast_in_dim3A_65 = vector.broadcast %broadcast_in_dim3A : f32 to vector<16xf32>
      %swap3A = arith.constant 0 : i32
      %swap3A_66 = arith.constant 0 : i32
      %swap3A_67 = arith.index_cast %swap3A : i32 to index
      %swap3A_68 = arith.index_cast %swap3A_66 : i32 to index
      %swap3A_69 = arith.index_cast %scan3A_64 : i32 to index
      %swap3A_70 = arith.constant 0 : index
      %swap3A_71 = tpu.vector_load %arg8[%swap3A_67, %swap3A_68, %swap3A_69, %swap3A_70] {strides = array<i32>} : memref<2x2x128x64xf32, #tpu.memory_space<vmem>>, vector<1x1x1x16xf32>,
      %swap3A_72 = vector.shape_cast %swap3A_71 : vector<1x1x1x16xf32> to vector<16xf32>
      %swap3A_73 = vector.shape_cast %broadcast_in_dim3A_65 : vector<16xf32> to vector<1x1x1x16xf32>
      tpu.vector_store %arg8[%swap3A_67, %swap3A_68, %swap3A_69, %swap3A_70], %swap3A_73 {strides = array<i32>} : memref<2x2x128x64xf32, #tpu.memory_space<vmem>>, vector<1x1x1x16xf32>,
      %broadcast_in_dim3A_74 = arith.constant 0.000000e+00 : f32
      %broadcast_in_dim3A_75 = vector.broadcast %broadcast_in_dim3A_74 : f32 to vector<16xf32>
      %swap3A_76 = arith.constant 0 : i32
      %swap3A_77 = arith.constant 0 : i32
      %swap3A_78 = arith.index_cast %swap3A_76 : i32 to index
      %swap3A_79 = arith.index_cast %swap3A_77 : i32 to index
      %swap3A_80 = arith.index_cast %scan3A_64 : i32 to index
      %swap3A_81 = arith.constant 16 : index
      %swap3A_82 = tpu.vector_load %arg8[%swap3A_78, %swap3A_79, %swap3A_80, %swap3A_81] {strides = array<i32>} : memref<2x2x128x64xf32, #tpu.memory_space<vmem>>, vector<1x1x1x16xf32>,
      %swap3A_83 = vector.shape_cast %swap3A_82 : vector<1x1x1x16xf32> to vector<16xf32>
      %swap3A_84 = vector.shape_cast %broadcast_in_dim3A_75 : vector<16xf32> to vector<1x1x1x16xf32>
      tpu.vector_store %arg8[%swap3A_78, %swap3A_79, %swap3A_80, %swap3A_81], %swap3A_84 {strides = array<i32>} : memref<2x2x128x64xf32, #tpu.memory_space<vmem>>, vector<1x1x1x16xf32>,
      %broadcast_in_dim3A_85 = arith.constant 0.000000e+00 : f32
      %broadcast_in_dim3A_86 = vector.broadcast %broadcast_in_dim3A_85 : f32 to vector<16xf32>
      %swap3A_87 = arith.constant 0 : i32
      %swap3A_88 = arith.constant 0 : i32
      %swap3A_89 = arith.index_cast %swap3A_87 : i32 to index
      %swap3A_90 = arith.index_cast %swap3A_88 : i32 to index
      %swap3A_91 = arith.index_cast %scan3A_64 : i32 to index
      %swap3A_92 = arith.constant 32 : index
      %swap3A_93 = tpu.vector_load %arg8[%swap3A_89, %swap3A_90, %swap3A_91, %swap3A_92] {strides = array<i32>} : memref<2x2x128x64xf32, #tpu.memory_space<vmem>>, vector<1x1x1x16xf32>,
      %swap3A_94 = vector.shape_cast %swap3A_93 : vector<1x1x1x16xf32> to vector<16xf32>
      %swap3A_95 = vector.shape_cast %broadcast_in_dim3A_86 : vector<16xf32> to vector<1x1x1x16xf32>
      tpu.vector_store %arg8[%swap3A_89, %swap3A_90, %swap3A_91, %swap3A_92], %swap3A_95 {strides = array<i32>} : memref<2x2x128x64xf32, #tpu.memory_space<vmem>>, vector<1x1x1x16xf32>,
      %broadcast_in_dim3A_96 = arith.constant 0.000000e+00 : f32
      %broadcast_in_dim3A_97 = vector.broadcast %broadcast_in_dim3A_96 : f32 to vector<16xf32>
      %swap3A_98 = arith.constant 0 : i32
      %swap3A_99 = arith.constant 0 : i32
      %swap3A_100 = arith.index_cast %swap3A_98 : i32 to index
      %swap3A_101 = arith.index_cast %swap3A_99 : i32 to index
      %swap3A_102 = arith.index_cast %scan3A_64 : i32 to index
      %swap3A_103 = arith.constant 48 : index
      %swap3A_104 = tpu.vector_load %arg8[%swap3A_100, %swap3A_101, %swap3A_102, %swap3A_103] {strides = array<i32>} : memref<2x2x128x64xf32, #tpu.memory_space<vmem>>, vector<1x1x1x16xf32>,
      %swap3A_105 = vector.shape_cast %swap3A_104 : vector<1x1x1x16xf32> to vector<16xf32>
      %swap3A_106 = vector.shape_cast %broadcast_in_dim3A_97 : vector<16xf32> to vector<1x1x1x16xf32>
      tpu.vector_store %arg8[%swap3A_100, %swap3A_101, %swap3A_102, %swap3A_103], %swap3A_106 {strides = array<i32>} : memref<2x2x128x64xf32, #tpu.memory_space<vmem>>, vector<1x1x1x16xf32>,
    }
    %scan3A_7 = arith.constant 128 : i32
    %add3A_8 = arith.constant 0 : i32
    %add3A_9 = arith.addi %mul3A_2, %add3A_8 : i32
    %run_scoped3A = arith.constant 0 : i32
    %run_scoped3A_10 = arith.constant 0 : i32
    "tpu.region"() ({
      %run_scoped3A_64 = tpu.sem_alloc : memref<!tpu.dma_semaphore, #tpu.memory_space<semaphore_mem>>
      %dma_start3A_65 = arith.constant 0 : i32
      %dma_start3A_66 = arith.constant 0 : i32
      %dma_start3A_67 = tpu.memref_slice %arg8[%run_scoped3A, %run_scoped3A_10, %dma_start3A_65, %dma_start3A_66] : memref<2x2x128x64xf32, #tpu.memory_space<vmem>> -> memref<1x1x128x64xf32, #tpu.memory_space<vmem>>
      %dma_start3A_68 = tpu.memref_squeeze %dma_start3A_67 : memref<1x1x128x64xf32, #tpu.memory_space<vmem>> -> memref<128x64xf32, #tpu.memory_space<vmem>>
      %dma_start3A_69 = arith.constant 0 : i32
      %dma_start3A_70 = tpu.memref_slice %arg9[%add3A_9, %dma_start3A_69] : memref<10240x64xf32, #tpu.memory_space<vmem_shared>> -> memref<128x64xf32, #tpu.memory_space<vmem_shared>>
      %dma_start3A_71 = arith.constant 0 : i32
      %dma_start3A_72 = tpu.memref_slice %arg9[%add3A_9, %dma_start3A_71] : memref<10240x64xf32, #tpu.memory_space<vmem_shared>> -> memref<128x64xf32, #tpu.memory_space<vmem_shared>>
      %dma_start3A_73 = arith.constant 0 : i32
      %dma_start3A_74 = arith.constant 0 : i32
      %dma_start3A_75 = tpu.memref_slice %arg8[%run_scoped3A, %run_scoped3A_10, %dma_start3A_73, %dma_start3A_74] : memref<2x2x128x64xf32, #tpu.memory_space<vmem>> -> memref<1x1x128x64xf32, #tpu.memory_space<vmem>>
      %dma_start3A_76 = tpu.memref_squeeze %dma_start3A_75 : memref<1x1x128x64xf32, #tpu.memory_space<vmem>> -> memref<128x64xf32, #tpu.memory_space<vmem>>
      tpu.enqueue_dma source(%dma_start3A_76 : memref<128x64xf32, #tpu.memory_space<vmem>>) target(%dma_start3A_72 : memref<128x64xf32, #tpu.memory_space<vmem_shared>>) target_semaphore(%run_scoped3A_64 : memref<!tpu.dma_semaphore, #tpu.memory_space<semaphore_mem>>)
      %dma_wait3A = arith.constant 0 : i32
      %dma_wait3A_77 = arith.constant 0 : i32
      %dma_wait3A_78 = tpu.memref_slice %arg8[%run_scoped3A, %run_scoped3A_10, %dma_wait3A, %dma_wait3A_77] : memref<2x2x128x64xf32, #tpu.memory_space<vmem>> -> memref<1x1x128x64xf32, #tpu.memory_space<vmem>>
      %dma_wait3A_79 = tpu.memref_squeeze %dma_wait3A_78 : memref<1x1x128x64xf32, #tpu.memory_space<vmem>> -> memref<128x64xf32, #tpu.memory_space<vmem>>
      %dma_wait3A_80 = arith.constant 0 : i32
      %dma_wait3A_81 = tpu.memref_slice %arg9[%add3A_9, %dma_wait3A_80] : memref<10240x64xf32, #tpu.memory_space<vmem_shared>> -> memref<128x64xf32, #tpu.memory_space<vmem_shared>>
      %dma_wait3A_82 = arith.constant 0 : i32
      %dma_wait3A_83 = tpu.memref_slice %arg9[%add3A_9, %dma_wait3A_82] : memref<10240x64xf32, #tpu.memory_space<vmem_shared>> -> memref<128x64xf32, #tpu.memory_space<vmem_shared>>
      %dma_wait3A_84 = arith.constant 0 : i32
      %dma_wait3A_85 = arith.constant 0 : i32
      %dma_wait3A_86 = tpu.memref_slice %arg8[%run_scoped3A, %run_scoped3A_10, %dma_wait3A_84, %dma_wait3A_85] : memref<2x2x128x64xf32, #tpu.memory_space<vmem>> -> memref<1x1x128x64xf32, #tpu.memory_space<vmem>>
      %dma_wait3A_87 = tpu.memref_squeeze %dma_wait3A_86 : memref<1x1x128x64xf32, #tpu.memory_space<vmem>> -> memref<128x64xf32, #tpu.memory_space<vmem>>
      tpu.wait_dma2 semaphore(%run_scoped3A_64 : memref<!tpu.dma_semaphore, #tpu.memory_space<semaphore_mem>>) src(%dma_wait3A_87 : memref<128x64xf32, #tpu.memory_space<vmem>>) dst(%dma_wait3A_83 : memref<128x64xf32, #tpu.memory_space<vmem_shared>>)
      tpu.yield
    }) : () -> ()
    %add3A_11 = arith.constant 128 : i32
    %add3A_12 = arith.addi %mul3A_2, %add3A_11 : i32
    %run_scoped3A_13 = arith.constant 0 : i32
    %run_scoped3A_14 = arith.constant 0 : i32
    "tpu.region"() ({
      %run_scoped3A_64 = tpu.sem_alloc : memref<!tpu.dma_semaphore, #tpu.memory_space<semaphore_mem>>
      %dma_start3A_65 = arith.constant 0 : i32
      %dma_start3A_66 = arith.constant 0 : i32
      %dma_start3A_67 = tpu.memref_slice %arg8[%run_scoped3A_13, %run_scoped3A_14, %dma_start3A_65, %dma_start3A_66] : memref<2x2x128x64xf32, #tpu.memory_space<vmem>> -> memref<1x1x128x64xf32, #tpu.memory_space<vmem>>
      %dma_start3A_68 = tpu.memref_squeeze %dma_start3A_67 : memref<1x1x128x64xf32, #tpu.memory_space<vmem>> -> memref<128x64xf32, #tpu.memory_space<vmem>>
      %dma_start3A_69 = arith.constant 0 : i32
      %dma_start3A_70 = tpu.memref_slice %arg9[%add3A_12, %dma_start3A_69] : memref<10240x64xf32, #tpu.memory_space<vmem_shared>> -> memref<128x64xf32, #tpu.memory_space<vmem_shared>>
      %dma_start3A_71 = arith.constant 0 : i32
      %dma_start3A_72 = tpu.memref_slice %arg9[%add3A_12, %dma_start3A_71] : memref<10240x64xf32, #tpu.memory_space<vmem_shared>> -> memref<128x64xf32, #tpu.memory_space<vmem_shared>>
      %dma_start3A_73 = arith.constant 0 : i32
      %dma_start3A_74 = arith.constant 0 : i32
      %dma_start3A_75 = tpu.memref_slice %arg8[%run_scoped3A_13, %run_scoped3A_14, %dma_start3A_73, %dma_start3A_74] : memref<2x2x128x64xf32, #tpu.memory_space<vmem>> -> memref<1x1x128x64xf32, #tpu.memory_space<vmem>>
      %dma_start3A_76 = tpu.memref_squeeze %dma_start3A_75 : memref<1x1x128x64xf32, #tpu.memory_space<vmem>> -> memref<128x64xf32, #tpu.memory_space<vmem>>
      tpu.enqueue_dma source(%dma_start3A_76 : memref<128x64xf32, #tpu.memory_space<vmem>>) target(%dma_start3A_72 : memref<128x64xf32, #tpu.memory_space<vmem_shared>>) target_semaphore(%run_scoped3A_64 : memref<!tpu.dma_semaphore, #tpu.memory_space<semaphore_mem>>)
      %dma_wait3A = arith.constant 0 : i32
      %dma_wait3A_77 = arith.constant 0 : i32
      %dma_wait3A_78 = tpu.memref_slice %arg8[%run_scoped3A_13, %run_scoped3A_14, %dma_wait3A, %dma_wait3A_77] : memref<2x2x128x64xf32, #tpu.memory_space<vmem>> -> memref<1x1x128x64xf32, #tpu.memory_space<vmem>>
      %dma_wait3A_79 = tpu.memref_squeeze %dma_wait3A_78 : memref<1x1x128x64xf32, #tpu.memory_space<vmem>> -> memref<128x64xf32, #tpu.memory_space<vmem>>
      %dma_wait3A_80 = arith.constant 0 : i32
      %dma_wait3A_81 = tpu.memref_slice %arg9[%add3A_12, %dma_wait3A_80] : memref<10240x64xf32, #tpu.memory_space<vmem_shared>> -> memref<128x64xf32, #tpu.memory_space<vmem_shared>>
      %dma_wait3A_82 = arith.constant 0 : i32
      %dma_wait3A_83 = tpu.memref_slice %arg9[%add3A_12, %dma_wait3A_82] : memref<10240x64xf32, #tpu.memory_space<vmem_shared>> -> memref<128x64xf32, #tpu.memory_space<vmem_shared>>
      %dma_wait3A_84 = arith.constant 0 : i32
      %dma_wait3A_85 = arith.constant 0 : i32
      %dma_wait3A_86 = tpu.memref_slice %arg8[%run_scoped3A_13, %run_scoped3A_14, %dma_wait3A_84, %dma_wait3A_85] : memref<2x2x128x64xf32, #tpu.memory_space<vmem>> -> memref<1x1x128x64xf32, #tpu.memory_space<vmem>>
      %dma_wait3A_87 = tpu.memref_squeeze %dma_wait3A_86 : memref<1x1x128x64xf32, #tpu.memory_space<vmem>> -> memref<128x64xf32, #tpu.memory_space<vmem>>
      tpu.wait_dma2 semaphore(%run_scoped3A_64 : memref<!tpu.dma_semaphore, #tpu.memory_space<semaphore_mem>>) src(%dma_wait3A_87 : memref<128x64xf32, #tpu.memory_space<vmem>>) dst(%dma_wait3A_83 : memref<128x64xf32, #tpu.memory_space<vmem_shared>>)
      tpu.yield
    }) : () -> ()
    %add3A_15 = arith.constant 256 : i32
    %add3A_16 = arith.addi %mul3A_2, %add3A_15 : i32
    %run_scoped3A_17 = arith.constant 0 : i32
    %run_scoped3A_18 = arith.constant 0 : i32
    "tpu.region"() ({
      %run_scoped3A_64 = tpu.sem_alloc : memref<!tpu.dma_semaphore, #tpu.memory_space<semaphore_mem>>
      %dma_start3A_65 = arith.constant 0 : i32
      %dma_start3A_66 = arith.constant 0 : i32
      %dma_start3A_67 = tpu.memref_slice %arg8[%run_scoped3A_17, %run_scoped3A_18, %dma_start3A_65, %dma_start3A_66] : memref<2x2x128x64xf32, #tpu.memory_space<vmem>> -> memref<1x1x128x64xf32, #tpu.memory_space<vmem>>
      %dma_start3A_68 = tpu.memref_squeeze %dma_start3A_67 : memref<1x1x128x64xf32, #tpu.memory_space<vmem>> -> memref<128x64xf32, #tpu.memory_space<vmem>>
      %dma_start3A_69 = arith.constant 0 : i32
      %dma_start3A_70 = tpu.memref_slice %arg9[%add3A_16, %dma_start3A_69] : memref<10240x64xf32, #tpu.memory_space<vmem_shared>> -> memref<128x64xf32, #tpu.memory_space<vmem_shared>>
      %dma_start3A_71 = arith.constant 0 : i32
      %dma_start3A_72 = tpu.memref_slice %arg9[%add3A_16, %dma_start3A_71] : memref<10240x64xf32, #tpu.memory_space<vmem_shared>> -> memref<128x64xf32, #tpu.memory_space<vmem_shared>>
      %dma_start3A_73 = arith.constant 0 : i32
      %dma_start3A_74 = arith.constant 0 : i32
      %dma_start3A_75 = tpu.memref_slice %arg8[%run_scoped3A_17, %run_scoped3A_18, %dma_start3A_73, %dma_start3A_74] : memref<2x2x128x64xf32, #tpu.memory_space<vmem>> -> memref<1x1x128x64xf32, #tpu.memory_space<vmem>>
      %dma_start3A_76 = tpu.memref_squeeze %dma_start3A_75 : memref<1x1x128x64xf32, #tpu.memory_space<vmem>> -> memref<128x64xf32, #tpu.memory_space<vmem>>
      tpu.enqueue_dma source(%dma_start3A_76 : memref<128x64xf32, #tpu.memory_space<vmem>>) target(%dma_start3A_72 : memref<128x64xf32, #tpu.memory_space<vmem_shared>>) target_semaphore(%run_scoped3A_64 : memref<!tpu.dma_semaphore, #tpu.memory_space<semaphore_mem>>)
      %dma_wait3A = arith.constant 0 : i32
      %dma_wait3A_77 = arith.constant 0 : i32
      %dma_wait3A_78 = tpu.memref_slice %arg8[%run_scoped3A_17, %run_scoped3A_18, %dma_wait3A, %dma_wait3A_77] : memref<2x2x128x64xf32, #tpu.memory_space<vmem>> -> memref<1x1x128x64xf32, #tpu.memory_space<vmem>>
      %dma_wait3A_79 = tpu.memref_squeeze %dma_wait3A_78 : memref<1x1x128x64xf32, #tpu.memory_space<vmem>> -> memref<128x64xf32, #tpu.memory_space<vmem>>
      %dma_wait3A_80 = arith.constant 0 : i32
      %dma_wait3A_81 = tpu.memref_slice %arg9[%add3A_16, %dma_wait3A_80] : memref<10240x64xf32, #tpu.memory_space<vmem_shared>> -> memref<128x64xf32, #tpu.memory_space<vmem_shared>>
      %dma_wait3A_82 = arith.constant 0 : i32
      %dma_wait3A_83 = tpu.memref_slice %arg9[%add3A_16, %dma_wait3A_82] : memref<10240x64xf32, #tpu.memory_space<vmem_shared>> -> memref<128x64xf32, #tpu.memory_space<vmem_shared>>
      %dma_wait3A_84 = arith.constant 0 : i32
      %dma_wait3A_85 = arith.constant 0 : i32
      %dma_wait3A_86 = tpu.memref_slice %arg8[%run_scoped3A_17, %run_scoped3A_18, %dma_wait3A_84, %dma_wait3A_85] : memref<2x2x128x64xf32, #tpu.memory_space<vmem>> -> memref<1x1x128x64xf32, #tpu.memory_space<vmem>>
      %dma_wait3A_87 = tpu.memref_squeeze %dma_wait3A_86 : memref<1x1x128x64xf32, #tpu.memory_space<vmem>> -> memref<128x64xf32, #tpu.memory_space<vmem>>
      tpu.wait_dma2 semaphore(%run_scoped3A_64 : memref<!tpu.dma_semaphore, #tpu.memory_space<semaphore_mem>>) src(%dma_wait3A_87 : memref<128x64xf32, #tpu.memory_space<vmem>>) dst(%dma_wait3A_83 : memref<128x64xf32, #tpu.memory_space<vmem_shared>>)
      tpu.yield
    }) : () -> ()
    %add3A_19 = arith.constant 384 : i32
    %add3A_20 = arith.addi %mul3A_2, %add3A_19 : i32
    %run_scoped3A_21 = arith.constant 0 : i32
    %run_scoped3A_22 = arith.constant 0 : i32
    "tpu.region"() ({
      %run_scoped3A_64 = tpu.sem_alloc : memref<!tpu.dma_semaphore, #tpu.memory_space<semaphore_mem>>
      %dma_start3A_65 = arith.constant 0 : i32
      %dma_start3A_66 = arith.constant 0 : i32
      %dma_start3A_67 = tpu.memref_slice %arg8[%run_scoped3A_21, %run_scoped3A_22, %dma_start3A_65, %dma_start3A_66] : memref<2x2x128x64xf32, #tpu.memory_space<vmem>> -> memref<1x1x128x64xf32, #tpu.memory_space<vmem>>
      %dma_start3A_68 = tpu.memref_squeeze %dma_start3A_67 : memref<1x1x128x64xf32, #tpu.memory_space<vmem>> -> memref<128x64xf32, #tpu.memory_space<vmem>>
      %dma_start3A_69 = arith.constant 0 : i32
      %dma_start3A_70 = tpu.memref_slice %arg9[%add3A_20, %dma_start3A_69] : memref<10240x64xf32, #tpu.memory_space<vmem_shared>> -> memref<128x64xf32, #tpu.memory_space<vmem_shared>>
      %dma_start3A_71 = arith.constant 0 : i32
      %dma_start3A_72 = tpu.memref_slice %arg9[%add3A_20, %dma_start3A_71] : memref<10240x64xf32, #tpu.memory_space<vmem_shared>> -> memref<128x64xf32, #tpu.memory_space<vmem_shared>>
      %dma_start3A_73 = arith.constant 0 : i32
      %dma_start3A_74 = arith.constant 0 : i32
      %dma_start3A_75 = tpu.memref_slice %arg8[%run_scoped3A_21, %run_scoped3A_22, %dma_start3A_73, %dma_start3A_74] : memref<2x2x128x64xf32, #tpu.memory_space<vmem>> -> memref<1x1x128x64xf32, #tpu.memory_space<vmem>>
      %dma_start3A_76 = tpu.memref_squeeze %dma_start3A_75 : memref<1x1x128x64xf32, #tpu.memory_space<vmem>> -> memref<128x64xf32, #tpu.memory_space<vmem>>
      tpu.enqueue_dma source(%dma_start3A_76 : memref<128x64xf32, #tpu.memory_space<vmem>>) target(%dma_start3A_72 : memref<128x64xf32, #tpu.memory_space<vmem_shared>>) target_semaphore(%run_scoped3A_64 : memref<!tpu.dma_semaphore, #tpu.memory_space<semaphore_mem>>)
      %dma_wait3A = arith.constant 0 : i32
      %dma_wait3A_77 = arith.constant 0 : i32
      %dma_wait3A_78 = tpu.memref_slice %arg8[%run_scoped3A_21, %run_scoped3A_22, %dma_wait3A, %dma_wait3A_77] : memref<2x2x128x64xf32, #tpu.memory_space<vmem>> -> memref<1x1x128x64xf32, #tpu.memory_space<vmem>>
      %dma_wait3A_79 = tpu.memref_squeeze %dma_wait3A_78 : memref<1x1x128x64xf32, #tpu.memory_space<vmem>> -> memref<128x64xf32, #tpu.memory_space<vmem>>
      %dma_wait3A_80 = arith.constant 0 : i32
      %dma_wait3A_81 = tpu.memref_slice %arg9[%add3A_20, %dma_wait3A_80] : memref<10240x64xf32, #tpu.memory_space<vmem_shared>> -> memref<128x64xf32, #tpu.memory_space<vmem_shared>>
      %dma_wait3A_82 = arith.constant 0 : i32
      %dma_wait3A_83 = tpu.memref_slice %arg9[%add3A_20, %dma_wait3A_82] : memref<10240x64xf32, #tpu.memory_space<vmem_shared>> -> memref<128x64xf32, #tpu.memory_space<vmem_shared>>
      %dma_wait3A_84 = arith.constant 0 : i32
      %dma_wait3A_85 = arith.constant 0 : i32
      %dma_wait3A_86 = tpu.memref_slice %arg8[%run_scoped3A_21, %run_scoped3A_22, %dma_wait3A_84, %dma_wait3A_85] : memref<2x2x128x64xf32, #tpu.memory_space<vmem>> -> memref<1x1x128x64xf32, #tpu.memory_space<vmem>>
      %dma_wait3A_87 = tpu.memref_squeeze %dma_wait3A_86 : memref<1x1x128x64xf32, #tpu.memory_space<vmem>> -> memref<128x64xf32, #tpu.memory_space<vmem>>
      tpu.wait_dma2 semaphore(%run_scoped3A_64 : memref<!tpu.dma_semaphore, #tpu.memory_space<semaphore_mem>>) src(%dma_wait3A_87 : memref<128x64xf32, #tpu.memory_space<vmem>>) dst(%dma_wait3A_83 : memref<128x64xf32, #tpu.memory_space<vmem_shared>>)
      tpu.yield
    }) : () -> ()
    %add3A_23 = arith.constant 512 : i32
    %add3A_24 = arith.addi %mul3A_2, %add3A_23 : i32
    %run_scoped3A_25 = arith.constant 0 : i32
    %run_scoped3A_26 = arith.constant 0 : i32
    "tpu.region"() ({
      %run_scoped3A_64 = tpu.sem_alloc : memref<!tpu.dma_semaphore, #tpu.memory_space<semaphore_mem>>
      %dma_start3A_65 = arith.constant 0 : i32
      %dma_start3A_66 = arith.constant 0 : i32
      %dma_start3A_67 = tpu.memref_slice %arg8[%run_scoped3A_25, %run_scoped3A_26, %dma_start3A_65, %dma_start3A_66] : memref<2x2x128x64xf32, #tpu.memory_space<vmem>> -> memref<1x1x128x64xf32, #tpu.memory_space<vmem>>
      %dma_start3A_68 = tpu.memref_squeeze %dma_start3A_67 : memref<1x1x128x64xf32, #tpu.memory_space<vmem>> -> memref<128x64xf32, #tpu.memory_space<vmem>>
      %dma_start3A_69 = arith.constant 0 : i32
      %dma_start3A_70 = tpu.memref_slice %arg9[%add3A_24, %dma_start3A_69] : memref<10240x64xf32, #tpu.memory_space<vmem_shared>> -> memref<128x64xf32, #tpu.memory_space<vmem_shared>>
      %dma_start3A_71 = arith.constant 0 : i32
      %dma_start3A_72 = tpu.memref_slice %arg9[%add3A_24, %dma_start3A_71] : memref<10240x64xf32, #tpu.memory_space<vmem_shared>> -> memref<128x64xf32, #tpu.memory_space<vmem_shared>>
      %dma_start3A_73 = arith.constant 0 : i32
      %dma_start3A_74 = arith.constant 0 : i32
      %dma_start3A_75 = tpu.memref_slice %arg8[%run_scoped3A_25, %run_scoped3A_26, %dma_start3A_73, %dma_start3A_74] : memref<2x2x128x64xf32, #tpu.memory_space<vmem>> -> memref<1x1x128x64xf32, #tpu.memory_space<vmem>>
      %dma_start3A_76 = tpu.memref_squeeze %dma_start3A_75 : memref<1x1x128x64xf32, #tpu.memory_space<vmem>> -> memref<128x64xf32, #tpu.memory_space<vmem>>
      tpu.enqueue_dma source(%dma_start3A_76 : memref<128x64xf32, #tpu.memory_space<vmem>>) target(%dma_start3A_72 : memref<128x64xf32, #tpu.memory_space<vmem_shared>>) target_semaphore(%run_scoped3A_64 : memref<!tpu.dma_semaphore, #tpu.memory_space<semaphore_mem>>)
      %dma_wait3A = arith.constant 0 : i32
      %dma_wait3A_77 = arith.constant 0 : i32
      %dma_wait3A_78 = tpu.memref_slice %arg8[%run_scoped3A_25, %run_scoped3A_26, %dma_wait3A, %dma_wait3A_77] : memref<2x2x128x64xf32, #tpu.memory_space<vmem>> -> memref<1x1x128x64xf32, #tpu.memory_space<vmem>>
      %dma_wait3A_79 = tpu.memref_squeeze %dma_wait3A_78 : memref<1x1x128x64xf32, #tpu.memory_space<vmem>> -> memref<128x64xf32, #tpu.memory_space<vmem>>
      %dma_wait3A_80 = arith.constant 0 : i32
      %dma_wait3A_81 = tpu.memref_slice %arg9[%add3A_24, %dma_wait3A_80] : memref<10240x64xf32, #tpu.memory_space<vmem_shared>> -> memref<128x64xf32, #tpu.memory_space<vmem_shared>>
      %dma_wait3A_82 = arith.constant 0 : i32
      %dma_wait3A_83 = tpu.memref_slice %arg9[%add3A_24, %dma_wait3A_82] : memref<10240x64xf32, #tpu.memory_space<vmem_shared>> -> memref<128x64xf32, #tpu.memory_space<vmem_shared>>
      %dma_wait3A_84 = arith.constant 0 : i32
      %dma_wait3A_85 = arith.constant 0 : i32
      %dma_wait3A_86 = tpu.memref_slice %arg8[%run_scoped3A_25, %run_scoped3A_26, %dma_wait3A_84, %dma_wait3A_85] : memref<2x2x128x64xf32, #tpu.memory_space<vmem>> -> memref<1x1x128x64xf32, #tpu.memory_space<vmem>>
      %dma_wait3A_87 = tpu.memref_squeeze %dma_wait3A_86 : memref<1x1x128x64xf32, #tpu.memory_space<vmem>> -> memref<128x64xf32, #tpu.memory_space<vmem>>
      tpu.wait_dma2 semaphore(%run_scoped3A_64 : memref<!tpu.dma_semaphore, #tpu.memory_space<semaphore_mem>>) src(%dma_wait3A_87 : memref<128x64xf32, #tpu.memory_space<vmem>>) dst(%dma_wait3A_83 : memref<128x64xf32, #tpu.memory_space<vmem_shared>>)
      tpu.yield
    }) : () -> ()
    %mul3A_27 = arith.constant 80 : i32
    %mul3A_28 = arith.muli %add3A, %mul3A_27 : i32
    "tpu.region"() ({
      %run_scoped3A_64 = tpu.sem_alloc : memref<!tpu.dma_semaphore, #tpu.memory_space<semaphore_mem>>
      %dma_start3A_65 = arith.constant 0 : i32
      %dma_start3A_66 = tpu.memref_slice %arg3[%mul3A_28, %dma_start3A_65] : memref<2560x128xi32, #tpu.memory_space<hbm>> -> memref<80x128xi32, #tpu.memory_space<hbm>>
      %dma_start3A_67 = arith.constant 0 : i32
      %dma_start3A_68 = tpu.memref_slice %arg3[%mul3A_28, %dma_start3A_67] : memref<2560x128xi32, #tpu.memory_space<hbm>> -> memref<80x128xi32, #tpu.memory_space<hbm>>
      tpu.enqueue_dma source(%dma_start3A_68 : memref<80x128xi32, #tpu.memory_space<hbm>>) target(%arg6 : memref<80x128xi32, #tpu.memory_space<vmem>>) target_semaphore(%run_scoped3A_64 : memref<!tpu.dma_semaphore, #tpu.memory_space<semaphore_mem>>)
      %dma_wait3A = arith.constant 0 : i32
      %dma_wait3A_69 = tpu.memref_slice %arg3[%mul3A_28, %dma_wait3A] : memref<2560x128xi32, #tpu.memory_space<hbm>> -> memref<80x128xi32, #tpu.memory_space<hbm>>
      %dma_wait3A_70 = arith.constant 0 : i32
      %dma_wait3A_71 = tpu.memref_slice %arg3[%mul3A_28, %dma_wait3A_70] : memref<2560x128xi32, #tpu.memory_space<hbm>> -> memref<80x128xi32, #tpu.memory_space<hbm>>
      tpu.wait_dma2 semaphore(%run_scoped3A_64 : memref<!tpu.dma_semaphore, #tpu.memory_space<semaphore_mem>>) src(%dma_wait3A_71 : memref<80x128xi32, #tpu.memory_space<hbm>>) dst(%arg6 : memref<80x128xi32, #tpu.memory_space<vmem>>)
      tpu.yield
    }) : () -> ()
    %mul3A_29 = arith.constant 80 : i32
    %mul3A_30 = arith.muli %add3A, %mul3A_29 : i32
    %run_scoped3A_31 = arith.constant 1 : i32
    "tpu.region"() ({
      %run_scoped3A_64 = tpu.sem_alloc : memref<!tpu.dma_semaphore, #tpu.memory_space<semaphore_mem>>
      %dma_start3A_65 = arith.constant 0 : i32
      %dma_start3A_66 = tpu.memref_slice %arg4[%run_scoped3A_31, %mul3A_30, %dma_start3A_65] : memref<2x2560x128xi32, #tpu.memory_space<hbm>> -> memref<1x80x128xi32, #tpu.memory_space<hbm>>
      %dma_start3A_67 = tpu.memref_squeeze %dma_start3A_66 : memref<1x80x128xi32, #tpu.memory_space<hbm>> -> memref<80x128xi32, #tpu.memory_space<hbm>>
      %dma_start3A_68 = arith.constant 0 : i32
      %dma_start3A_69 = tpu.memref_slice %arg4[%run_scoped3A_31, %mul3A_30, %dma_start3A_68] : memref<2x2560x128xi32, #tpu.memory_space<hbm>> -> memref<1x80x128xi32, #tpu.memory_space<hbm>>
      %dma_start3A_70 = tpu.memref_squeeze %dma_start3A_69 : memref<1x80x128xi32, #tpu.memory_space<hbm>> -> memref<80x128xi32, #tpu.memory_space<hbm>>
      tpu.enqueue_dma source(%dma_start3A_70 : memref<80x128xi32, #tpu.memory_space<hbm>>) target(%arg7 : memref<80x128xi32, #tpu.memory_space<vmem>>) target_semaphore(%run_scoped3A_64 : memref<!tpu.dma_semaphore, #tpu.memory_space<semaphore_mem>>)
      %dma_wait3A = arith.constant 0 : i32
      %dma_wait3A_71 = tpu.memref_slice %arg4[%run_scoped3A_31, %mul3A_30, %dma_wait3A] : memref<2x2560x128xi32, #tpu.memory_space<hbm>> -> memref<1x80x128xi32, #tpu.memory_space<hbm>>
      %dma_wait3A_72 = tpu.memref_squeeze %dma_wait3A_71 : memref<1x80x128xi32, #tpu.memory_space<hbm>> -> memref<80x128xi32, #tpu.memory_space<hbm>>
      %dma_wait3A_73 = arith.constant 0 : i32
      %dma_wait3A_74 = tpu.memref_slice %arg4[%run_scoped3A_31, %mul3A_30, %dma_wait3A_73] : memref<2x2560x128xi32, #tpu.memory_space<hbm>> -> memref<1x80x128xi32, #tpu.memory_space<hbm>>
      %dma_wait3A_75 = tpu.memref_squeeze %dma_wait3A_74 : memref<1x80x128xi32, #tpu.memory_space<hbm>> -> memref<80x128xi32, #tpu.memory_space<hbm>>
      tpu.wait_dma2 semaphore(%run_scoped3A_64 : memref<!tpu.dma_semaphore, #tpu.memory_space<semaphore_mem>>) src(%dma_wait3A_75 : memref<80x128xi32, #tpu.memory_space<hbm>>) dst(%arg7 : memref<80x128xi32, #tpu.memory_space<vmem>>)
      tpu.yield
    }) : () -> ()
    %barrier3A = arith.constant 0 : index
    tpu.barrier barrier_id(%barrier3A)
    %dma_start3A = arith.constant 0 : i32
    %dma_start3A_32 = arith.constant 0 : i32
    %dma_start3A_33 = arith.constant 0 : i32
    %dma_start3A_34 = arith.constant 0 : i32
    %dma_start3A_35 = arith.constant 0 : i32
    %dma_start3A_36 = tpu.memref_slice %arg8[%dma_start3A_32, %dma_start3A_33, %dma_start3A_34, %dma_start3A_35] : memref<2x2x128x64xf32, #tpu.memory_space<vmem>> -> memref<1x1x128x64xf32, #tpu.memory_space<vmem>>
    %dma_start3A_37 = tpu.memref_squeeze %dma_start3A_36 : memref<1x1x128x64xf32, #tpu.memory_space<vmem>> -> memref<128x64xf32, #tpu.memory_space<vmem>>
    %dma_start3A_38 = arith.constant 0 : i32
    %dma_start3A_39 = tpu.memref_slice %arg6[%dma_start3A, %dma_start3A_38] : memref<80x128xi32, #tpu.memory_space<vmem>> -> memref<1x128xi32, #tpu.memory_space<vmem>>
    %dma_start3A_40 = tpu.memref_squeeze %dma_start3A_39 : memref<1x128xi32, #tpu.memory_space<vmem>> -> memref<128xi32, #tpu.memory_space<vmem>>
    %dma_start3A_41 = arith.constant 0 : i32
    %dma_start3A_42 = arith.constant 0 : i32
    %dma_start3A_43 = tpu.memref_slice %arg2[%dma_start3A_41, %dma_start3A_42] : memref<10240x64xf32, #tpu.memory_space<hbm>> -> memref<10240x64xf32, #tpu.memory_space<hbm>>
    tpu.enqueue_indirect_dma source(%dma_start3A_43 : memref<10240x64xf32, #tpu.memory_space<hbm>>) target(%dma_start3A_37 : memref<128x64xf32, #tpu.memory_space<vmem>>) offsets(%dma_start3A_40 : memref<128xi32, #tpu.memory_space<vmem>>) semaphore(%arg10 : memref<!tpu.dma_semaphore, #tpu.memory_space<semaphore_mem>>)
    %dma_start3A_44 = arith.constant 1 : i32
    %dma_start3A_45 = arith.constant 0 : i32
    %dma_start3A_46 = arith.constant 1 : i32
    %dma_start3A_47 = arith.constant 0 : i32
    %dma_start3A_48 = arith.constant 0 : i32
    %dma_start3A_49 = tpu.memref_slice %arg8[%dma_start3A_45, %dma_start3A_46, %dma_start3A_47, %dma_start3A_48] : memref<2x2x128x64xf32, #tpu.memory_space<vmem>> -> memref<1x1x128x64xf32, #tpu.memory_space<vmem>>
    %dma_start3A_50 = tpu.memref_squeeze %dma_start3A_49 : memref<1x1x128x64xf32, #tpu.memory_space<vmem>> -> memref<128x64xf32, #tpu.memory_space<vmem>>
    %dma_start3A_51 = arith.constant 0 : i32
    %dma_start3A_52 = tpu.memref_slice %arg6[%dma_start3A_44, %dma_start3A_51] : memref<80x128xi32, #tpu.memory_space<vmem>> -> memref<1x128xi32, #tpu.memory_space<vmem>>
    %dma_start3A_53 = tpu.memref_squeeze %dma_start3A_52 : memref<1x128xi32, #tpu.memory_space<vmem>> -> memref<128xi32, #tpu.memory_space<vmem>>
    %dma_start3A_54 = arith.constant 0 : i32
    %dma_start3A_55 = arith.constant 0 : i32
    %dma_start3A_56 = tpu.memref_slice %arg2[%dma_start3A_54, %dma_start3A_55] : memref<10240x64xf32, #tpu.memory_space<hbm>> -> memref<10240x64xf32, #tpu.memory_space<hbm>>
    tpu.enqueue_indirect_dma source(%dma_start3A_56 : memref<10240x64xf32, #tpu.memory_space<hbm>>) target(%dma_start3A_50 : memref<128x64xf32, #tpu.memory_space<vmem>>) offsets(%dma_start3A_53 : memref<128xi32, #tpu.memory_space<vmem>>) semaphore(%arg10 : memref<!tpu.dma_semaphore, #tpu.memory_space<semaphore_mem>>)
    %scan3A_57 = arith.constant 0 : i32
    %scan3A_58 = arith.constant 0 : i32
    %scan3A_59 = arith.constant 20 : i32
    %scan3A_60 = arith.addi %scan3A_58, %scan3A_59 : i32
    %scan3A_61 = arith.constant 1 : i32
    scf.for %scan3A_64 = %scan3A_58 to %scan3A_60 step %scan3A_61  : i32 {
      %mul3A_65 = arith.constant 2 : i32
      %mul3A_66 = arith.muli %mul3A_65, %scan3A_64 : i32
      %add3A_67 = arith.constant 1 : i32
      %add3A_68 = arith.addi %mul3A_66, %add3A_67 : i32
      %mul3A_69 = arith.constant 2 : i32
      %mul3A_70 = arith.muli %add3A_68, %mul3A_69 : i32
      %add3A_71 = arith.constant 0 : i32
      %add3A_72 = arith.addi %mul3A_70, %add3A_71 : i32
      %dma_start3A_73 = arith.constant 1 : i32
      %dma_start3A_74 = arith.constant 0 : i32
      %dma_start3A_75 = arith.constant 0 : i32
      %dma_start3A_76 = arith.constant 0 : i32
      %dma_start3A_77 = tpu.memref_slice %arg8[%dma_start3A_73, %dma_start3A_74, %dma_start3A_75, %dma_start3A_76] : memref<2x2x128x64xf32, #tpu.memory_space<vmem>> -> memref<1x1x128x64xf32, #tpu.memory_space<vmem>>
      %dma_start3A_78 = tpu.memref_squeeze %dma_start3A_77 : memref<1x1x128x64xf32, #tpu.memory_space<vmem>> -> memref<128x64xf32, #tpu.memory_space<vmem>>
      %dma_start3A_79 = arith.constant 0 : i32
      %dma_start3A_80 = tpu.memref_slice %arg6[%add3A_72, %dma_start3A_79] : memref<80x128xi32, #tpu.memory_space<vmem>> -> memref<1x128xi32, #tpu.memory_space<vmem>>
      %dma_start3A_81 = tpu.memref_squeeze %dma_start3A_80 : memref<1x128xi32, #tpu.memory_space<vmem>> -> memref<128xi32, #tpu.memory_space<vmem>>
      %dma_start3A_82 = arith.constant 0 : i32
      %dma_start3A_83 = arith.constant 0 : i32
      %dma_start3A_84 = tpu.memref_slice %arg2[%dma_start3A_82, %dma_start3A_83] : memref<10240x64xf32, #tpu.memory_space<hbm>> -> memref<10240x64xf32, #tpu.memory_space<hbm>>
      tpu.enqueue_indirect_dma source(%dma_start3A_84 : memref<10240x64xf32, #tpu.memory_space<hbm>>) target(%dma_start3A_78 : memref<128x64xf32, #tpu.memory_space<vmem>>) offsets(%dma_start3A_81 : memref<128xi32, #tpu.memory_space<vmem>>) semaphore(%arg10 : memref<!tpu.dma_semaphore, #tpu.memory_space<semaphore_mem>>)
      %mul3A_85 = arith.constant 2 : i32
      %mul3A_86 = arith.muli %add3A_68, %mul3A_85 : i32
      %add3A_87 = arith.constant 1 : i32
      %add3A_88 = arith.addi %mul3A_86, %add3A_87 : i32
      %dma_start3A_89 = arith.constant 1 : i32
      %dma_start3A_90 = arith.constant 1 : i32
      %dma_start3A_91 = arith.constant 0 : i32
      %dma_start3A_92 = arith.constant 0 : i32
      %dma_start3A_93 = tpu.memref_slice %arg8[%dma_start3A_89, %dma_start3A_90, %dma_start3A_91, %dma_start3A_92] : memref<2x2x128x64xf32, #tpu.memory_space<vmem>> -> memref<1x1x128x64xf32, #tpu.memory_space<vmem>>
      %dma_start3A_94 = tpu.memref_squeeze %dma_start3A_93 : memref<1x1x128x64xf32, #tpu.memory_space<vmem>> -> memref<128x64xf32, #tpu.memory_space<vmem>>
      %dma_start3A_95 = arith.constant 0 : i32
      %dma_start3A_96 = tpu.memref_slice %arg6[%add3A_88, %dma_start3A_95] : memref<80x128xi32, #tpu.memory_space<vmem>> -> memref<1x128xi32, #tpu.memory_space<vmem>>
      %dma_start3A_97 = tpu.memref_squeeze %dma_start3A_96 : memref<1x128xi32, #tpu.memory_space<vmem>> -> memref<128xi32, #tpu.memory_space<vmem>>
      %dma_start3A_98 = arith.constant 0 : i32
      %dma_start3A_99 = arith.constant 0 : i32
      %dma_start3A_100 = tpu.memref_slice %arg2[%dma_start3A_98, %dma_start3A_99] : memref<10240x64xf32, #tpu.memory_space<hbm>> -> memref<10240x64xf32, #tpu.memory_space<hbm>>
      tpu.enqueue_indirect_dma source(%dma_start3A_100 : memref<10240x64xf32, #tpu.memory_space<hbm>>) target(%dma_start3A_94 : memref<128x64xf32, #tpu.memory_space<vmem>>) offsets(%dma_start3A_97 : memref<128xi32, #tpu.memory_space<vmem>>) semaphore(%arg10 : memref<!tpu.dma_semaphore, #tpu.memory_space<semaphore_mem>>)
      %mul3A_101 = arith.constant 2 : i32
      %mul3A_102 = arith.muli %mul3A_66, %mul3A_101 : i32
      %add3A_103 = arith.constant 0 : i32
      %add3A_104 = arith.addi %mul3A_102, %add3A_103 : i32
      %dma_wait3A = arith.constant 0 : i32
      %dma_wait3A_105 = arith.constant 0 : i32
      %dma_wait3A_106 = arith.constant 0 : i32
      %dma_wait3A_107 = arith.constant 0 : i32
      %dma_wait3A_108 = tpu.memref_slice %arg8[%dma_wait3A, %dma_wait3A_105, %dma_wait3A_106, %dma_wait3A_107] : memref<2x2x128x64xf32, #tpu.memory_space<vmem>> -> memref<1x1x128x64xf32, #tpu.memory_space<vmem>>
      %dma_wait3A_109 = tpu.memref_squeeze %dma_wait3A_108 : memref<1x1x128x64xf32, #tpu.memory_space<vmem>> -> memref<128x64xf32, #tpu.memory_space<vmem>>
      %dma_wait3A_110 = arith.constant 0 : i32
      %dma_wait3A_111 = tpu.memref_slice %arg6[%add3A_104, %dma_wait3A_110] : memref<80x128xi32, #tpu.memory_space<vmem>> -> memref<1x128xi32, #tpu.memory_space<vmem>>
      %dma_wait3A_112 = tpu.memref_squeeze %dma_wait3A_111 : memref<1x128xi32, #tpu.memory_space<vmem>> -> memref<128xi32, #tpu.memory_space<vmem>>
      %dma_wait3A_113 = arith.constant 0 : i32
      %dma_wait3A_114 = arith.constant 0 : i32
      %dma_wait3A_115 = tpu.memref_slice %arg2[%dma_wait3A_113, %dma_wait3A_114] : memref<10240x64xf32, #tpu.memory_space<hbm>> -> memref<10240x64xf32, #tpu.memory_space<hbm>>
      tpu.wait_indirect_dma semaphore(%arg10 : memref<!tpu.dma_semaphore, #tpu.memory_space<semaphore_mem>>) src(%dma_wait3A_115 : memref<10240x64xf32, #tpu.memory_space<hbm>>) dst(%dma_wait3A_109 : memref<128x64xf32, #tpu.memory_space<vmem>>)
      %mul3A_116 = arith.constant 2 : i32
      %mul3A_117 = arith.muli %mul3A_66, %mul3A_116 : i32
      %add3A_118 = arith.constant 1 : i32
      %add3A_119 = arith.addi %mul3A_117, %add3A_118 : i32
      %dma_wait3A_120 = arith.constant 0 : i32
      %dma_wait3A_121 = arith.constant 1 : i32
      %dma_wait3A_122 = arith.constant 0 : i32
      %dma_wait3A_123 = arith.constant 0 : i32
      %dma_wait3A_124 = tpu.memref_slice %arg8[%dma_wait3A_120, %dma_wait3A_121, %dma_wait3A_122, %dma_wait3A_123] : memref<2x2x128x64xf32, #tpu.memory_space<vmem>> -> memref<1x1x128x64xf32, #tpu.memory_space<vmem>>
      %dma_wait3A_125 = tpu.memref_squeeze %dma_wait3A_124 : memref<1x1x128x64xf32, #tpu.memory_space<vmem>> -> memref<128x64xf32, #tpu.memory_space<vmem>>
      %dma_wait3A_126 = arith.constant 0 : i32
      %dma_wait3A_127 = tpu.memref_slice %arg6[%add3A_119, %dma_wait3A_126] : memref<80x128xi32, #tpu.memory_space<vmem>> -> memref<1x128xi32, #tpu.memory_space<vmem>>
      %dma_wait3A_128 = tpu.memref_squeeze %dma_wait3A_127 : memref<1x128xi32, #tpu.memory_space<vmem>> -> memref<128xi32, #tpu.memory_space<vmem>>
      %dma_wait3A_129 = arith.constant 0 : i32
      %dma_wait3A_130 = arith.constant 0 : i32
      %dma_wait3A_131 = tpu.memref_slice %arg2[%dma_wait3A_129, %dma_wait3A_130] : memref<10240x64xf32, #tpu.memory_space<hbm>> -> memref<10240x64xf32, #tpu.memory_space<hbm>>
      tpu.wait_indirect_dma semaphore(%arg10 : memref<!tpu.dma_semaphore, #tpu.memory_space<semaphore_mem>>) src(%dma_wait3A_131 : memref<10240x64xf32, #tpu.memory_space<hbm>>) dst(%dma_wait3A_125 : memref<128x64xf32, #tpu.memory_space<vmem>>)
      %mul3A_132 = arith.constant 2 : i32
      %mul3A_133 = arith.muli %mul3A_66, %mul3A_132 : i32
      %add3A_134 = arith.constant 0 : i32
      %add3A_135 = arith.addi %mul3A_133, %add3A_134 : i32
      %dma_start3A_136 = arith.constant 0 : i32
      %dma_start3A_137 = arith.constant 0 : i32
      %dma_start3A_138 = arith.constant 0 : i32
      %dma_start3A_139 = arith.constant 0 : i32
      %dma_start3A_140 = tpu.memref_slice %arg8[%dma_start3A_136, %dma_start3A_137, %dma_start3A_138, %dma_start3A_139] : memref<2x2x128x64xf32, #tpu.memory_space<vmem>> -> memref<1x1x128x64xf32, #tpu.memory_space<vmem>>
      %dma_start3A_141 = tpu.memref_squeeze %dma_start3A_140 : memref<1x1x128x64xf32, #tpu.memory_space<vmem>> -> memref<128x64xf32, #tpu.memory_space<vmem>>
      %dma_start3A_142 = arith.constant 0 : i32
      %dma_start3A_143 = tpu.memref_slice %arg7[%add3A_135, %dma_start3A_142] : memref<80x128xi32, #tpu.memory_space<vmem>> -> memref<1x128xi32, #tpu.memory_space<vmem>>
      %dma_start3A_144 = tpu.memref_squeeze %dma_start3A_143 : memref<1x128xi32, #tpu.memory_space<vmem>> -> memref<128xi32, #tpu.memory_space<vmem>>
      %dma_start3A_145 = arith.constant 0 : i32
      %dma_start3A_146 = arith.constant 0 : i32
      %dma_start3A_147 = tpu.memref_slice %arg9[%dma_start3A_145, %dma_start3A_146] : memref<10240x64xf32, #tpu.memory_space<vmem_shared>> -> memref<10240x64xf32, #tpu.memory_space<vmem_shared>>
      tpu.enqueue_indirect_dma source(%dma_start3A_141 : memref<128x64xf32, #tpu.memory_space<vmem>>) target(%dma_start3A_147 : memref<10240x64xf32, #tpu.memory_space<vmem_shared>>) offsets(%dma_start3A_144 : memref<128xi32, #tpu.memory_space<vmem>>) semaphore(%arg11 : memref<!tpu.dma_semaphore, #tpu.memory_space<semaphore_mem>>) {add = true}
      %mul3A_148 = arith.constant 2 : i32
      %mul3A_149 = arith.muli %mul3A_66, %mul3A_148 : i32
      %add3A_150 = arith.constant 1 : i32
      %add3A_151 = arith.addi %mul3A_149, %add3A_150 : i32
      %dma_start3A_152 = arith.constant 0 : i32
      %dma_start3A_153 = arith.constant 1 : i32
      %dma_start3A_154 = arith.constant 0 : i32
      %dma_start3A_155 = arith.constant 0 : i32
      %dma_start3A_156 = tpu.memref_slice %arg8[%dma_start3A_152, %dma_start3A_153, %dma_start3A_154, %dma_start3A_155] : memref<2x2x128x64xf32, #tpu.memory_space<vmem>> -> memref<1x1x128x64xf32, #tpu.memory_space<vmem>>
      %dma_start3A_157 = tpu.memref_squeeze %dma_start3A_156 : memref<1x1x128x64xf32, #tpu.memory_space<vmem>> -> memref<128x64xf32, #tpu.memory_space<vmem>>
      %dma_start3A_158 = arith.constant 0 : i32
      %dma_start3A_159 = tpu.memref_slice %arg7[%add3A_151, %dma_start3A_158] : memref<80x128xi32, #tpu.memory_space<vmem>> -> memref<1x128xi32, #tpu.memory_space<vmem>>
      %dma_start3A_160 = tpu.memref_squeeze %dma_start3A_159 : memref<1x128xi32, #tpu.memory_space<vmem>> -> memref<128xi32, #tpu.memory_space<vmem>>
      %dma_start3A_161 = arith.constant 0 : i32
      %dma_start3A_162 = arith.constant 0 : i32
      %dma_start3A_163 = tpu.memref_slice %arg9[%dma_start3A_161, %dma_start3A_162] : memref<10240x64xf32, #tpu.memory_space<vmem_shared>> -> memref<10240x64xf32, #tpu.memory_space<vmem_shared>>
      tpu.enqueue_indirect_dma source(%dma_start3A_157 : memref<128x64xf32, #tpu.memory_space<vmem>>) target(%dma_start3A_163 : memref<10240x64xf32, #tpu.memory_space<vmem_shared>>) offsets(%dma_start3A_160 : memref<128xi32, #tpu.memory_space<vmem>>) semaphore(%arg11 : memref<!tpu.dma_semaphore, #tpu.memory_space<semaphore_mem>>) {add = true}
      %mul3A_164 = arith.constant 2 : i32
      %mul3A_165 = arith.muli %mul3A_66, %mul3A_164 : i32
      %add3A_166 = arith.constant 0 : i32
      %add3A_167 = arith.addi %mul3A_165, %add3A_166 : i32
      %dma_wait3A_168 = arith.constant 0 : i32
      %dma_wait3A_169 = arith.constant 0 : i32
      %dma_wait3A_170 = arith.constant 0 : i32
      %dma_wait3A_171 = arith.constant 0 : i32
      %dma_wait3A_172 = tpu.memref_slice %arg8[%dma_wait3A_168, %dma_wait3A_169, %dma_wait3A_170, %dma_wait3A_171] : memref<2x2x128x64xf32, #tpu.memory_space<vmem>> -> memref<1x1x128x64xf32, #tpu.memory_space<vmem>>
      %dma_wait3A_173 = tpu.memref_squeeze %dma_wait3A_172 : memref<1x1x128x64xf32, #tpu.memory_space<vmem>> -> memref<128x64xf32, #tpu.memory_space<vmem>>
      %dma_wait3A_174 = arith.constant 0 : i32
      %dma_wait3A_175 = tpu.memref_slice %arg7[%add3A_167, %dma_wait3A_174] : memref<80x128xi32, #tpu.memory_space<vmem>> -> memref<1x128xi32, #tpu.memory_space<vmem>>
      %dma_wait3A_176 = tpu.memref_squeeze %dma_wait3A_175 : memref<1x128xi32, #tpu.memory_space<vmem>> -> memref<128xi32, #tpu.memory_space<vmem>>
      %dma_wait3A_177 = arith.constant 0 : i32
      %dma_wait3A_178 = arith.constant 0 : i32
      %dma_wait3A_179 = tpu.memref_slice %arg9[%dma_wait3A_177, %dma_wait3A_178] : memref<10240x64xf32, #tpu.memory_space<vmem_shared>> -> memref<10240x64xf32, #tpu.memory_space<vmem_shared>>
      tpu.wait_indirect_dma semaphore(%arg11 : memref<!tpu.dma_semaphore, #tpu.memory_space<semaphore_mem>>) src(%dma_wait3A_173 : memref<128x64xf32, #tpu.memory_space<vmem>>) dst(%dma_wait3A_179 : memref<10240x64xf32, #tpu.memory_space<vmem_shared>>)
      %mul3A_180 = arith.constant 2 : i32
      %mul3A_181 = arith.muli %mul3A_66, %mul3A_180 : i32
      %add3A_182 = arith.constant 1 : i32
      %add3A_183 = arith.addi %mul3A_181, %add3A_182 : i32
      %dma_wait3A_184 = arith.constant 0 : i32
      %dma_wait3A_185 = arith.constant 1 : i32
      %dma_wait3A_186 = arith.constant 0 : i32
      %dma_wait3A_187 = arith.constant 0 : i32
      %dma_wait3A_188 = tpu.memref_slice %arg8[%dma_wait3A_184, %dma_wait3A_185, %dma_wait3A_186, %dma_wait3A_187] : memref<2x2x128x64xf32, #tpu.memory_space<vmem>> -> memref<1x1x128x64xf32, #tpu.memory_space<vmem>>
      %dma_wait3A_189 = tpu.memref_squeeze %dma_wait3A_188 : memref<1x1x128x64xf32, #tpu.memory_space<vmem>> -> memref<128x64xf32, #tpu.memory_space<vmem>>
      %dma_wait3A_190 = arith.constant 0 : i32
      %dma_wait3A_191 = tpu.memref_slice %arg7[%add3A_183, %dma_wait3A_190] : memref<80x128xi32, #tpu.memory_space<vmem>> -> memref<1x128xi32, #tpu.memory_space<vmem>>
      %dma_wait3A_192 = tpu.memref_squeeze %dma_wait3A_191 : memref<1x128xi32, #tpu.memory_space<vmem>> -> memref<128xi32, #tpu.memory_space<vmem>>
      %dma_wait3A_193 = arith.constant 0 : i32
      %dma_wait3A_194 = arith.constant 0 : i32
      %dma_wait3A_195 = tpu.memref_slice %arg9[%dma_wait3A_193, %dma_wait3A_194] : memref<10240x64xf32, #tpu.memory_space<vmem_shared>> -> memref<10240x64xf32, #tpu.memory_space<vmem_shared>>
      tpu.wait_indirect_dma semaphore(%arg11 : memref<!tpu.dma_semaphore, #tpu.memory_space<semaphore_mem>>) src(%dma_wait3A_189 : memref<128x64xf32, #tpu.memory_space<vmem>>) dst(%dma_wait3A_195 : memref<10240x64xf32, #tpu.memory_space<vmem_shared>>)
      %lt3A = arith.constant 19 : i32
      %lt3A_196 = arith.cmpi slt, %scan3A_64, %lt3A : i32
      %convert_element_type3A = arith.extui %lt3A_196 : i1 to i32
      %cond3A = arith.constant 0 : i32
      %cond3A_197 = arith.cmpi ne, %convert_element_type3A, %cond3A : i32
      scf.if %cond3A_197 {
        %add3A_300 = arith.constant 2 : i32
        %add3A_301 = arith.addi %mul3A_66, %add3A_300 : i32
        %mul3A_302 = arith.constant 2 : i32
        %mul3A_303 = arith.muli %add3A_301, %mul3A_302 : i32
        %add3A_304 = arith.constant 0 : i32
        %add3A_305 = arith.addi %mul3A_303, %add3A_304 : i32
        %dma_start3A_306 = arith.constant 0 : i32
        %dma_start3A_307 = arith.constant 0 : i32
        %dma_start3A_308 = arith.constant 0 : i32
        %dma_start3A_309 = arith.constant 0 : i32
        %dma_start3A_310 = tpu.memref_slice %arg8[%dma_start3A_306, %dma_start3A_307, %dma_start3A_308, %dma_start3A_309] : memref<2x2x128x64xf32, #tpu.memory_space<vmem>> -> memref<1x1x128x64xf32, #tpu.memory_space<vmem>>
        %dma_start3A_311 = tpu.memref_squeeze %dma_start3A_310 : memref<1x1x128x64xf32, #tpu.memory_space<vmem>> -> memref<128x64xf32, #tpu.memory_space<vmem>>
        %dma_start3A_312 = arith.constant 0 : i32
        %dma_start3A_313 = tpu.memref_slice %arg6[%add3A_305, %dma_start3A_312] : memref<80x128xi32, #tpu.memory_space<vmem>> -> memref<1x128xi32, #tpu.memory_space<vmem>>
        %dma_start3A_314 = tpu.memref_squeeze %dma_start3A_313 : memref<1x128xi32, #tpu.memory_space<vmem>> -> memref<128xi32, #tpu.memory_space<vmem>>
        %dma_start3A_315 = arith.constant 0 : i32
        %dma_start3A_316 = arith.constant 0 : i32
        %dma_start3A_317 = tpu.memref_slice %arg2[%dma_start3A_315, %dma_start3A_316] : memref<10240x64xf32, #tpu.memory_space<hbm>> -> memref<10240x64xf32, #tpu.memory_space<hbm>>
        tpu.enqueue_indirect_dma source(%dma_start3A_317 : memref<10240x64xf32, #tpu.memory_space<hbm>>) target(%dma_start3A_311 : memref<128x64xf32, #tpu.memory_space<vmem>>) offsets(%dma_start3A_314 : memref<128xi32, #tpu.memory_space<vmem>>) semaphore(%arg10 : memref<!tpu.dma_semaphore, #tpu.memory_space<semaphore_mem>>)
        %mul3A_318 = arith.constant 2 : i32
        %mul3A_319 = arith.muli %add3A_301, %mul3A_318 : i32
        %add3A_320 = arith.constant 1 : i32
        %add3A_321 = arith.addi %mul3A_319, %add3A_320 : i32
        %dma_start3A_322 = arith.constant 0 : i32
        %dma_start3A_323 = arith.constant 1 : i32
        %dma_start3A_324 = arith.constant 0 : i32
        %dma_start3A_325 = arith.constant 0 : i32
        %dma_start3A_326 = tpu.memref_slice %arg8[%dma_start3A_322, %dma_start3A_323, %dma_start3A_324, %dma_start3A_325] : memref<2x2x128x64xf32, #tpu.memory_space<vmem>> -> memref<1x1x128x64xf32, #tpu.memory_space<vmem>>
        %dma_start3A_327 = tpu.memref_squeeze %dma_start3A_326 : memref<1x1x128x64xf32, #tpu.memory_space<vmem>> -> memref<128x64xf32, #tpu.memory_space<vmem>>
        %dma_start3A_328 = arith.constant 0 : i32
        %dma_start3A_329 = tpu.memref_slice %arg6[%add3A_321, %dma_start3A_328] : memref<80x128xi32, #tpu.memory_space<vmem>> -> memref<1x128xi32, #tpu.memory_space<vmem>>
        %dma_start3A_330 = tpu.memref_squeeze %dma_start3A_329 : memref<1x128xi32, #tpu.memory_space<vmem>> -> memref<128xi32, #tpu.memory_space<vmem>>
        %dma_start3A_331 = arith.constant 0 : i32
        %dma_start3A_332 = arith.constant 0 : i32
        %dma_start3A_333 = tpu.memref_slice %arg2[%dma_start3A_331, %dma_start3A_332] : memref<10240x64xf32, #tpu.memory_space<hbm>> -> memref<10240x64xf32, #tpu.memory_space<hbm>>
        tpu.enqueue_indirect_dma source(%dma_start3A_333 : memref<10240x64xf32, #tpu.memory_space<hbm>>) target(%dma_start3A_327 : memref<128x64xf32, #tpu.memory_space<vmem>>) offsets(%dma_start3A_330 : memref<128xi32, #tpu.memory_space<vmem>>) semaphore(%arg10 : memref<!tpu.dma_semaphore, #tpu.memory_space<semaphore_mem>>)
      } else {
      }
      %add3A_198 = arith.constant 1 : i32
      %add3A_199 = arith.addi %mul3A_66, %add3A_198 : i32
      %mul3A_200 = arith.constant 2 : i32
      %mul3A_201 = arith.muli %add3A_199, %mul3A_200 : i32
      %add3A_202 = arith.constant 0 : i32
      %add3A_203 = arith.addi %mul3A_201, %add3A_202 : i32
      %dma_wait3A_204 = arith.constant 1 : i32
      %dma_wait3A_205 = arith.constant 0 : i32
      %dma_wait3A_206 = arith.constant 0 : i32
      %dma_wait3A_207 = arith.constant 0 : i32
      %dma_wait3A_208 = tpu.memref_slice %arg8[%dma_wait3A_204, %dma_wait3A_205, %dma_wait3A_206, %dma_wait3A_207] : memref<2x2x128x64xf32, #tpu.memory_space<vmem>> -> memref<1x1x128x64xf32, #tpu.memory_space<vmem>>
      %dma_wait3A_209 = tpu.memref_squeeze %dma_wait3A_208 : memref<1x1x128x64xf32, #tpu.memory_space<vmem>> -> memref<128x64xf32, #tpu.memory_space<vmem>>
      %dma_wait3A_210 = arith.constant 0 : i32
      %dma_wait3A_211 = tpu.memref_slice %arg6[%add3A_203, %dma_wait3A_210] : memref<80x128xi32, #tpu.memory_space<vmem>> -> memref<1x128xi32, #tpu.memory_space<vmem>>
      %dma_wait3A_212 = tpu.memref_squeeze %dma_wait3A_211 : memref<1x128xi32, #tpu.memory_space<vmem>> -> memref<128xi32, #tpu.memory_space<vmem>>
      %dma_wait3A_213 = arith.constant 0 : i32
      %dma_wait3A_214 = arith.constant 0 : i32
      %dma_wait3A_215 = tpu.memref_slice %arg2[%dma_wait3A_213, %dma_wait3A_214] : memref<10240x64xf32, #tpu.memory_space<hbm>> -> memref<10240x64xf32, #tpu.memory_space<hbm>>
      tpu.wait_indirect_dma semaphore(%arg10 : memref<!tpu.dma_semaphore, #tpu.memory_space<semaphore_mem>>) src(%dma_wait3A_215 : memref<10240x64xf32, #tpu.memory_space<hbm>>) dst(%dma_wait3A_209 : memref<128x64xf32, #tpu.memory_space<vmem>>)
      %mul3A_216 = arith.constant 2 : i32
      %mul3A_217 = arith.muli %add3A_199, %mul3A_216 : i32
      %add3A_218 = arith.constant 1 : i32
      %add3A_219 = arith.addi %mul3A_217, %add3A_218 : i32
      %dma_wait3A_220 = arith.constant 1 : i32
      %dma_wait3A_221 = arith.constant 1 : i32
      %dma_wait3A_222 = arith.constant 0 : i32
      %dma_wait3A_223 = arith.constant 0 : i32
      %dma_wait3A_224 = tpu.memref_slice %arg8[%dma_wait3A_220, %dma_wait3A_221, %dma_wait3A_222, %dma_wait3A_223] : memref<2x2x128x64xf32, #tpu.memory_space<vmem>> -> memref<1x1x128x64xf32, #tpu.memory_space<vmem>>
      %dma_wait3A_225 = tpu.memref_squeeze %dma_wait3A_224 : memref<1x1x128x64xf32, #tpu.memory_space<vmem>> -> memref<128x64xf32, #tpu.memory_space<vmem>>
      %dma_wait3A_226 = arith.constant 0 : i32
      %dma_wait3A_227 = tpu.memref_slice %arg6[%add3A_219, %dma_wait3A_226] : memref<80x128xi32, #tpu.memory_space<vmem>> -> memref<1x128xi32, #tpu.memory_space<vmem>>
      %dma_wait3A_228 = tpu.memref_squeeze %dma_wait3A_227 : memref<1x128xi32, #tpu.memory_space<vmem>> -> memref<128xi32, #tpu.memory_space<vmem>>
      %dma_wait3A_229 = arith.constant 0 : i32
      %dma_wait3A_230 = arith.constant 0 : i32
      %dma_wait3A_231 = tpu.memref_slice %arg2[%dma_wait3A_229, %dma_wait3A_230] : memref<10240x64xf32, #tpu.memory_space<hbm>> -> memref<10240x64xf32, #tpu.memory_space<hbm>>
      tpu.wait_indirect_dma semaphore(%arg10 : memref<!tpu.dma_semaphore, #tpu.memory_space<semaphore_mem>>) src(%dma_wait3A_231 : memref<10240x64xf32, #tpu.memory_space<hbm>>) dst(%dma_wait3A_225 : memref<128x64xf32, #tpu.memory_space<vmem>>)
      %add3A_232 = arith.constant 1 : i32
      %add3A_233 = arith.addi %mul3A_66, %add3A_232 : i32
      %mul3A_234 = arith.constant 2 : i32
      %mul3A_235 = arith.muli %add3A_233, %mul3A_234 : i32
      %add3A_236 = arith.constant 0 : i32
      %add3A_237 = arith.addi %mul3A_235, %add3A_236 : i32
      %dma_start3A_238 = arith.constant 1 : i32
      %dma_start3A_239 = arith.constant 0 : i32
      %dma_start3A_240 = arith.constant 0 : i32
      %dma_start3A_241 = arith.constant 0 : i32
      %dma_start3A_242 = tpu.memref_slice %arg8[%dma_start3A_238, %dma_start3A_239, %dma_start3A_240, %dma_start3A_241] : memref<2x2x128x64xf32, #tpu.memory_space<vmem>> -> memref<1x1x128x64xf32, #tpu.memory_space<vmem>>
      %dma_start3A_243 = tpu.memref_squeeze %dma_start3A_242 : memref<1x1x128x64xf32, #tpu.memory_space<vmem>> -> memref<128x64xf32, #tpu.memory_space<vmem>>
      %dma_start3A_244 = arith.constant 0 : i32
      %dma_start3A_245 = tpu.memref_slice %arg7[%add3A_237, %dma_start3A_244] : memref<80x128xi32, #tpu.memory_space<vmem>> -> memref<1x128xi32, #tpu.memory_space<vmem>>
      %dma_start3A_246 = tpu.memref_squeeze %dma_start3A_245 : memref<1x128xi32, #tpu.memory_space<vmem>> -> memref<128xi32, #tpu.memory_space<vmem>>
      %dma_start3A_247 = arith.constant 0 : i32
      %dma_start3A_248 = arith.constant 0 : i32
      %dma_start3A_249 = tpu.memref_slice %arg9[%dma_start3A_247, %dma_start3A_248] : memref<10240x64xf32, #tpu.memory_space<vmem_shared>> -> memref<10240x64xf32, #tpu.memory_space<vmem_shared>>
      tpu.enqueue_indirect_dma source(%dma_start3A_243 : memref<128x64xf32, #tpu.memory_space<vmem>>) target(%dma_start3A_249 : memref<10240x64xf32, #tpu.memory_space<vmem_shared>>) offsets(%dma_start3A_246 : memref<128xi32, #tpu.memory_space<vmem>>) semaphore(%arg11 : memref<!tpu.dma_semaphore, #tpu.memory_space<semaphore_mem>>) {add = true}
      %mul3A_250 = arith.constant 2 : i32
      %mul3A_251 = arith.muli %add3A_233, %mul3A_250 : i32
      %add3A_252 = arith.constant 1 : i32
      %add3A_253 = arith.addi %mul3A_251, %add3A_252 : i32
      %dma_start3A_254 = arith.constant 1 : i32
      %dma_start3A_255 = arith.constant 1 : i32
      %dma_start3A_256 = arith.constant 0 : i32
      %dma_start3A_257 = arith.constant 0 : i32
      %dma_start3A_258 = tpu.memref_slice %arg8[%dma_start3A_254, %dma_start3A_255, %dma_start3A_256, %dma_start3A_257] : memref<2x2x128x64xf32, #tpu.memory_space<vmem>> -> memref<1x1x128x64xf32, #tpu.memory_space<vmem>>
      %dma_start3A_259 = tpu.memref_squeeze %dma_start3A_258 : memref<1x1x128x64xf32, #tpu.memory_space<vmem>> -> memref<128x64xf32, #tpu.memory_space<vmem>>
      %dma_start3A_260 = arith.constant 0 : i32
      %dma_start3A_261 = tpu.memref_slice %arg7[%add3A_253, %dma_start3A_260] : memref<80x128xi32, #tpu.memory_space<vmem>> -> memref<1x128xi32, #tpu.memory_space<vmem>>
      %dma_start3A_262 = tpu.memref_squeeze %dma_start3A_261 : memref<1x128xi32, #tpu.memory_space<vmem>> -> memref<128xi32, #tpu.memory_space<vmem>>
      %dma_start3A_263 = arith.constant 0 : i32
      %dma_start3A_264 = arith.constant 0 : i32
      %dma_start3A_265 = tpu.memref_slice %arg9[%dma_start3A_263, %dma_start3A_264] : memref<10240x64xf32, #tpu.memory_space<vmem_shared>> -> memref<10240x64xf32, #tpu.memory_space<vmem_shared>>
      tpu.enqueue_indirect_dma source(%dma_start3A_259 : memref<128x64xf32, #tpu.memory_space<vmem>>) target(%dma_start3A_265 : memref<10240x64xf32, #tpu.memory_space<vmem_shared>>) offsets(%dma_start3A_262 : memref<128xi32, #tpu.memory_space<vmem>>) semaphore(%arg11 : memref<!tpu.dma_semaphore, #tpu.memory_space<semaphore_mem>>) {add = true}
      %add3A_266 = arith.constant 1 : i32
      %add3A_267 = arith.addi %mul3A_66, %add3A_266 : i32
      %mul3A_268 = arith.constant 2 : i32
      %mul3A_269 = arith.muli %add3A_267, %mul3A_268 : i32
      %add3A_270 = arith.constant 0 : i32
      %add3A_271 = arith.addi %mul3A_269, %add3A_270 : i32
      %dma_wait3A_272 = arith.constant 1 : i32
      %dma_wait3A_273 = arith.constant 0 : i32
      %dma_wait3A_274 = arith.constant 0 : i32
      %dma_wait3A_275 = arith.constant 0 : i32
      %dma_wait3A_276 = tpu.memref_slice %arg8[%dma_wait3A_272, %dma_wait3A_273, %dma_wait3A_274, %dma_wait3A_275] : memref<2x2x128x64xf32, #tpu.memory_space<vmem>> -> memref<1x1x128x64xf32, #tpu.memory_space<vmem>>
      %dma_wait3A_277 = tpu.memref_squeeze %dma_wait3A_276 : memref<1x1x128x64xf32, #tpu.memory_space<vmem>> -> memref<128x64xf32, #tpu.memory_space<vmem>>
      %dma_wait3A_278 = arith.constant 0 : i32
      %dma_wait3A_279 = tpu.memref_slice %arg7[%add3A_271, %dma_wait3A_278] : memref<80x128xi32, #tpu.memory_space<vmem>> -> memref<1x128xi32, #tpu.memory_space<vmem>>
      %dma_wait3A_280 = tpu.memref_squeeze %dma_wait3A_279 : memref<1x128xi32, #tpu.memory_space<vmem>> -> memref<128xi32, #tpu.memory_space<vmem>>
      %dma_wait3A_281 = arith.constant 0 : i32
      %dma_wait3A_282 = arith.constant 0 : i32
      %dma_wait3A_283 = tpu.memref_slice %arg9[%dma_wait3A_281, %dma_wait3A_282] : memref<10240x64xf32, #tpu.memory_space<vmem_shared>> -> memref<10240x64xf32, #tpu.memory_space<vmem_shared>>
      tpu.wait_indirect_dma semaphore(%arg11 : memref<!tpu.dma_semaphore, #tpu.memory_space<semaphore_mem>>) src(%dma_wait3A_277 : memref<128x64xf32, #tpu.memory_space<vmem>>) dst(%dma_wait3A_283 : memref<10240x64xf32, #tpu.memory_space<vmem_shared>>)
      %mul3A_284 = arith.constant 2 : i32
      %mul3A_285 = arith.muli %add3A_267, %mul3A_284 : i32
      %add3A_286 = arith.constant 1 : i32
      %add3A_287 = arith.addi %mul3A_285, %add3A_286 : i32
      %dma_wait3A_288 = arith.constant 1 : i32
      %dma_wait3A_289 = arith.constant 1 : i32
      %dma_wait3A_290 = arith.constant 0 : i32
      %dma_wait3A_291 = arith.constant 0 : i32
      %dma_wait3A_292 = tpu.memref_slice %arg8[%dma_wait3A_288, %dma_wait3A_289, %dma_wait3A_290, %dma_wait3A_291] : memref<2x2x128x64xf32, #tpu.memory_space<vmem>> -> memref<1x1x128x64xf32, #tpu.memory_space<vmem>>
      %dma_wait3A_293 = tpu.memref_squeeze %dma_wait3A_292 : memref<1x1x128x64xf32, #tpu.memory_space<vmem>> -> memref<128x64xf32, #tpu.memory_space<vmem>>
      %dma_wait3A_294 = arith.constant 0 : i32
      %dma_wait3A_295 = tpu.memref_slice %arg7[%add3A_287, %dma_wait3A_294] : memref<80x128xi32, #tpu.memory_space<vmem>> -> memref<1x128xi32, #tpu.memory_space<vmem>>
      %dma_wait3A_296 = tpu.memref_squeeze %dma_wait3A_295 : memref<1x128xi32, #tpu.memory_space<vmem>> -> memref<128xi32, #tpu.memory_space<vmem>>
      %dma_wait3A_297 = arith.constant 0 : i32
      %dma_wait3A_298 = arith.constant 0 : i32
      %dma_wait3A_299 = tpu.memref_slice %arg9[%dma_wait3A_297, %dma_wait3A_298] : memref<10240x64xf32, #tpu.memory_space<vmem_shared>> -> memref<10240x64xf32, #tpu.memory_space<vmem_shared>>
      tpu.wait_indirect_dma semaphore(%arg11 : memref<!tpu.dma_semaphore, #tpu.memory_space<semaphore_mem>>) src(%dma_wait3A_293 : memref<128x64xf32, #tpu.memory_space<vmem>>) dst(%dma_wait3A_299 : memref<10240x64xf32, #tpu.memory_space<vmem_shared>>)
    }
    %scan3A_62 = arith.constant 20 : i32
    %barrier3A_63 = arith.constant 0 : index
    tpu.barrier barrier_id(%barrier3A_63)
    "tpu.region"() ({
      %run_scoped3A_64 = tpu.sem_alloc : memref<!tpu.dma_semaphore, #tpu.memory_space<semaphore_mem>>
      %dma_start3A_65 = arith.constant 0 : i32
      %dma_start3A_66 = tpu.memref_slice %arg5[%arg0, %mul3A_2, %dma_start3A_65] : memref<2x10240x64xf32, #tpu.memory_space<hbm>> -> memref<1x640x64xf32, #tpu.memory_space<hbm>>
      %dma_start3A_67 = tpu.memref_squeeze %dma_start3A_66 : memref<1x640x64xf32, #tpu.memory_space<hbm>> -> memref<640x64xf32, #tpu.memory_space<hbm>>
      %dma_start3A_68 = arith.constant 0 : i32
      %dma_start3A_69 = tpu.memref_slice %arg9[%mul3A_2, %dma_start3A_68] : memref<10240x64xf32, #tpu.memory_space<vmem_shared>> -> memref<640x64xf32, #tpu.memory_space<vmem_shared>>
      tpu.enqueue_dma source(%dma_start3A_69 : memref<640x64xf32, #tpu.memory_space<vmem_shared>>) target(%dma_start3A_67 : memref<640x64xf32, #tpu.memory_space<hbm>>) target_semaphore(%run_scoped3A_64 : memref<!tpu.dma_semaphore, #tpu.memory_space<semaphore_mem>>)
      %dma_wait3A = arith.constant 0 : i32
      %dma_wait3A_70 = tpu.memref_slice %arg5[%arg0, %mul3A_2, %dma_wait3A] : memref<2x10240x64xf32, #tpu.memory_space<hbm>> -> memref<1x640x64xf32, #tpu.memory_space<hbm>>
      %dma_wait3A_71 = tpu.memref_squeeze %dma_wait3A_70 : memref<1x640x64xf32, #tpu.memory_space<hbm>> -> memref<640x64xf32, #tpu.memory_space<hbm>>
      %dma_wait3A_72 = arith.constant 0 : i32
      %dma_wait3A_73 = tpu.memref_slice %arg9[%mul3A_2, %dma_wait3A_72] : memref<10240x64xf32, #tpu.memory_space<vmem_shared>> -> memref<640x64xf32, #tpu.memory_space<vmem_shared>>
      tpu.wait_dma2 semaphore(%run_scoped3A_64 : memref<!tpu.dma_semaphore, #tpu.memory_space<semaphore_mem>>) src(%dma_wait3A_73 : memref<640x64xf32, #tpu.memory_space<vmem_shared>>) dst(%dma_wait3A_71 : memref<640x64xf32, #tpu.memory_space<hbm>>)
      tpu.yield
    }) : () -> ()
    return
  }
}

module attributes {stable_mosaic.version = 14 : i64} {
  func.func @_mm1_body(%arg0: i32, %arg1: memref<2048x128xf32, #tpu.memory_space<vmem>>, %arg2: memref<128x64xf32, #tpu.memory_space<vmem>>, %arg3: memref<2048x64xf32, #tpu.memory_space<vmem>>) attributes {dimension_semantics = [#tpu.dimension_semantics<arbitrary>], iteration_bounds = array<i64: 5>, scalar_prefetch = 0 : i64, scratch_operands = 0 : i64, tpu.core_type = #tpu.core_type<tc>, window_params = [{transform_indices = @transform_0, window_bounds = array<i64: 2048, 128>}, {pipeline_mode = #tpu.pipeline_mode<synchronous>, transform_indices = @transform_1, window_bounds = array<i64: 128, 64>}, {transform_indices = @transform_2, window_bounds = array<i64: 2048, 64>}]} {
    %get3A = arith.constant 0 : index
    %get3A_0 = arith.constant 0 : index
    %get3A_1 = vector.load %arg1[%get3A, %get3A_0] : memref<2048x128xf32, #tpu.memory_space<vmem>>, vector<2048x128xf32>
    %get3A_2 = arith.constant 0 : index
    %get3A_3 = arith.constant 0 : index
    %get3A_4 = vector.load %arg2[%get3A_2, %get3A_3] : memref<128x64xf32, #tpu.memory_space<vmem>>, vector<128x64xf32>
    %dot_general3A = arith.constant dense<0.000000e+00> : vector<2048x64xf32>
    %dot_general3A_5 = tpu.matmul %get3A_1, %get3A_4, %dot_general3A {dimension_numbers = #tpu.dot_dimension_numbers<[1], [0], [0], [1], [0, 0, 1, 1], [], []>, transpose_lhs_hint = false} : vector<2048x128xf32>, vector<128x64xf32>, vector<2048x64xf32> -> vector<2048x64xf32>
    %swap3A = arith.constant 0 : index
    %swap3A_6 = arith.constant 0 : index
    %swap3A_7 = vector.load %arg3[%swap3A, %swap3A_6] : memref<2048x64xf32, #tpu.memory_space<vmem>>, vector<2048x64xf32>
    tpu.vector_store %arg3[%swap3A, %swap3A_6], %dot_general3A_5 {strides = array<i32>} : memref<2048x64xf32, #tpu.memory_space<vmem>>, vector<2048x64xf32>,
    return
  }
  func.func @transform_0(%arg0: i32) -> (i32, i32) {
    %c0_i32 = arith.constant 0 : i32
    %c0_i32_0 = arith.constant 0 : i32
    return %arg0, %c0_i32 : i32, i32
  }
  func.func @transform_1(%arg0: i32) -> (i32, i32) {
    %c0_i32 = arith.constant 0 : i32
    %c0_i32_0 = arith.constant 0 : i32
    %c0_i32_1 = arith.constant 0 : i32
    return %c0_i32, %c0_i32_0 : i32, i32
  }
  func.func @transform_2(%arg0: i32) -> (i32, i32) {
    %c0_i32 = arith.constant 0 : i32
    %c0_i32_0 = arith.constant 0 : i32
    return %arg0, %c0_i32 : i32, i32
  }
}

module attributes {stable_mosaic.version = 14 : i64} {
  func.func @_scale_body(%arg0: i32, %arg1: memref<1024x128xf32, #tpu.memory_space<vmem>>, %arg2: memref<1024x128xf32, #tpu.memory_space<vmem>>, %arg3: memref<1024x128xf32, #tpu.memory_space<vmem>>) attributes {dimension_semantics = [#tpu.dimension_semantics<arbitrary>], iteration_bounds = array<i64: 5>, scalar_prefetch = 0 : i64, scratch_operands = 0 : i64, tpu.core_type = #tpu.core_type<tc>, window_params = [{transform_indices = @transform_0, window_bounds = array<i64: 1024, 128>}, {transform_indices = @transform_1, window_bounds = array<i64: 1024, 128>}, {transform_indices = @transform_2, window_bounds = array<i64: 1024, 128>}]} {
    %get3A = arith.constant 0 : index
    %get3A_0 = arith.constant 0 : index
    %get3A_1 = vector.load %arg2[%get3A, %get3A_0] : memref<1024x128xf32, #tpu.memory_space<vmem>>, vector<1024x128xf32>
    %get3A_2 = arith.constant 0 : index
    %get3A_3 = arith.constant 0 : index
    %get3A_4 = vector.load %arg1[%get3A_2, %get3A_3] : memref<1024x128xf32, #tpu.memory_space<vmem>>, vector<1024x128xf32>
    %mul3A = arith.mulf %get3A_1, %get3A_4 : vector<1024x128xf32>
    %swap3A = arith.constant 0 : index
    %swap3A_5 = arith.constant 0 : index
    %swap3A_6 = vector.load %arg3[%swap3A, %swap3A_5] : memref<1024x128xf32, #tpu.memory_space<vmem>>, vector<1024x128xf32>
    tpu.vector_store %arg3[%swap3A, %swap3A_5], %mul3A {strides = array<i32>} : memref<1024x128xf32, #tpu.memory_space<vmem>>, vector<1024x128xf32>,
    return
  }
  func.func @transform_0(%arg0: i32) -> (i32, i32) {
    %c0_i32 = arith.constant 0 : i32
    %c0_i32_0 = arith.constant 0 : i32
    return %arg0, %c0_i32 : i32, i32
  }
  func.func @transform_1(%arg0: i32) -> (i32, i32) {
    %c0_i32 = arith.constant 0 : i32
    %c0_i32_0 = arith.constant 0 : i32
    return %arg0, %c0_i32 : i32, i32
  }
  func.func @transform_2(%arg0: i32) -> (i32, i32) {
    %c0_i32 = arith.constant 0 : i32
    %c0_i32_0 = arith.constant 0 : i32
    return %arg0, %c0_i32 : i32, i32
  }
}

module attributes {stable_mosaic.version = 14 : i64} {
  func.func @_tc3_body(%arg0: i32, %arg1: memref<2x1024x128xf32, #tpu.memory_space<vmem>>, %arg2: memref<1024x128xf32, #tpu.memory_space<vmem>>, %arg3: memref<1024x128xf32, #tpu.memory_space<vmem>>, %arg4: memref<1x128xf32, #tpu.memory_space<vmem>>, %arg5: memref<1024x128xf32, #tpu.memory_space<vmem>>) attributes {dimension_semantics = [#tpu.dimension_semantics<arbitrary>], iteration_bounds = array<i64: 5>, scalar_prefetch = 0 : i64, scratch_operands = 0 : i64, tpu.core_type = #tpu.core_type<tc>, window_params = [{transform_indices = @transform_0, window_bounds = array<i64: 2, 1024, 128>}, {transform_indices = @transform_1, window_bounds = array<i64: 1024, 128>}, {transform_indices = @transform_2, window_bounds = array<i64: 1024, 128>}, {pipeline_mode = #tpu.pipeline_mode<synchronous>, transform_indices = @transform_3, window_bounds = array<i64: 1, 128>}, {transform_indices = @transform_4, window_bounds = array<i64: 1024, 128>}]} {
    %get3A = arith.constant 0 : index
    %get3A_0 = arith.constant 0 : index
    %get3A_1 = vector.load %arg3[%get3A, %get3A_0] : memref<1024x128xf32, #tpu.memory_space<vmem>>, vector<1024x128xf32>
    %get3A_2 = arith.constant 0 : index
    %get3A_3 = arith.constant 0 : index
    %get3A_4 = arith.constant 0 : index
    %get3A_5 = vector.load %arg1[%get3A_2, %get3A_3, %get3A_4] : memref<2x1024x128xf32, #tpu.memory_space<vmem>>, vector<1x1024x128xf32>
    %get3A_6 = vector.shape_cast %get3A_5 : vector<1x1024x128xf32> to vector<1024x128xf32>
    %get3A_7 = arith.constant 1 : index
    %get3A_8 = arith.constant 0 : index
    %get3A_9 = arith.constant 0 : index
    %get3A_10 = vector.load %arg1[%get3A_7, %get3A_8, %get3A_9] : memref<2x1024x128xf32, #tpu.memory_space<vmem>>, vector<1x1024x128xf32>
    %get3A_11 = vector.shape_cast %get3A_10 : vector<1x1024x128xf32> to vector<1024x128xf32>
    %add3A = arith.addf %get3A_6, %get3A_11 : vector<1024x128xf32>
    %get3A_12 = arith.constant 0 : index
    %get3A_13 = arith.constant 0 : index
    %get3A_14 = vector.load %arg2[%get3A_12, %get3A_13] : memref<1024x128xf32, #tpu.memory_space<vmem>>, vector<1024x128xf32>
    %add3A_15 = arith.addf %add3A, %get3A_14 : vector<1024x128xf32>
    %mul3A = arith.mulf %get3A_1, %add3A_15 : vector<1024x128xf32>
    %get3A_16 = arith.constant 0 : index
    %get3A_17 = arith.constant 0 : index
    %get3A_18 = vector.load %arg4[%get3A_16, %get3A_17] : memref<1x128xf32, #tpu.memory_space<vmem>>, vector<1x128xf32>
    %add3A_19 = vector.broadcast %get3A_18 : vector<1x128xf32> to vector<1024x128xf32>
    %add3A_20 = arith.addf %mul3A, %add3A_19 : vector<1024x128xf32>
    %slice3A = vector.extract_strided_slice %add3A_20 {offsets = [0, 0], sizes = [1024, 64], strides = [1, 1]} : vector<1024x128xf32> to vector<1024x64xf32>
    %reduce_max3A = arith.constant dense<0xFF800000> : vector<1024xf32>
    %reduce_max3A_21 = vector.multi_reduction <maximumf>, %slice3A, %reduce_max3A [1] : vector<1024x64xf32> to vector<1024xf32>
    %broadcast_in_dim3A = vector.shape_cast %reduce_max3A_21 : vector<1024xf32> to vector<1024x1xf32>
    %sub3A = vector.broadcast %broadcast_in_dim3A : vector<1024x1xf32> to vector<1024x64xf32>
    %sub3A_22 = arith.subf %slice3A, %sub3A : vector<1024x64xf32>
    %exp3A = math.exp %sub3A_22 : vector<1024x64xf32>
    %reduce_sum3A = arith.constant dense<0.000000e+00> : vector<1024xf32>
    %reduce_sum3A_23 = vector.multi_reduction <add>, %exp3A, %reduce_sum3A [1] : vector<1024x64xf32> to vector<1024xf32>
    %broadcast_in_dim3A_24 = vector.shape_cast %reduce_sum3A_23 : vector<1024xf32> to vector<1024x1xf32>
    %log3A = math.log %broadcast_in_dim3A_24 : vector<1024x1xf32>
    %add3A_25 = arith.addf %log3A, %broadcast_in_dim3A : vector<1024x1xf32>
    %sub3A_26 = vector.broadcast %add3A_25 : vector<1024x1xf32> to vector<1024x64xf32>
    %sub3A_27 = arith.subf %slice3A, %sub3A_26 : vector<1024x64xf32>
    %swap3A = arith.constant 0 : index
    %swap3A_28 = arith.constant 0 : index
    %swap3A_29 = vector.load %arg5[%swap3A, %swap3A_28] : memref<1024x128xf32, #tpu.memory_space<vmem>>, vector<1024x64xf32>
    tpu.vector_store %arg5[%swap3A, %swap3A_28], %sub3A_27 {strides = array<i32>} : memref<1024x128xf32, #tpu.memory_space<vmem>>, vector<1024x64xf32>,
    %slice3A_30 = vector.extract_strided_slice %add3A_20 {offsets = [0, 64], sizes = [1024, 64], strides = [1, 1]} : vector<1024x128xf32> to vector<1024x64xf32>
    %reduce_max3A_31 = arith.constant dense<0xFF800000> : vector<1024xf32>
    %reduce_max3A_32 = vector.multi_reduction <maximumf>, %slice3A_30, %reduce_max3A_31 [1] : vector<1024x64xf32> to vector<1024xf32>
    %broadcast_in_dim3A_33 = vector.shape_cast %reduce_max3A_32 : vector<1024xf32> to vector<1024x1xf32>
    %sub3A_34 = vector.broadcast %broadcast_in_dim3A_33 : vector<1024x1xf32> to vector<1024x64xf32>
    %sub3A_35 = arith.subf %slice3A_30, %sub3A_34 : vector<1024x64xf32>
    %exp3A_36 = math.exp %sub3A_35 : vector<1024x64xf32>
    %reduce_sum3A_37 = arith.constant dense<0.000000e+00> : vector<1024xf32>
    %reduce_sum3A_38 = vector.multi_reduction <add>, %exp3A_36, %reduce_sum3A_37 [1] : vector<1024x64xf32> to vector<1024xf32>
    %broadcast_in_dim3A_39 = vector.shape_cast %reduce_sum3A_38 : vector<1024xf32> to vector<1024x1xf32>
    %log3A_40 = math.log %broadcast_in_dim3A_39 : vector<1024x1xf32>
    %add3A_41 = arith.addf %log3A_40, %broadcast_in_dim3A_33 : vector<1024x1xf32>
    %sub3A_42 = vector.broadcast %add3A_41 : vector<1024x1xf32> to vector<1024x64xf32>
    %sub3A_43 = arith.subf %slice3A_30, %sub3A_42 : vector<1024x64xf32>
    %swap3A_44 = arith.constant 0 : index
    %swap3A_45 = arith.constant 64 : index
    %swap3A_46 = vector.load %arg5[%swap3A_44, %swap3A_45] : memref<1024x128xf32, #tpu.memory_space<vmem>>, vector<1024x64xf32>
    tpu.vector_store %arg5[%swap3A_44, %swap3A_45], %sub3A_43 {strides = array<i32>} : memref<1024x128xf32, #tpu.memory_space<vmem>>, vector<1024x64xf32>,
    return
  }
  func.func @transform_0(%arg0: i32) -> (i32, i32, i32) {
    %c0_i32 = arith.constant 0 : i32
    %c0_i32_0 = arith.constant 0 : i32
    %c0_i32_1 = arith.constant 0 : i32
    return %c0_i32, %arg0, %c0_i32_0 : i32, i32, i32
  }
  func.func @transform_1(%arg0: i32) -> (i32, i32) {
    %c0_i32 = arith.constant 0 : i32
    %c0_i32_0 = arith.constant 0 : i32
    return %arg0, %c0_i32 : i32, i32
  }
  func.func @transform_2(%arg0: i32) -> (i32, i32) {
    %c0_i32 = arith.constant 0 : i32
    %c0_i32_0 = arith.constant 0 : i32
    return %arg0, %c0_i32 : i32, i32
  }
  func.func @transform_3(%arg0: i32) -> (i32, i32) {
    %c0_i32 = arith.constant 0 : i32
    %c0_i32_0 = arith.constant 0 : i32
    %c0_i32_1 = arith.constant 0 : i32
    return %c0_i32, %c0_i32_0 : i32, i32
  }
  func.func @transform_4(%arg0: i32) -> (i32, i32) {
    %c0_i32 = arith.constant 0 : i32
    %c0_i32_0 = arith.constant 0 : i32
    return %arg0, %c0_i32 : i32, i32
  }
}

module attributes {stable_mosaic.version = 14 : i64} {
  func.func @_tc2_body(%arg0: i32, %arg1: memref<2x1024x128xf32, #tpu.memory_space<vmem>>, %arg2: memref<1024x128xf32, #tpu.memory_space<vmem>>, %arg3: memref<1024x128xf32, #tpu.memory_space<vmem>>, %arg4: memref<1x128xf32, #tpu.memory_space<vmem>>, %arg5: memref<128x128xf32, #tpu.memory_space<vmem>>, %arg6: memref<1024x128xf32, #tpu.memory_space<vmem>>) attributes {dimension_semantics = [#tpu.dimension_semantics<arbitrary>], iteration_bounds = array<i64: 5>, scalar_prefetch = 0 : i64, scratch_operands = 0 : i64, tpu.core_type = #tpu.core_type<tc>, window_params = [{transform_indices = @transform_0, window_bounds = array<i64: 2, 1024, 128>}, {transform_indices = @transform_1, window_bounds = array<i64: 1024, 128>}, {transform_indices = @transform_2, window_bounds = array<i64: 1024, 128>}, {pipeline_mode = #tpu.pipeline_mode<synchronous>, transform_indices = @transform_3, window_bounds = array<i64: 1, 128>}, {pipeline_mode = #tpu.pipeline_mode<synchronous>, transform_indices = @transform_4, window_bounds = array<i64: 128, 128>}, {transform_indices = @transform_5, window_bounds = array<i64: 1024, 128>}]} {
    %get3A = arith.constant 0 : index
    %get3A_0 = arith.constant 0 : index
    %get3A_1 = vector.load %arg3[%get3A, %get3A_0] : memref<1024x128xf32, #tpu.memory_space<vmem>>, vector<1024x128xf32>
    %get3A_2 = arith.constant 0 : index
    %get3A_3 = arith.constant 0 : index
    %get3A_4 = arith.constant 0 : index
    %get3A_5 = vector.load %arg1[%get3A_2, %get3A_3, %get3A_4] : memref<2x1024x128xf32, #tpu.memory_space<vmem>>, vector<1x1024x128xf32>
    %get3A_6 = vector.shape_cast %get3A_5 : vector<1x1024x128xf32> to vector<1024x128xf32>
    %get3A_7 = arith.constant 1 : index
    %get3A_8 = arith.constant 0 : index
    %get3A_9 = arith.constant 0 : index
    %get3A_10 = vector.load %arg1[%get3A_7, %get3A_8, %get3A_9] : memref<2x1024x128xf32, #tpu.memory_space<vmem>>, vector<1x1024x128xf32>
    %get3A_11 = vector.shape_cast %get3A_10 : vector<1x1024x128xf32> to vector<1024x128xf32>
    %add3A = arith.addf %get3A_6, %get3A_11 : vector<1024x128xf32>
    %get3A_12 = arith.constant 0 : index
    %get3A_13 = arith.constant 0 : index
    %get3A_14 = vector.load %arg2[%get3A_12, %get3A_13] : memref<1024x128xf32, #tpu.memory_space<vmem>>, vector<1024x128xf32>
    %add3A_15 = arith.addf %add3A, %get3A_14 : vector<1024x128xf32>
    %mul3A = arith.mulf %get3A_1, %add3A_15 : vector<1024x128xf32>
    %get3A_16 = arith.constant 0 : index
    %get3A_17 = arith.constant 0 : index
    %get3A_18 = vector.load %arg4[%get3A_16, %get3A_17] : memref<1x128xf32, #tpu.memory_space<vmem>>, vector<1x128xf32>
    %add3A_19 = vector.broadcast %get3A_18 : vector<1x128xf32> to vector<1024x128xf32>
    %add3A_20 = arith.addf %mul3A, %add3A_19 : vector<1024x128xf32>
    %max3A = arith.constant 0.000000e+00 : f32
    %max3A_21 = vector.broadcast %max3A : f32 to vector<1024x128xf32>
    %max3A_22 = arith.maximumf %add3A_20, %max3A_21 : vector<1024x128xf32>
    %get3A_23 = arith.constant 0 : index
    %get3A_24 = arith.constant 0 : index
    %get3A_25 = vector.load %arg5[%get3A_23, %get3A_24] : memref<128x128xf32, #tpu.memory_space<vmem>>, vector<128x128xf32>
    %dot_general3A = arith.constant dense<0.000000e+00> : vector<1024x128xf32>
    %dot_general3A_26 = tpu.matmul %max3A_22, %get3A_25, %dot_general3A {dimension_numbers = #tpu.dot_dimension_numbers<[1], [0], [0], [1], [0, 0, 1, 1], [], []>, transpose_lhs_hint = false} : vector<1024x128xf32>, vector<128x128xf32>, vector<1024x128xf32> -> vector<1024x128xf32>
    %get3A_27 = arith.constant 0 : index
    %get3A_28 = arith.constant 0 : index
    %get3A_29 = vector.load %arg3[%get3A_27, %get3A_28] : memref<1024x128xf32, #tpu.memory_space<vmem>>, vector<1024x128xf32>
    %mul3A_30 = arith.mulf %get3A_29, %dot_general3A_26 : vector<1024x128xf32>
    %swap3A = arith.constant 0 : index
    %swap3A_31 = arith.constant 0 : index
    %swap3A_32 = vector.load %arg6[%swap3A, %swap3A_31] : memref<1024x128xf32, #tpu.memory_space<vmem>>, vector<1024x128xf32>
    tpu.vector_store %arg6[%swap3A, %swap3A_31], %mul3A_30 {strides = array<i32>} : memref<1024x128xf32, #tpu.memory_space<vmem>>, vector<1024x128xf32>,
    return
  }
  func.func @transform_0(%arg0: i32) -> (i32, i32, i32) {
    %c0_i32 = arith.constant 0 : i32
    %c0_i32_0 = arith.constant 0 : i32
    %c0_i32_1 = arith.constant 0 : i32
    return %c0_i32, %arg0, %c0_i32_0 : i32, i32, i32
  }
  func.func @transform_1(%arg0: i32) -> (i32, i32) {
    %c0_i32 = arith.constant 0 : i32
    %c0_i32_0 = arith.constant 0 : i32
    return %arg0, %c0_i32 : i32, i32
  }
  func.func @transform_2(%arg0: i32) -> (i32, i32) {
    %c0_i32 = arith.constant 0 : i32
    %c0_i32_0 = arith.constant 0 : i32
    return %arg0, %c0_i32 : i32, i32
  }
  func.func @transform_3(%arg0: i32) -> (i32, i32) {
    %c0_i32 = arith.constant 0 : i32
    %c0_i32_0 = arith.constant 0 : i32
    %c0_i32_1 = arith.constant 0 : i32
    return %c0_i32, %c0_i32_0 : i32, i32
  }
  func.func @transform_4(%arg0: i32) -> (i32, i32) {
    %c0_i32 = arith.constant 0 : i32
    %c0_i32_0 = arith.constant 0 : i32
    %c0_i32_1 = arith.constant 0 : i32
    return %c0_i32, %c0_i32_0 : i32, i32
  }
  func.func @transform_5(%arg0: i32) -> (i32, i32) {
    %c0_i32 = arith.constant 0 : i32
    %c0_i32_0 = arith.constant 0 : i32
    return %arg0, %c0_i32 : i32, i32
  }
}

</mosaic_0001>

<sc_bundles>
// kernel: kernel.12.cloned.1.call-start
scs
__scs_entry_jumppad:
0x0: {  	(pc) =	sbr.rel $0x88, $3  }
0x1: {  	(tag) =	ssettag $0x0;
	lr =	simm.s32 $0x1  }
0x2: {  	[smem:$0x3F9B] =	sst lr;
	_ =	strace $0xD0000000  }
0x3: {  	_ = 	snop  }
0x4: {  	_ = 	snop  }
0x5: {  	_ = 	snop  }
0x6: {  	_ = 	snop  }
0x7: {  	_ = 	snop  }
__scs_overlays_trampoline_lowered:
0x8: {  	[smem:$0x3FAA] =	sst s0  }
0x9: {  	[smem:$0x3FAB] =	sst s1  }
0xa: {  	[smem:$0x3FAC] =	sst s2  }
0xb: {  	[smem:$0x3FAD] =	sst s3  }
0xc: {  	[smem:$0x3FAE] =	sst s4  }
0xd: {  	[smem:$0x3FAF] =	sst s5  }
0xe: {  	[smem:$0x3FB0] =	sst s6  }
0xf: {  	[smem:$0x3FB1] =	sst s7  }
0x10: {  	[smem:$0x3FB2] =	sst s8  }
0x11: {  	[smem:$0x3FB3] =	sst s9;
	s0 =	simm.s32 @!p0 $0x0  }
0x12: {  	s1 =	sld [smem:$0x3F99];
	s0 =	simm.s32 @p0 $0x1  }
0x13: {  	[smem:$0x3FB4] =	sst s0;
	s0 =	simm.s32 @!p1 $0x0  }
0x14: {  	s2 =	sld [smem:$0x3F98];
	s0 =	simm.s32 @p1 $0x1  }
0x15: {  	[smem:$0x3FB5] =	sst s0;
	s0 =	simm.s32 @!p2 $0x0  }
0x16: {  	s3 =	sld [smem:$0x3FDB];
	s0 =	simm.s32 @p2 $0x1  }
0x17: {  	s4 =	simm.s32 $0x1BF5;
	[smem:$0x3FB7] =	sst s0  }
0x18: {  	s0 =	sld [smem:$0x3F9A];
	_ =	swait.ge [sflag:s4], $0x0  }
0x19: {  	s7 =	sld [smem:$0x3F9B]  }
0x1a: {  	s8 =	sadd.s32 $0xFFFFE003, lr  }
0x1b: {  	s9 =	sadd.s32 $0xFFFFFEF7, lr;
	s5 =	simm.s32 $0xFFFFFFFF;
	p2 =	slt.u32 s8, $0xFFFFF086  }
0x1c: {  	p1 =	slt.u32 s9, $0xF7A;
	s5 =	simm.s32 @!p2 $0x0  }
0x1d: {  	s5 =	simm.s32 @p1 $0x1;
	p0 =	seq.s32 s7, s2  }
0x1e: {  	s7 =	smul.u32 @!p0 $0xF7A, s2;
	p2 =	seq.s32 @!p0 s5, $0x0  }
0x1f: {  	s9 =	smul.u32 $0xF7A, s1;
	s8 =	simm.s32 @!p0 $0x1BF5;
	p2 =	por !p2, p0  }
0x20: {  	[sflag:s8] =	ssyncset.s32 @!p0 $0xFFFFF086;
	s6 =	sadd.s32 @!p0 s3, s7;
	s7 =	simm.s32 @!p0 $0x108  }
0x21: {  	s3 =	sadd.s32 s3, s9;
	s6 =	sadd.s32 @!p0 $0x88, s6;
	s7 =	simm.s32 @p2 $0x1082  }
0x22: {  	[simem:s7], [sflag:s8] =	dma.local @!p0 [hbm:s6], $0xF7A  }
0x23: {  	s9 =	sor.u32 $0xD0000000, s2;
	s6 =	simm.s32 $0x108;
	_ =	swait.ge @!p0 [sflag:s8], $0x0  }
0x24: {  	s3 =	sadd.s32 $0x88, s3;
	s6 =	simm.s32 @!p1 $0x1082;
	[sflag:s4] =	ssyncset.s32 $0xFFFFF086  }
0x25: {  	[simem:s6], [sflag:s4] =	dma.local [hbm:s3], $0xF7A  }
0x26: {  	[smem:$0x3F9B] =	sst s1;
	(tag) =	ssettag s2;
	_ =	strace s9  }
0x27: {  	s1 =	sld [smem:$0x3FAB]  }
0x28: {  	s2 =	sld [smem:$0x3FAC]  }
0x29: {  	s4 =	sld [smem:$0x3FAE]  }
0x2a: {  	p0 =	seq.s32 s5, $0x0;
	s5 =	sld [smem:$0x3FAF]  }
0x2b: {  	s6 =	sld [smem:$0x3FB0]  }
0x2c: {  	s7 =	sld [smem:$0x3FB1]  }
0x2d: {  	s3 =	simm.s32 $0x108;
	s8 =	sld [smem:$0x3FB2]  }
0x2e: {  	s3 =	simm.s32 @!p0 $0x1082;
	s9 =	sld [smem:$0x3FB3]  }
0x2f: {  	lr =	sadd.s32 s0, s3;
	s0 =	sld [smem:$0x3FAA]  }
0x30: {  	s3 =	sld [smem:$0x3FAD]  }
0x31: {  	[smem:$0x3FB6] =	sst s10  }
0x32: {  	s10 =	sld [smem:$0x3FB4];
	_ =	sdelay $0x3  }
0x33: {  	p0 =	seq.s32 s10, $0x1;
	s10 =	sld [smem:$0x3FB6];
	_ =	sdelay $0x3  }
0x34: {  	[smem:$0x3FB6] =	sst s10  }
0x35: {  	s10 =	sld [smem:$0x3FB5];
	_ =	sdelay $0x3  }
0x36: {  	p1 =	seq.s32 s10, $0x1;
	s10 =	sld [smem:$0x3FB6];
	_ =	sdelay $0x3  }
0x37: {  	[smem:$0x3FB6] =	sst s10  }
0x38: {  	s10 =	sld [smem:$0x3FB7]  }
0x39: {  	_ = 	snop;
	(pc) =	sbr.ind lr, $3  }
0x3a: {  	_ = 	snop  }
0x3b: {  	_ = 	snop  }
0x3c: {  	p2 =	seq.s32 s10, $0x1;
	s10 =	sld [smem:$0x3FB6]  }
0x3d: {  	_ =	shalt  }
0x3e: {  	_ =	shalt  }
0x3f: {  	_ =	shalt  }
0x40: {  	_ =	shalt  }
0x41: {  	_ =	shalt  }
0x42: {  	_ =	shalt  }
0x43: {  	_ =	shalt  }
0x44: {  	_ =	shalt  }
0x45: {  	_ =	shalt  }
0x46: {  	_ =	shalt  }
0x47: {  	_ =	shalt  }
0x48: {  	_ =	shalt  }
0x49: {  	_ =	shalt  }
0x4a: {  	_ =	shalt  }
0x4b: {  	_ =	shalt  }
0x4c: {  	_ =	shalt  }
0x4d: {  	_ =	shalt  }
0x4e: {  	_ =	shalt  }
0x4f: {  	_ =	shalt  }
0x50: {  	_ =	shalt  }
0x51: {  	_ =	shalt  }
0x52: {  	_ =	shalt  }
0x53: {  	_ =	shalt  }
0x54: {  	_ =	shalt  }
0x55: {  	_ =	shalt  }
0x56: {  	_ =	shalt  }
0x57: {  	_ =	shalt  }
0x58: {  	_ =	shalt  }
0x59: {  	_ =	shalt  }
0x5a: {  	_ =	shalt  }
0x5b: {  	_ =	shalt  }
0x5c: {  	_ =	shalt  }
0x5d: {  	_ =	shalt  }
0x5e: {  	_ =	shalt  }
0x5f: {  	_ =	shalt  }
0x60: {  	_ =	shalt  }
0x61: {  	_ =	shalt  }
0x62: {  	_ =	shalt  }
0x63: {  	_ =	shalt  }
0x64: {  	_ =	shalt  }
0x65: {  	_ =	shalt  }
0x66: {  	_ =	shalt  }
0x67: {  	_ =	shalt  }
0x68: {  	_ =	shalt  }
0x69: {  	_ =	shalt  }
0x6a: {  	_ =	shalt  }
0x6b: {  	_ =	shalt  }
0x6c: {  	_ =	shalt  }
0x6d: {  	_ =	shalt  }
0x6e: {  	_ =	shalt  }
0x6f: {  	_ =	shalt  }
0x70: {  	_ =	shalt  }
0x71: {  	_ =	shalt  }
0x72: {  	_ =	shalt  }
0x73: {  	_ =	shalt  }
0x74: {  	_ =	shalt  }
0x75: {  	_ =	shalt  }
0x76: {  	_ =	shalt  }
0x77: {  	_ =	shalt  }
0x78: {  	_ =	shalt  }
0x79: {  	_ =	shalt  }
0x7a: {  	_ =	shalt  }
0x7b: {  	_ =	shalt  }
0x7c: {  	_ =	shalt  }
0x7d: {  	_ =	shalt  }
0x7e: {  	_ =	shalt  }
0x7f: {  	_ =	shalt  }
0x80: {  	_ =	shalt  }
0x81: {  	_ =	shalt  }
0x82: {  	_ =	shalt  }
0x83: {  	_ =	shalt  }
0x84: {  	_ =	shalt  }
0x85: {  	_ =	shalt  }
0x86: {  	_ =	shalt  }
0x87: {  	_ =	shalt  }
.Lfunc_end0:
.L_simem_size_0:
called_computation.1_lowered:
.L_overlay_start_0:
0x88: {  	s2 =	sld [smem:$0x3FD9]  }
0x89: {  	s3 =	sld [smem:$0x3FFE];
	_ =	sdelay $0x1  }
0x8a: {  	s1 =	srdreg.scid  }
0x8b: {  	s0 =	sand.u32 $0x1, s1  }
0x8c: {  	s17 =	sshll.u32 s0, $0xA;
	s2 =	sadd.s32 s3, s2  }
0x8d: {  	s2 =	sadd.s32 s2, s17  }
0x8e: {  	[smem:$0x3FC2] =	sst s2  }
0x8f: {  	_ = 	snop  }
0x90: {  	s2 =	sld [smem:$0x3FD0];
	(tm) =	ssettm $0x1  }
0x91: {  	s18 =	sld [smem:$0x3FFB];
	_ =	sdelay $0x3  }
0x92: {  	_ =	strace s18  }
0x93: {  	s3 =	sld [smem:$0x3FFC];
	_ =	sdelay $0x3  }
0x94: {  	_ =	strace s3  }
0x95: {  	s3 =	sld [smem:$0x3FFD];
	_ =	sdelay $0x3  }
0x96: {  	_ =	strace s3  }
0x97: {  	_ =	strace $0x8FFFFFFF  }
0x98: {  	s19 =	sld [smem:$0x3FDB];
	_ =	sdelay $0x1  }
0x99: {  	s4 =	simm.s32 $_scs_section_size  }
0x9a: {  	s5 =	simm.s32 $_size__tile_overlayer_lowered;
	s6 =	simm.s32 $_tile_overlayer_lowered  }
0x9b: {  	s22 =	simm.s32 $0x1BFF;
	s21 =	sshll.u32 s6, $0x1;
	s3 =	sadd.s32 s4, s19  }
0x9c: {  	s7 =	simm.s32 $0x0;
	s20 =	sshll.u32 s5, $0x1;
	s5 =	sadd.s32 s21, s3  }
0x9d: {  	[timem:s7], [sflag:s22] =	dma.local [hbm:s5], s20  }
0x9e: {  	_ =	swait.ge [sflag:s22], s20  }
0x9f: {  	s4 =	ssub.s32 $0x0, s20;
	[sflag:s22] =	ssyncset.done $0x0  }
0xa0: {  	[sflag:s22] =	ssyncadd.s32 s4;
	_ =	sdelay $0x1  }
0xa1: {  	s23 =	simm.s32 $0x1B8B  }
0xa2: {  	_ =	swait.ge [sflag:s23], $0x1  }
0xa3: {  	[sflag:s23] =	ssyncset.done $0x0  }
0xa4: {  	s25 =	simm.s32 $0x1B8E;
	s24 =	sld [smem:$0x3FFE];
	[sflag:s23] =	ssyncadd.s32 $0xFFFFFFFF  }
0xa5: {  	s26 =	simm.s32 $execute0_lowered;
	[smem:$0x3FD2] =	sst s25  }
0xa6: {  	s5 =	sshll.u32 s26, $0x1;
	_ =	strace $0x80000049;
	[dreg:$0x1] =	wrdreg $0xFFFFFFFF  }
0xa7: {  	s28 =	simm.s32 $_size_execute0_lowered;
	s3 =	sadd.s32 s3, s5;
	[dreg:$0x0] =	wrdreg $0x0  }
0xa8: {  	s5 =	sshll.u32 s28, $0x1;
	[dreg:$0x2] =	wrdreg s3  }
0xa9: {  	[dreg:$0x3] =	wrdreg s5  }
0xaa: {  	[dreg:$0x4] =	wrdreg $0xC0  }
0xab: {  	_ =	task [dreg:s7], $0x5FFFF  }
0xac: {  	[dreg:$0x1] =	wrdreg $0xFFFFFFFF  }
0xad: {  	[dreg:$0x0] =	wrdreg $0x60  }
0xae: {  	[dreg:$0x2] =	wrdreg s24  }
0xaf: {  	[dreg:$0x3] =	wrdreg s2  }
0xb0: {  	[dreg:$0x4] =	wrdreg $0xD0000  }
0xb1: {  	[dreg:$0x5] =	wrdreg $0x9  }
0xb2: {  	_ =	task.clear_ibuf [dreg:s7], $0x6FFFF;
	_ =	strace $0x90000049  }
0xb3: {  	s29 =	simm.s32 $0x9;
	_ =	strace $0x8000004B  }
0xb4: {  	_ =	swait.ge [sflag:s29], $0x1  }
0xb5: {  	[sflag:s29] =	ssyncadd.s32 $0xFFFFFFFF  }
0xb6: {  	_ =	strace $0x9000004B  }
0xb7: {  	_ =	sfence  }
0xb8: {  	s30 =	sld [smem:$0x0];
	_ =	sdelay $0x2  }
0xb9: {  	s31 =	sshll.u32 s1, $0xD;
	s1 =	sshrl.u32 s1, $0x2  }
0xba: {  	s3 =	sand.u32 $0x4000, s31;
	s1 =	sadd.s32 s1, s30  }
0xbb: {  	s0 =	sor.u32 s3, s0;
	s1 =	sshll.u32 s1, $0x11  }
0xbc: {  	s0 =	sor.u32 s1, s0  }
0xbd: {  	s0 =	sadd.s32 $0x8F2B, s0  }
0xbe: {  	[sflag:s0] =	ssyncadd.remote.s32 $0x1  }
0xbf: {  	_ =	sfence.sel $0xFFFF  }
0xc0: {  	[dreg:$0x0] =	wrdreg $0xFFFFFFFF;
	(pc) =	sbr.abs _section_cstart, $3  }
0xc1: {  	[dreg:$0x1] =	wrdreg $0xFFFFFFFF  }
0xc2: {  	_ =	task.clear_ibuf [dreg:s7], $0x2FFFF;
	_ =	strace $0x9FFFFFFF  }
0xc3: {  	(tm) =	ssettm $0x7FFFFFFF  }
tec
execute0_lowered:
.L_overlay_start_1:
0x0: {  	(tag) =	ssettag $0x1  }
0x1: {  	s0 =	rddreg [dreg:$0x0];
	s1 =	srdreg.scid  }
0x2: {  	s8 =	stileid.u32;
	s10 =	rddreg [dreg:$0x1]  }
0x3: {  	s2 =	rddreg [dreg:$0x2];
	s3 =	simm.s32 $0x0;
	s14 =	simm.s32 $0x5000  }
0x4: {  	s15 =	simm.s32 $0x3;
	s17 =	simm.s32 $0x80;
	s18 =	simm.s32 $0x7000  }
0x5: {  	s19 =	simm.s32 $0x9000;
	s20 =	simm.s32 $0xB000;
	s21 =	simm.s32 $0x1  }
0x6: {  	s22 =	simm.s32 $0x2;
	s23 =	simm.s32 $0x2700;
	s24 =	simm.s32 $0x2780  }
0x7: {  	s28 =	simm.s32 $0x4F00;
	s29 =	simm.s32 $0x4F80;
	s5 =	smul.u32 $0xA000, s8  }
0x8: {  	s1 =	sand.u32 $0x1, s1;
	[smem:$0x7FF] =	sst s3;
	s7 =	smul.u32 $0x28000, s8  }
0x9: {  	s25 =	sshll.u32 s8, $0x1;
	s4 =	smul.u32 $0xA0000, s1;
	_ =	strace $0x8000004A  }
0xa: {  	s26 =	ssub.s32 $0x2, s1;
	s1 =	sor.u32 s1, s25;
	s25 =	simm.s32 $0x4E00  }
0xb: {  	s30 =	sshrl.u32 s7, $0x2;
	s31 =	sshrl.u32 s26, $0x1;
	s1 =	smul.u32 $0x2800, s1  }
0xc: {  	s4 =	sadd.s32 s5, s4;
	s9 =	sadd.s32 s30, s2;
	s13 =	ssub.s32 s26, s31  }
0xd: {  	s5 =	sadd.s32 s5, s2;
	s26 =	simm.s32 $0x4E80;
	s6 =	sshrl.u32 s4, $0x3  }
0xe: {  	s4 =	sadd.s32 $0x16800, s0;
	s7 =	sadd.s32 $0x4000, s9;
	s8 =	sadd.s32 $0x6000, s9  }
0xf: {  	s1 =	sshrl.u32 s1, $0x3;
	s13 =	smax.u32 s13, $0x1;
	s12 =	sadd.s32 s6, s0  }
0x10: {  	s6 =	sadd.s32 $0x2000, s9;
	s9 =	sadd.s32 $0x8000, s9;
	s0 =	sadd.s32 s0, s1  }
0x11: {  	v0 =	vimm.f32 $0.0e+00;
	s10 =	sadd.s32 s10, s1;
	s11 =	sadd.s32 $0xC800, s0;
	s12 =	sadd.s32 $0x2A800, s12  }
.LBB2_1:
0x12: {  	s30 =	simm.s32 $0x100;
	s1 =	simm.s32 $0x0  }
.LBB2_2:
0x13: {  	p0 =	sne.s32 s30, $0x7F00;
	[tilespmem:s1+$0x5030] =	vst v0;
	s0 =	smov.u32 s30;
	s30 =	sadd.s32 $0x100, s30  }
.Ltmp0:
0x14: {  	[tilespmem:s1+$0x5020] =	vst v0;
	(pc) =	sbr.rel @p0 .LBB2_2-.Ltmp0, $3  }
0x15: {  	[tilespmem:s1+$0x5000] =	vst v0  }
0x16: {  	[tilespmem:s1+$0x5010] =	vst v0;
	_ =	sdelay $0x1  }
0x17: {  	s1 =	sshra.s32 s0, $0x2  }
0x18: {  	[tilespmem:s1+$0x5030] =	vst v0  }
0x19: {  	[tilespmem:s1+$0x5020] =	vst v0  }
0x1a: {  	[tilespmem:s1+$0x5000] =	vst v0  }
0x1b: {  	[tilespmem:s1+$0x5010] =	vst v0  }
0x1c: {  	[spmem:s5] =	stream.linear.scatter [tilespmem:s14], [sflag:$0x3], $0x2000, $0x38;
	[tilespmem:$0x17000] =	vst v63  }
0x1d: {  	_ =	swait.ge [sflag:s15], $0x2000  }
0x1e: {  	[sflag:s15] =	ssyncset.done $0x0  }
0x1f: {  	[sflag:s15] =	ssyncadd.s32 $0xFFFFE000  }
0x20: {  	[spmem:s6] =	stream.linear.scatter [tilespmem:s14], [sflag:$0x3], $0x2000, $0x38;
	[tilespmem:$0x17000] =	vst v63  }
0x21: {  	_ =	swait.ge [sflag:s15], $0x2000  }
0x22: {  	[sflag:s15] =	ssyncset.done $0x0  }
0x23: {  	[sflag:s15] =	ssyncadd.s32 $0xFFFFE000  }
0x24: {  	[spmem:s7] =	stream.linear.scatter [tilespmem:s14], [sflag:$0x3], $0x2000, $0x38;
	[tilespmem:$0x17000] =	vst v63  }
0x25: {  	_ =	swait.ge [sflag:s15], $0x2000  }
0x26: {  	[sflag:s15] =	ssyncset.done $0x0  }
0x27: {  	[sflag:s15] =	ssyncadd.s32 $0xFFFFE000  }
0x28: {  	[spmem:s8] =	stream.linear.scatter [tilespmem:s14], [sflag:$0x3], $0x2000, $0x38;
	[tilespmem:$0x17000] =	vst v63  }
0x29: {  	_ =	swait.ge [sflag:s15], $0x2000  }
0x2a: {  	[sflag:s15] =	ssyncset.done $0x0  }
0x2b: {  	[sflag:s15] =	ssyncadd.s32 $0xFFFFE000  }
0x2c: {  	[spmem:s9] =	stream.linear.scatter [tilespmem:s14], [sflag:$0x3], $0x2000, $0x38;
	[tilespmem:$0x17000] =	vst v63  }
0x2d: {  	_ =	swait.ge [sflag:s15], $0x2000  }
0x2e: {  	[sflag:s15] =	ssyncset.done $0x0  }
0x2f: {  	s0 =	simm.s32 $0x0;
	[sflag:s15] =	ssyncadd.s32 $0xFFFFE000  }
0x30: {  	[tilespmem:s0], [sflag:$0x3] =	stream.linear.gather [hbm4b:s10+s0], $0x2800, $0x38;
	[tilespmem:$0x17000] =	vst v63  }
0x31: {  	_ =	swait.ge [sflag:s15], $0x2800  }
0x32: {  	[sflag:s15] =	ssyncset.done $0x0  }
0x33: {  	s16 =	simm.s32 $0x2800;
	[sflag:s15] =	ssyncadd.s32 $0xFFFFD800  }
0x34: {  	[tilespmem:s16], [sflag:$0x3] =	stream.linear.gather [hbm4b:s11+s0], $0x2800, $0x38;
	[tilespmem:$0x17000] =	vst v63  }
0x35: {  	_ =	swait.ge [sflag:s15], $0x2800  }
0x36: {  	[sflag:s15] =	ssyncset.done $0x0  }
0x37: {  	[sflag:s15] =	ssyncadd.s32 $0xFFFFD800  }
0x38: {  	[bflag:$0x0] =	sbarrier.arrive $0xFFFF  }
0x39: {  	[tilespmem:s14], [sflag:$0x1] =	stream.indirect.gather [hbm4b:s4+s17], $0x40, s0, s17, $0xb8;
	[tilespmem:$0x17000] =	vst v63  }
0x3a: {  	_ = 	snop  }
0x3b: {  	[tilespmem:s18], [sflag:$0x1] =	stream.indirect.gather [hbm4b:s4+s17], $0x40, s17, s17, $0xb8;
	[tilespmem:$0x17000] =	vst v63  }
0x3c: {  	s1 =	simm.s32 $0x100  }
0x3d: {  	[tilespmem:s19], [sflag:$0x1] =	stream.indirect.gather [hbm4b:s4+s17], $0x40, s1, s17, $0xb8;
	[tilespmem:$0x17000] =	vst v63  }
0x3e: {  	s16 =	simm.s32 $0x180  }
0x3f: {  	[tilespmem:s20], [sflag:$0x1] =	stream.indirect.gather [hbm4b:s4+s17], $0x40, s16, s17, $0xb8;
	[tilespmem:$0x17000] =	vst v63  }
0x40: {  	_ =	swait.ge [sflag:s21], $0x2000  }
0x41: {  	[sflag:s21] =	ssyncset.done $0x0  }
0x42: {  	[sflag:s21] =	ssyncadd.s32 $0xFFFFE000  }
0x43: {  	_ =	swait.ge [sflag:s21], $0x2000  }
0x44: {  	[sflag:s21] =	ssyncset.done $0x0  }
0x45: {  	s1 =	simm.s32 $0x2800;
	[sflag:s21] =	ssyncadd.s32 $0xFFFFE000  }
0x46: {  	[spmem:s2] =	stream.indirect.scatter.add.f32 [tilespmem:s14], [sflag:$0x2], $0x40, s1, s17, $0xb8;
	[tilespmem:$0x17000] =	vst v63  }
0x47: {  	s16 =	simm.s32 $0x2880  }
0x48: {  	[spmem:s2] =	stream.indirect.scatter.add.f32 [tilespmem:s18], [sflag:$0x2], $0x40, s16, s17, $0xb8;
	[tilespmem:$0x17000] =	vst v63  }
0x49: {  	_ =	swait.ge [sflag:s22], $0x2000  }
0x4a: {  	[sflag:s22] =	ssyncset.done $0x0  }
0x4b: {  	[sflag:s22] =	ssyncadd.s32 $0xFFFFE000  }
0x4c: {  	_ =	swait.ge [sflag:s22], $0x2000  }
0x4d: {  	[sflag:s22] =	ssyncset.done $0x0  }
0x4e: {  	s1 =	simm.s32 $0x200;
	[sflag:s22] =	ssyncadd.s32 $0xFFFFE000  }
0x4f: {  	[tilespmem:s14], [sflag:$0x1] =	stream.indirect.gather [hbm4b:s4+s17], $0x40, s1, s17, $0xb8;
	[tilespmem:$0x17000] =	vst v63  }
0x50: {  	s16 =	simm.s32 $0x280  }
0x51: {  	[tilespmem:s18], [sflag:$0x1] =	stream.indirect.gather [hbm4b:s4+s17], $0x40, s16, s17, $0xb8;
	[tilespmem:$0x17000] =	vst v63  }
0x52: {  	_ =	swait.ge [sflag:s21], $0x2000  }
0x53: {  	[sflag:s21] =	ssyncset.done $0x0  }
0x54: {  	[sflag:s21] =	ssyncadd.s32 $0xFFFFE000  }
0x55: {  	_ =	swait.ge [sflag:s21], $0x2000  }
0x56: {  	[sflag:s21] =	ssyncset.done $0x0  }
0x57: {  	s1 =	simm.s32 $0x2900;
	[sflag:s21] =	ssyncadd.s32 $0xFFFFE000  }
0x58: {  	[spmem:s2] =	stream.indirect.scatter.add.f32 [tilespmem:s19], [sflag:$0x2], $0x40, s1, s17, $0xb8;
	[tilespmem:$0x17000] =	vst v63  }
0x59: {  	s16 =	simm.s32 $0x2980  }
0x5a: {  	[spmem:s2] =	stream.indirect.scatter.add.f32 [tilespmem:s20], [sflag:$0x2], $0x40, s16, s17, $0xb8;
	[tilespmem:$0x17000] =	vst v63  }
0x5b: {  	_ =	swait.ge [sflag:s22], $0x2000  }
0x5c: {  	[sflag:s22] =	ssyncset.done $0x0  }
0x5d: {  	[sflag:s22] =	ssyncadd.s32 $0xFFFFE000  }
0x5e: {  	_ =	swait.ge [sflag:s22], $0x2000  }
0x5f: {  	s31 =	simm.s32 $0x1000;
	s30 =	simm.s32 $0x200;
	[sflag:s22] =	ssyncset.done $0x0  }
.LBB2_4:
0x60: {  	s16 =	sadd.s32 $0x100, s30  }
0x61: {  	[sflag:s22] =	ssyncadd.s32 $0xFFFFE000;
	s1 =	smov.u32 s31;
	s0 =	sadd.s32 $0x800, s31  }
0x62: {  	[tilespmem:s19], [sflag:$0x1] =	stream.indirect.gather [hbm4b:s4+s17], $0x40, s16, s17, $0xb8;
	[tilespmem:$0x17000] =	vst v63  }
0x63: {  	p0 =	sne.s32 s31, $0x9000;
	s16 =	sadd.s32 $0x180, s30  }
0x64: {  	[tilespmem:s20], [sflag:$0x1] =	stream.indirect.gather [hbm4b:s4+s17], $0x40, s16, s17, $0xb8;
	[tilespmem:$0x17000] =	vst v63  }
0x65: {  	_ =	swait.ge [sflag:s21], $0x2000  }
0x66: {  	[sflag:s21] =	ssyncset.done $0x0  }
0x67: {  	[sflag:s21] =	ssyncadd.s32 $0xFFFFE000  }
0x68: {  	_ =	swait.ge [sflag:s21], $0x2000  }
0x69: {  	[sflag:s21] =	ssyncset.done $0x0  }
0x6a: {  	s16 =	sadd.s32 $0x2800, s30;
	[sflag:s21] =	ssyncadd.s32 $0xFFFFE000  }
0x6b: {  	[spmem:s2] =	stream.indirect.scatter.add.f32 [tilespmem:s14], [sflag:$0x2], $0x40, s16, s17, $0xb8;
	[tilespmem:$0x17000] =	vst v63  }
0x6c: {  	s16 =	sadd.s32 $0x2880, s30  }
0x6d: {  	[spmem:s2] =	stream.indirect.scatter.add.f32 [tilespmem:s18], [sflag:$0x2], $0x40, s16, s17, $0xb8;
	[tilespmem:$0x17000] =	vst v63  }
0x6e: {  	_ =	swait.ge [sflag:s22], $0x2000  }
0x6f: {  	[sflag:s22] =	ssyncset.done $0x0  }
0x70: {  	[sflag:s22] =	ssyncadd.s32 $0xFFFFE000  }
0x71: {  	_ =	swait.ge [sflag:s22], $0x2000  }
0x72: {  	[sflag:s22] =	ssyncset.done $0x0  }
0x73: {  	s16 =	sadd.s32 $0x200, s30;
	[sflag:s22] =	ssyncadd.s32 $0xFFFFE000  }
0x74: {  	[tilespmem:s14], [sflag:$0x1] =	stream.indirect.gather [hbm4b:s4+s17], $0x40, s16, s17, $0xb8;
	[tilespmem:$0x17000] =	vst v63  }
0x75: {  	s16 =	sadd.s32 $0x280, s30  }
0x76: {  	[tilespmem:s18], [sflag:$0x1] =	stream.indirect.gather [hbm4b:s4+s17], $0x40, s16, s17, $0xb8;
	[tilespmem:$0x17000] =	vst v63  }
0x77: {  	_ =	swait.ge [sflag:s21], $0x2000  }
0x78: {  	[sflag:s21] =	ssyncset.done $0x0  }
0x79: {  	[sflag:s21] =	ssyncadd.s32 $0xFFFFE000  }
0x7a: {  	_ =	swait.ge [sflag:s21], $0x2000  }
0x7b: {  	[sflag:s21] =	ssyncset.done $0x0  }
0x7c: {  	s16 =	sadd.s32 $0x2900, s30;
	[sflag:s21] =	ssyncadd.s32 $0xFFFFE000  }
0x7d: {  	[spmem:s2] =	stream.indirect.scatter.add.f32 [tilespmem:s19], [sflag:$0x2], $0x40, s16, s17, $0xb8;
	[tilespmem:$0x17000] =	vst v63  }
0x7e: {  	s16 =	sadd.s32 $0x2980, s30  }
0x7f: {  	[spmem:s2] =	stream.indirect.scatter.add.f32 [tilespmem:s20], [sflag:$0x2], $0x40, s16, s17, $0xb8;
	[tilespmem:$0x17000] =	vst v63  }
.Ltmp1:
0x80: {  	_ =	swait.ge [sflag:s22], $0x2000;
	(pc) =	sbr.rel @p0 .LBB2_4-.Ltmp1, $4  }
0x81: {  	[sflag:s22] =	ssyncset.done $0x0  }
0x82: {  	[sflag:s22] =	ssyncadd.s32 $0xFFFFE000  }
0x83: {  	_ =	swait.ge [sflag:s22], $0x2000  }
0x84: {  	s31 =	smov.u32 s0;
	s30 =	sshra.s32 s1, $0x2;
	[sflag:s22] =	ssyncset.done $0x0  }
0x85: {  	s0 =	sadd.s32 $0x100, s30;
	[sflag:s22] =	ssyncadd.s32 $0xFFFFE000  }
0x86: {  	[tilespmem:s19], [sflag:$0x1] =	stream.indirect.gather [hbm4b:s4+s17], $0x40, s0, s17, $0xb8;
	[tilespmem:$0x17000] =	vst v63  }
0x87: {  	s31 =	sadd.s32 $0x180, s30  }
0x88: {  	[tilespmem:s20], [sflag:$0x1] =	stream.indirect.gather [hbm4b:s4+s17], $0x40, s31, s17, $0xb8;
	[tilespmem:$0x17000] =	vst v63  }
0x89: {  	_ =	swait.ge [sflag:s21], $0x2000  }
0x8a: {  	[sflag:s21] =	ssyncset.done $0x0  }
0x8b: {  	[sflag:s21] =	ssyncadd.s32 $0xFFFFE000  }
0x8c: {  	_ =	swait.ge [sflag:s21], $0x2000  }
0x8d: {  	[sflag:s21] =	ssyncset.done $0x0  }
0x8e: {  	s1 =	sadd.s32 $0x2800, s30;
	[sflag:s21] =	ssyncadd.s32 $0xFFFFE000  }
0x8f: {  	[spmem:s2] =	stream.indirect.scatter.add.f32 [tilespmem:s14], [sflag:$0x2], $0x40, s1, s17, $0xb8;
	[tilespmem:$0x17000] =	vst v63  }
0x90: {  	s16 =	sadd.s32 $0x2880, s30  }
0x91: {  	[spmem:s2] =	stream.indirect.scatter.add.f32 [tilespmem:s18], [sflag:$0x2], $0x40, s16, s17, $0xb8;
	[tilespmem:$0x17000] =	vst v63  }
0x92: {  	_ =	swait.ge [sflag:s22], $0x2000  }
0x93: {  	[sflag:s22] =	ssyncset.done $0x0  }
0x94: {  	[sflag:s22] =	ssyncadd.s32 $0xFFFFE000  }
0x95: {  	_ =	swait.ge [sflag:s22], $0x2000  }
0x96: {  	[sflag:s22] =	ssyncset.done $0x0  }
0x97: {  	s31 =	sadd.s32 $0x200, s30;
	[sflag:s22] =	ssyncadd.s32 $0xFFFFE000  }
0x98: {  	[tilespmem:s14], [sflag:$0x1] =	stream.indirect.gather [hbm4b:s4+s17], $0x40, s31, s17, $0xb8;
	[tilespmem:$0x17000] =	vst v63  }
0x99: {  	s1 =	sadd.s32 $0x280, s30  }
0x9a: {  	[tilespmem:s18], [sflag:$0x1] =	stream.indirect.gather [hbm4b:s4+s17], $0x40, s1, s17, $0xb8;
	[tilespmem:$0x17000] =	vst v63  }
0x9b: {  	_ =	swait.ge [sflag:s21], $0x2000  }
0x9c: {  	[sflag:s21] =	ssyncset.done $0x0  }
0x9d: {  	[sflag:s21] =	ssyncadd.s32 $0xFFFFE000  }
0x9e: {  	_ =	swait.ge [sflag:s21], $0x2000  }
0x9f: {  	[sflag:s21] =	ssyncset.done $0x0  }
0xa0: {  	s16 =	sadd.s32 $0x2900, s30;
	[sflag:s21] =	ssyncadd.s32 $0xFFFFE000  }
0xa1: {  	[spmem:s2] =	stream.indirect.scatter.add.f32 [tilespmem:s19], [sflag:$0x2], $0x40, s16, s17, $0xb8;
	[tilespmem:$0x17000] =	vst v63  }
0xa2: {  	s30 =	sadd.s32 $0x2980, s30  }
0xa3: {  	[spmem:s2] =	stream.indirect.scatter.add.f32 [tilespmem:s20], [sflag:$0x2], $0x40, s30, s17, $0xb8;
	[tilespmem:$0x17000] =	vst v63  }
0xa4: {  	_ =	swait.ge [sflag:s22], $0x2000  }
0xa5: {  	[sflag:s22] =	ssyncset.done $0x0  }
0xa6: {  	[sflag:s22] =	ssyncadd.s32 $0xFFFFE000  }
0xa7: {  	_ =	swait.ge [sflag:s22], $0x2000  }
0xa8: {  	[sflag:s22] =	ssyncset.done $0x0  }
0xa9: {  	[sflag:s22] =	ssyncadd.s32 $0xFFFFE000  }
0xaa: {  	[tilespmem:s19], [sflag:$0x1] =	stream.indirect.gather [hbm4b:s4+s17], $0x40, s23, s17, $0xb8;
	[tilespmem:$0x17000] =	vst v63  }
0xab: {  	_ = 	snop  }
0xac: {  	[tilespmem:s20], [sflag:$0x1] =	stream.indirect.gather [hbm4b:s4+s17], $0x40, s24, s17, $0xb8;
	[tilespmem:$0x17000] =	vst v63  }
0xad: {  	_ =	swait.ge [sflag:s21], $0x2000  }
0xae: {  	[sflag:s21] =	ssyncset.done $0x0  }
0xaf: {  	[sflag:s21] =	ssyncadd.s32 $0xFFFFE000  }
0xb0: {  	_ =	swait.ge [sflag:s21], $0x2000  }
0xb1: {  	[sflag:s21] =	ssyncset.done $0x0  }
0xb2: {  	[sflag:s21] =	ssyncadd.s32 $0xFFFFE000  }
0xb3: {  	[spmem:s2] =	stream.indirect.scatter.add.f32 [tilespmem:s14], [sflag:$0x2], $0x40, s25, s17, $0xb8;
	[tilespmem:$0x17000] =	vst v63  }
0xb4: {  	_ = 	snop  }
0xb5: {  	[spmem:s2] =	stream.indirect.scatter.add.f32 [tilespmem:s18], [sflag:$0x2], $0x40, s26, s17, $0xb8;
	[tilespmem:$0x17000] =	vst v63  }
0xb6: {  	_ =	swait.ge [sflag:s22], $0x2000  }
0xb7: {  	[sflag:s22] =	ssyncset.done $0x0  }
0xb8: {  	[sflag:s22] =	ssyncadd.s32 $0xFFFFE000  }
0xb9: {  	_ =	swait.ge [sflag:s22], $0x2000  }
0xba: {  	[sflag:s22] =	ssyncset.done $0x0  }
0xbb: {  	[sflag:s22] =	ssyncadd.s32 $0xFFFFE000  }
0xbc: {  	_ =	swait.ge [sflag:s21], $0x2000  }
0xbd: {  	[sflag:s21] =	ssyncset.done $0x0  }
0xbe: {  	[sflag:s21] =	ssyncadd.s32 $0xFFFFE000  }
0xbf: {  	_ =	swait.ge [sflag:s21], $0x2000  }
0xc0: {  	[sflag:s21] =	ssyncset.done $0x0  }
0xc1: {  	[sflag:s21] =	ssyncadd.s32 $0xFFFFE000  }
0xc2: {  	[spmem:s2] =	stream.indirect.scatter.add.f32 [tilespmem:s19], [sflag:$0x2], $0x40, s28, s17, $0xb8;
	[tilespmem:$0x17000] =	vst v63  }
0xc3: {  	_ = 	snop  }
0xc4: {  	[spmem:s2] =	stream.indirect.scatter.add.f32 [tilespmem:s20], [sflag:$0x2], $0x40, s29, s17, $0xb8;
	[tilespmem:$0x17000] =	vst v63  }
0xc5: {  	_ =	swait.ge [sflag:s22], $0x2000  }
0xc6: {  	[sflag:s22] =	ssyncset.done $0x0  }
0xc7: {  	[sflag:s22] =	ssyncadd.s32 $0xFFFFE000  }
0xc8: {  	s31 =	stileid.u32;
	_ =	swait.ge [sflag:s22], $0x2000  }
0xc9: {  	s3 =	sadd.s32 $0x1, s3;
	s0 =	sshll.u32 s31, $0x6;
	[sflag:s22] =	ssyncset.done $0x0  }
0xca: {  	p0 =	sne.s32 s3, s13;
	s0 =	sor.u32 $0x1C03, s0;
	[sflag:s22] =	ssyncadd.s32 $0xFFFFE000  }
.Ltmp2:
0xcb: {  	s1 =	sshrl.u32 s5, $0x3;
	[bflag:$0x0] =	sbarrier.arrive $0xFFFF;
	(pc) =	sbr.rel @p0 .LBB2_1-.Ltmp2, $4  }
0xcc: {  	[hbm:s12], [sflag:s0] =	dma.local [spmem:s1], $0x1400  }
0xcd: {  	_ =	swait.ge [sflag:s15], $0x1400  }
0xce: {  	[sflag:s15] =	ssyncset.done $0x0  }
0xcf: {  	[sflag:s15] =	ssyncadd.s32 $0xFFFFEC00  }
0xd0: {  	_ =	sfence.sel $0x180000  }
0xd1: {  	[bflag:$0x0] =	sbarrier.arrive $0xFFFF  }
0xd2: {  	_ =	strace $0x9000004A  }
0xd3: {  	s0 =	stileid.u32;
	[bflag:$0x2] =	sbarrier.arrive $0xFFFF  }
0xd4: {  	p0 =	sne.s32 s0, $0x0;
	s0 =	rddreg [dreg:$0x3]  }
0xd5: {  	s0 =	sadd.s32 @!p0 $0x100000, s0  }
0xd6: {  	[sflag:s0] =	ssyncadd.tile.s32 @!p0 $0x1;
	_ =	shalt  }
.Lfunc_end2:
_tile_overlayer_lowered:
.L_overlay_start_2:
0xd7: {  	(tag) =	ssettag $0x2  }
0xd8: {  	s0 =	rddreg [dreg:$0x0];
	s2 =	stileid.u32  }
0xd9: {  	s1 =	rddreg [dreg:$0x1];
	p0 =	sne.s32 s2, $0x0  }
0xda: {  	s3 =	rddreg [dreg:$0x2];
	[bflag:$0x3] =	sbarrier.arrive $0xFFFF;
	s2 =	simm.s32 @!p0 $0x1C03  }
0xdb: {  	[timem:s3], [sflag:s2] =	dma.local @!p0 [hbm:s0], s1  }
0xdc: {  	s0 =	simm.s32 @!p0 $0x3  }
0xdd: {  	_ =	swait.ge @!p0 [sflag:s0], s1  }
0xde: {  	s1 =	ssub.s32 @!p0 $0x0, s1;
	[sflag:s0] =	ssyncset.done @!p0 $0x0  }
0xdf: {  	[sflag:s0] =	ssyncadd.s32 @!p0 s1  }
0xe0: {  	[bflag:$0x3] =	sbarrier.arrive $0xFFFF  }
0xe1: {  	_ =	shalt  }

// kernel: kernel.15.cloned.1.call-start
scs
__scs_entry_jumppad:
0x0: {  	(pc) =	sbr.rel $0x88, $3  }
0x1: {  	(tag) =	ssettag $0x0;
	lr =	simm.s32 $0x1  }
0x2: {  	[smem:$0x3F9B] =	sst lr;
	_ =	strace $0xD0000000  }
0x3: {  	_ = 	snop  }
0x4: {  	_ = 	snop  }
0x5: {  	_ = 	snop  }
0x6: {  	_ = 	snop  }
0x7: {  	_ = 	snop  }
__scs_overlays_trampoline_lowered:
0x8: {  	[smem:$0x3FAA] =	sst s0  }
0x9: {  	[smem:$0x3FAB] =	sst s1  }
0xa: {  	[smem:$0x3FAC] =	sst s2  }
0xb: {  	[smem:$0x3FAD] =	sst s3  }
0xc: {  	[smem:$0x3FAE] =	sst s4  }
0xd: {  	[smem:$0x3FAF] =	sst s5  }
0xe: {  	[smem:$0x3FB0] =	sst s6  }
0xf: {  	[smem:$0x3FB1] =	sst s7  }
0x10: {  	[smem:$0x3FB2] =	sst s8  }
0x11: {  	[smem:$0x3FB3] =	sst s9;
	s0 =	simm.s32 @!p0 $0x0  }
0x12: {  	s1 =	sld [smem:$0x3F99];
	s0 =	simm.s32 @p0 $0x1  }
0x13: {  	[smem:$0x3FB4] =	sst s0;
	s0 =	simm.s32 @!p1 $0x0  }
0x14: {  	s2 =	sld [smem:$0x3F98];
	s0 =	simm.s32 @p1 $0x1  }
0x15: {  	[smem:$0x3FB5] =	sst s0;
	s0 =	simm.s32 @!p2 $0x0  }
0x16: {  	s3 =	sld [smem:$0x3FDB];
	s0 =	simm.s32 @p2 $0x1  }
0x17: {  	s4 =	simm.s32 $0x1BF5;
	[smem:$0x3FB7] =	sst s0  }
0x18: {  	s0 =	sld [smem:$0x3F9A];
	_ =	swait.ge [sflag:s4], $0x0  }
0x19: {  	s7 =	sld [smem:$0x3F9B]  }
0x1a: {  	s8 =	sadd.s32 $0xFFFFE003, lr  }
0x1b: {  	s9 =	sadd.s32 $0xFFFFFEF7, lr;
	s5 =	simm.s32 $0xFFFFFFFF;
	p2 =	slt.u32 s8, $0xFFFFF086  }
0x1c: {  	p1 =	slt.u32 s9, $0xF7A;
	s5 =	simm.s32 @!p2 $0x0  }
0x1d: {  	s5 =	simm.s32 @p1 $0x1;
	p0 =	seq.s32 s7, s2  }
0x1e: {  	s7 =	smul.u32 @!p0 $0xF7A, s2;
	p2 =	seq.s32 @!p0 s5, $0x0  }
0x1f: {  	s9 =	smul.u32 $0xF7A, s1;
	s8 =	simm.s32 @!p0 $0x1BF5;
	p2 =	por !p2, p0  }
0x20: {  	[sflag:s8] =	ssyncset.s32 @!p0 $0xFFFFF086;
	s6 =	sadd.s32 @!p0 s3, s7;
	s7 =	simm.s32 @!p0 $0x108  }
0x21: {  	s3 =	sadd.s32 s3, s9;
	s6 =	sadd.s32 @!p0 $0x88, s6;
	s7 =	simm.s32 @p2 $0x1082  }
0x22: {  	[simem:s7], [sflag:s8] =	dma.local @!p0 [hbm:s6], $0xF7A  }
0x23: {  	s9 =	sor.u32 $0xD0000000, s2;
	s6 =	simm.s32 $0x108;
	_ =	swait.ge @!p0 [sflag:s8], $0x0  }
0x24: {  	s3 =	sadd.s32 $0x88, s3;
	s6 =	simm.s32 @!p1 $0x1082;
	[sflag:s4] =	ssyncset.s32 $0xFFFFF086  }
0x25: {  	[simem:s6], [sflag:s4] =	dma.local [hbm:s3], $0xF7A  }
0x26: {  	[smem:$0x3F9B] =	sst s1;
	(tag) =	ssettag s2;
	_ =	strace s9  }
0x27: {  	s1 =	sld [smem:$0x3FAB]  }
0x28: {  	s2 =	sld [smem:$0x3FAC]  }
0x29: {  	s4 =	sld [smem:$0x3FAE]  }
0x2a: {  	p0 =	seq.s32 s5, $0x0;
	s5 =	sld [smem:$0x3FAF]  }
0x2b: {  	s6 =	sld [smem:$0x3FB0]  }
0x2c: {  	s7 =	sld [smem:$0x3FB1]  }
0x2d: {  	s3 =	simm.s32 $0x108;
	s8 =	sld [smem:$0x3FB2]  }
0x2e: {  	s3 =	simm.s32 @!p0 $0x1082;
	s9 =	sld [smem:$0x3FB3]  }
0x2f: {  	lr =	sadd.s32 s0, s3;
	s0 =	sld [smem:$0x3FAA]  }
0x30: {  	s3 =	sld [smem:$0x3FAD]  }
0x31: {  	[smem:$0x3FB6] =	sst s10  }
0x32: {  	s10 =	sld [smem:$0x3FB4];
	_ =	sdelay $0x3  }
0x33: {  	p0 =	seq.s32 s10, $0x1;
	s10 =	sld [smem:$0x3FB6];
	_ =	sdelay $0x3  }
0x34: {  	[smem:$0x3FB6] =	sst s10  }
0x35: {  	s10 =	sld [smem:$0x3FB5];
	_ =	sdelay $0x3  }
0x36: {  	p1 =	seq.s32 s10, $0x1;
	s10 =	sld [smem:$0x3FB6];
	_ =	sdelay $0x3  }
0x37: {  	[smem:$0x3FB6] =	sst s10  }
0x38: {  	s10 =	sld [smem:$0x3FB7]  }
0x39: {  	_ = 	snop;
	(pc) =	sbr.ind lr, $3  }
0x3a: {  	_ = 	snop  }
0x3b: {  	_ = 	snop  }
0x3c: {  	p2 =	seq.s32 s10, $0x1;
	s10 =	sld [smem:$0x3FB6]  }
0x3d: {  	_ =	shalt  }
0x3e: {  	_ =	shalt  }
0x3f: {  	_ =	shalt  }
0x40: {  	_ =	shalt  }
0x41: {  	_ =	shalt  }
0x42: {  	_ =	shalt  }
0x43: {  	_ =	shalt  }
0x44: {  	_ =	shalt  }
0x45: {  	_ =	shalt  }
0x46: {  	_ =	shalt  }
0x47: {  	_ =	shalt  }
0x48: {  	_ =	shalt  }
0x49: {  	_ =	shalt  }
0x4a: {  	_ =	shalt  }
0x4b: {  	_ =	shalt  }
0x4c: {  	_ =	shalt  }
0x4d: {  	_ =	shalt  }
0x4e: {  	_ =	shalt  }
0x4f: {  	_ =	shalt  }
0x50: {  	_ =	shalt  }
0x51: {  	_ =	shalt  }
0x52: {  	_ =	shalt  }
0x53: {  	_ =	shalt  }
0x54: {  	_ =	shalt  }
0x55: {  	_ =	shalt  }
0x56: {  	_ =	shalt  }
0x57: {  	_ =	shalt  }
0x58: {  	_ =	shalt  }
0x59: {  	_ =	shalt  }
0x5a: {  	_ =	shalt  }
0x5b: {  	_ =	shalt  }
0x5c: {  	_ =	shalt  }
0x5d: {  	_ =	shalt  }
0x5e: {  	_ =	shalt  }
0x5f: {  	_ =	shalt  }
0x60: {  	_ =	shalt  }
0x61: {  	_ =	shalt  }
0x62: {  	_ =	shalt  }
0x63: {  	_ =	shalt  }
0x64: {  	_ =	shalt  }
0x65: {  	_ =	shalt  }
0x66: {  	_ =	shalt  }
0x67: {  	_ =	shalt  }
0x68: {  	_ =	shalt  }
0x69: {  	_ =	shalt  }
0x6a: {  	_ =	shalt  }
0x6b: {  	_ =	shalt  }
0x6c: {  	_ =	shalt  }
0x6d: {  	_ =	shalt  }
0x6e: {  	_ =	shalt  }
0x6f: {  	_ =	shalt  }
0x70: {  	_ =	shalt  }
0x71: {  	_ =	shalt  }
0x72: {  	_ =	shalt  }
0x73: {  	_ =	shalt  }
0x74: {  	_ =	shalt  }
0x75: {  	_ =	shalt  }
0x76: {  	_ =	shalt  }
0x77: {  	_ =	shalt  }
0x78: {  	_ =	shalt  }
0x79: {  	_ =	shalt  }
0x7a: {  	_ =	shalt  }
0x7b: {  	_ =	shalt  }
0x7c: {  	_ =	shalt  }
0x7d: {  	_ =	shalt  }
0x7e: {  	_ =	shalt  }
0x7f: {  	_ =	shalt  }
0x80: {  	_ =	shalt  }
0x81: {  	_ =	shalt  }
0x82: {  	_ =	shalt  }
0x83: {  	_ =	shalt  }
0x84: {  	_ =	shalt  }
0x85: {  	_ =	shalt  }
0x86: {  	_ =	shalt  }
0x87: {  	_ =	shalt  }
.Lfunc_end0:
.L_simem_size_0:
called_computation.2_lowered:
.L_overlay_start_0:
0x88: {  	s2 =	sld [smem:$0x3FD9]  }
0x89: {  	s3 =	sld [smem:$0x3FFE];
	_ =	sdelay $0x1  }
0x8a: {  	s1 =	srdreg.scid  }
0x8b: {  	s0 =	sand.u32 $0x1, s1  }
0x8c: {  	s17 =	sshll.u32 s0, $0xA;
	s2 =	sadd.s32 s3, s2  }
0x8d: {  	s2 =	sadd.s32 s2, s17  }
0x8e: {  	[smem:$0x3FC2] =	sst s2  }
0x8f: {  	_ = 	snop  }
0x90: {  	s2 =	sld [smem:$0x3FD0];
	(tm) =	ssettm $0x1  }
0x91: {  	s18 =	sld [smem:$0x3FFB];
	_ =	sdelay $0x3  }
0x92: {  	_ =	strace s18  }
0x93: {  	s3 =	sld [smem:$0x3FFC];
	_ =	sdelay $0x3  }
0x94: {  	_ =	strace s3  }
0x95: {  	s3 =	sld [smem:$0x3FFD];
	_ =	sdelay $0x3  }
0x96: {  	_ =	strace s3  }
0x97: {  	_ =	strace $0x8FFFFFFF  }
0x98: {  	s19 =	sld [smem:$0x3FDB];
	_ =	sdelay $0x1  }
0x99: {  	s4 =	simm.s32 $_scs_section_size  }
0x9a: {  	s5 =	simm.s32 $_size__tile_overlayer_lowered;
	s6 =	simm.s32 $_tile_overlayer_lowered  }
0x9b: {  	s22 =	simm.s32 $0x1BFF;
	s21 =	sshll.u32 s6, $0x1;
	s3 =	sadd.s32 s4, s19  }
0x9c: {  	s7 =	simm.s32 $0x0;
	s20 =	sshll.u32 s5, $0x1;
	s5 =	sadd.s32 s21, s3  }
0x9d: {  	[timem:s7], [sflag:s22] =	dma.local [hbm:s5], s20  }
0x9e: {  	_ =	swait.ge [sflag:s22], s20  }
0x9f: {  	s4 =	ssub.s32 $0x0, s20;
	[sflag:s22] =	ssyncset.done $0x0  }
0xa0: {  	[sflag:s22] =	ssyncadd.s32 s4;
	_ =	sdelay $0x1  }
0xa1: {  	s23 =	simm.s32 $0x1B8B  }
0xa2: {  	_ =	swait.ge [sflag:s23], $0x1  }
0xa3: {  	[sflag:s23] =	ssyncset.done $0x0  }
0xa4: {  	s25 =	simm.s32 $0x1B8E;
	s24 =	sld [smem:$0x3FFE];
	[sflag:s23] =	ssyncadd.s32 $0xFFFFFFFF  }
0xa5: {  	s26 =	simm.s32 $execute0_lowered;
	[smem:$0x3FD2] =	sst s25  }
0xa6: {  	s5 =	sshll.u32 s26, $0x1;
	_ =	strace $0x8000004C;
	[dreg:$0x1] =	wrdreg $0xFFFFFFFF  }
0xa7: {  	s28 =	simm.s32 $_size_execute0_lowered;
	s3 =	sadd.s32 s3, s5;
	[dreg:$0x0] =	wrdreg $0x0  }
0xa8: {  	s5 =	sshll.u32 s28, $0x1;
	[dreg:$0x2] =	wrdreg s3  }
0xa9: {  	[dreg:$0x3] =	wrdreg s5  }
0xaa: {  	[dreg:$0x4] =	wrdreg $0xC0  }
0xab: {  	_ =	task [dreg:s7], $0x5FFFF  }
0xac: {  	[dreg:$0x1] =	wrdreg $0xFFFFFFFF  }
0xad: {  	[dreg:$0x0] =	wrdreg $0x60  }
0xae: {  	[dreg:$0x2] =	wrdreg s24  }
0xaf: {  	[dreg:$0x3] =	wrdreg s2  }
0xb0: {  	[dreg:$0x4] =	wrdreg $0xD0000  }
0xb1: {  	[dreg:$0x5] =	wrdreg $0x9  }
0xb2: {  	_ =	task.clear_ibuf [dreg:s7], $0x6FFFF;
	_ =	strace $0x9000004C  }
0xb3: {  	s29 =	simm.s32 $0x9;
	_ =	strace $0x8000004E  }
0xb4: {  	_ =	swait.ge [sflag:s29], $0x1  }
0xb5: {  	[sflag:s29] =	ssyncadd.s32 $0xFFFFFFFF  }
0xb6: {  	_ =	strace $0x9000004E  }
0xb7: {  	_ =	sfence  }
0xb8: {  	s30 =	sld [smem:$0x0];
	_ =	sdelay $0x2  }
0xb9: {  	s31 =	sshll.u32 s1, $0xD;
	s1 =	sshrl.u32 s1, $0x2  }
0xba: {  	s3 =	sand.u32 $0x4000, s31;
	s1 =	sadd.s32 s1, s30  }
0xbb: {  	s0 =	sor.u32 s3, s0;
	s1 =	sshll.u32 s1, $0x11  }
0xbc: {  	s0 =	sor.u32 s1, s0  }
0xbd: {  	s0 =	sadd.s32 $0x8F2B, s0  }
0xbe: {  	[sflag:s0] =	ssyncadd.remote.s32 $0x1  }
0xbf: {  	_ =	sfence.sel $0xFFFF  }
0xc0: {  	[dreg:$0x0] =	wrdreg $0xFFFFFFFF;
	(pc) =	sbr.abs _section_cstart, $3  }
0xc1: {  	[dreg:$0x1] =	wrdreg $0xFFFFFFFF  }
0xc2: {  	_ =	task.clear_ibuf [dreg:s7], $0x2FFFF;
	_ =	strace $0x9FFFFFFF  }
0xc3: {  	(tm) =	ssettm $0x7FFFFFFF  }
tec
execute0_lowered:
.L_overlay_start_1:
0x0: {  	(tag) =	ssettag $0x1  }
0x1: {  	s0 =	rddreg [dreg:$0x0];
	s1 =	srdreg.scid  }
0x2: {  	s8 =	stileid.u32;
	s10 =	rddreg [dreg:$0x1]  }
0x3: {  	s2 =	rddreg [dreg:$0x2];
	s3 =	simm.s32 $0x0;
	s14 =	simm.s32 $0x5000  }
0x4: {  	s15 =	simm.s32 $0x3;
	s17 =	simm.s32 $0x80;
	s18 =	simm.s32 $0x7000  }
0x5: {  	s19 =	simm.s32 $0x9000;
	s20 =	simm.s32 $0xB000;
	s21 =	simm.s32 $0x1  }
0x6: {  	s22 =	simm.s32 $0x2;
	s23 =	simm.s32 $0x2700;
	s24 =	simm.s32 $0x2780  }
0x7: {  	s28 =	simm.s32 $0x4F00;
	s29 =	simm.s32 $0x4F80;
	s5 =	smul.u32 $0xA000, s8  }
0x8: {  	s1 =	sand.u32 $0x1, s1;
	[smem:$0x7FF] =	sst s3;
	s7 =	smul.u32 $0x28000, s8  }
0x9: {  	s25 =	sshll.u32 s8, $0x1;
	s4 =	smul.u32 $0xA0000, s1;
	_ =	strace $0x8000004D  }
0xa: {  	s26 =	ssub.s32 $0x2, s1;
	s1 =	sor.u32 s1, s25;
	s25 =	simm.s32 $0x4E00  }
0xb: {  	s30 =	sshrl.u32 s7, $0x2;
	s31 =	sshrl.u32 s26, $0x1;
	s1 =	smul.u32 $0x2800, s1  }
0xc: {  	s4 =	sadd.s32 s5, s4;
	s9 =	sadd.s32 s30, s2;
	s13 =	ssub.s32 s26, s31  }
0xd: {  	s5 =	sadd.s32 s5, s2;
	s26 =	simm.s32 $0x4E80;
	s6 =	sshrl.u32 s4, $0x3  }
0xe: {  	s4 =	sadd.s32 $0x16800, s0;
	s7 =	sadd.s32 $0x4000, s9;
	s8 =	sadd.s32 $0x6000, s9  }
0xf: {  	s1 =	sshrl.u32 s1, $0x3;
	s13 =	smax.u32 s13, $0x1;
	s12 =	sadd.s32 s6, s0  }
0x10: {  	s6 =	sadd.s32 $0x2000, s9;
	s9 =	sadd.s32 $0x8000, s9;
	s0 =	sadd.s32 s0, s1  }
0x11: {  	v0 =	vimm.f32 $0.0e+00;
	s10 =	sadd.s32 s10, s1;
	s11 =	sadd.s32 $0xC800, s0;
	s12 =	sadd.s32 $0x2A800, s12  }
.LBB2_1:
0x12: {  	s30 =	simm.s32 $0x100;
	s1 =	simm.s32 $0x0  }
.LBB2_2:
0x13: {  	p0 =	sne.s32 s30, $0x7F00;
	[tilespmem:s1+$0x5030] =	vst v0;
	s0 =	smov.u32 s30;
	s30 =	sadd.s32 $0x100, s30  }
.Ltmp0:
0x14: {  	[tilespmem:s1+$0x5020] =	vst v0;
	(pc) =	sbr.rel @p0 .LBB2_2-.Ltmp0, $3  }
0x15: {  	[tilespmem:s1+$0x5000] =	vst v0  }
0x16: {  	[tilespmem:s1+$0x5010] =	vst v0;
	_ =	sdelay $0x1  }
0x17: {  	s1 =	sshra.s32 s0, $0x2  }
0x18: {  	[tilespmem:s1+$0x5030] =	vst v0  }
0x19: {  	[tilespmem:s1+$0x5020] =	vst v0  }
0x1a: {  	[tilespmem:s1+$0x5000] =	vst v0  }
0x1b: {  	[tilespmem:s1+$0x5010] =	vst v0  }
0x1c: {  	[spmem:s5] =	stream.linear.scatter [tilespmem:s14], [sflag:$0x3], $0x2000, $0x38;
	[tilespmem:$0x17000] =	vst v63  }
0x1d: {  	_ =	swait.ge [sflag:s15], $0x2000  }
0x1e: {  	[sflag:s15] =	ssyncset.done $0x0  }
0x1f: {  	[sflag:s15] =	ssyncadd.s32 $0xFFFFE000  }
0x20: {  	[spmem:s6] =	stream.linear.scatter [tilespmem:s14], [sflag:$0x3], $0x2000, $0x38;
	[tilespmem:$0x17000] =	vst v63  }
0x21: {  	_ =	swait.ge [sflag:s15], $0x2000  }
0x22: {  	[sflag:s15] =	ssyncset.done $0x0  }
0x23: {  	[sflag:s15] =	ssyncadd.s32 $0xFFFFE000  }
0x24: {  	[spmem:s7] =	stream.linear.scatter [tilespmem:s14], [sflag:$0x3], $0x2000, $0x38;
	[tilespmem:$0x17000] =	vst v63  }
0x25: {  	_ =	swait.ge [sflag:s15], $0x2000  }
0x26: {  	[sflag:s15] =	ssyncset.done $0x0  }
0x27: {  	[sflag:s15] =	ssyncadd.s32 $0xFFFFE000  }
0x28: {  	[spmem:s8] =	stream.linear.scatter [tilespmem:s14], [sflag:$0x3], $0x2000, $0x38;
	[tilespmem:$0x17000] =	vst v63  }
0x29: {  	_ =	swait.ge [sflag:s15], $0x2000  }
0x2a: {  	[sflag:s15] =	ssyncset.done $0x0  }
0x2b: {  	[sflag:s15] =	ssyncadd.s32 $0xFFFFE000  }
0x2c: {  	[spmem:s9] =	stream.linear.scatter [tilespmem:s14], [sflag:$0x3], $0x2000, $0x38;
	[tilespmem:$0x17000] =	vst v63  }
0x2d: {  	_ =	swait.ge [sflag:s15], $0x2000  }
0x2e: {  	[sflag:s15] =	ssyncset.done $0x0  }
0x2f: {  	s0 =	simm.s32 $0x0;
	[sflag:s15] =	ssyncadd.s32 $0xFFFFE000  }
0x30: {  	[tilespmem:s0], [sflag:$0x3] =	stream.linear.gather [hbm4b:s10+s0], $0x2800, $0x38;
	[tilespmem:$0x17000] =	vst v63  }
0x31: {  	_ =	swait.ge [sflag:s15], $0x2800  }
0x32: {  	[sflag:s15] =	ssyncset.done $0x0  }
0x33: {  	s16 =	simm.s32 $0x2800;
	[sflag:s15] =	ssyncadd.s32 $0xFFFFD800  }
0x34: {  	[tilespmem:s16], [sflag:$0x3] =	stream.linear.gather [hbm4b:s11+s0], $0x2800, $0x38;
	[tilespmem:$0x17000] =	vst v63  }
0x35: {  	_ =	swait.ge [sflag:s15], $0x2800  }
0x36: {  	[sflag:s15] =	ssyncset.done $0x0  }
0x37: {  	[sflag:s15] =	ssyncadd.s32 $0xFFFFD800  }
0x38: {  	[bflag:$0x0] =	sbarrier.arrive $0xFFFF  }
0x39: {  	[tilespmem:s14], [sflag:$0x1] =	stream.indirect.gather [hbm4b:s4+s17], $0x40, s0, s17, $0xb8;
	[tilespmem:$0x17000] =	vst v63  }
0x3a: {  	_ = 	snop  }
0x3b: {  	[tilespmem:s18], [sflag:$0x1] =	stream.indirect.gather [hbm4b:s4+s17], $0x40, s17, s17, $0xb8;
	[tilespmem:$0x17000] =	vst v63  }
0x3c: {  	s1 =	simm.s32 $0x100  }
0x3d: {  	[tilespmem:s19], [sflag:$0x1] =	stream.indirect.gather [hbm4b:s4+s17], $0x40, s1, s17, $0xb8;
	[tilespmem:$0x17000] =	vst v63  }
0x3e: {  	s16 =	simm.s32 $0x180  }
0x3f: {  	[tilespmem:s20], [sflag:$0x1] =	stream.indirect.gather [hbm4b:s4+s17], $0x40, s16, s17, $0xb8;
	[tilespmem:$0x17000] =	vst v63  }
0x40: {  	_ =	swait.ge [sflag:s21], $0x2000  }
0x41: {  	[sflag:s21] =	ssyncset.done $0x0  }
0x42: {  	[sflag:s21] =	ssyncadd.s32 $0xFFFFE000  }
0x43: {  	_ =	swait.ge [sflag:s21], $0x2000  }
0x44: {  	[sflag:s21] =	ssyncset.done $0x0  }
0x45: {  	s1 =	simm.s32 $0x2800;
	[sflag:s21] =	ssyncadd.s32 $0xFFFFE000  }
0x46: {  	[spmem:s2] =	stream.indirect.scatter.add.f32 [tilespmem:s14], [sflag:$0x2], $0x40, s1, s17, $0xb8;
	[tilespmem:$0x17000] =	vst v63  }
0x47: {  	s16 =	simm.s32 $0x2880  }
0x48: {  	[spmem:s2] =	stream.indirect.scatter.add.f32 [tilespmem:s18], [sflag:$0x2], $0x40, s16, s17, $0xb8;
	[tilespmem:$0x17000] =	vst v63  }
0x49: {  	_ =	swait.ge [sflag:s22], $0x2000  }
0x4a: {  	[sflag:s22] =	ssyncset.done $0x0  }
0x4b: {  	[sflag:s22] =	ssyncadd.s32 $0xFFFFE000  }
0x4c: {  	_ =	swait.ge [sflag:s22], $0x2000  }
0x4d: {  	[sflag:s22] =	ssyncset.done $0x0  }
0x4e: {  	s1 =	simm.s32 $0x200;
	[sflag:s22] =	ssyncadd.s32 $0xFFFFE000  }
0x4f: {  	[tilespmem:s14], [sflag:$0x1] =	stream.indirect.gather [hbm4b:s4+s17], $0x40, s1, s17, $0xb8;
	[tilespmem:$0x17000] =	vst v63  }
0x50: {  	s16 =	simm.s32 $0x280  }
0x51: {  	[tilespmem:s18], [sflag:$0x1] =	stream.indirect.gather [hbm4b:s4+s17], $0x40, s16, s17, $0xb8;
	[tilespmem:$0x17000] =	vst v63  }
0x52: {  	_ =	swait.ge [sflag:s21], $0x2000  }
0x53: {  	[sflag:s21] =	ssyncset.done $0x0  }
0x54: {  	[sflag:s21] =	ssyncadd.s32 $0xFFFFE000  }
0x55: {  	_ =	swait.ge [sflag:s21], $0x2000  }
0x56: {  	[sflag:s21] =	ssyncset.done $0x0  }
0x57: {  	s1 =	simm.s32 $0x2900;
	[sflag:s21] =	ssyncadd.s32 $0xFFFFE000  }
0x58: {  	[spmem:s2] =	stream.indirect.scatter.add.f32 [tilespmem:s19], [sflag:$0x2], $0x40, s1, s17, $0xb8;
	[tilespmem:$0x17000] =	vst v63  }
0x59: {  	s16 =	simm.s32 $0x2980  }
0x5a: {  	[spmem:s2] =	stream.indirect.scatter.add.f32 [tilespmem:s20], [sflag:$0x2], $0x40, s16, s17, $0xb8;
	[tilespmem:$0x17000] =	vst v63  }
0x5b: {  	_ =	swait.ge [sflag:s22], $0x2000  }
0x5c: {  	[sflag:s22] =	ssyncset.done $0x0  }
0x5d: {  	[sflag:s22] =	ssyncadd.s32 $0xFFFFE000  }
0x5e: {  	_ =	swait.ge [sflag:s22], $0x2000  }
0x5f: {  	s31 =	simm.s32 $0x1000;
	s30 =	simm.s32 $0x200;
	[sflag:s22] =	ssyncset.done $0x0  }
.LBB2_4:
0x60: {  	s16 =	sadd.s32 $0x100, s30  }
0x61: {  	[sflag:s22] =	ssyncadd.s32 $0xFFFFE000;
	s1 =	smov.u32 s31;
	s0 =	sadd.s32 $0x800, s31  }
0x62: {  	[tilespmem:s19], [sflag:$0x1] =	stream.indirect.gather [hbm4b:s4+s17], $0x40, s16, s17, $0xb8;
	[tilespmem:$0x17000] =	vst v63  }
0x63: {  	p0 =	sne.s32 s31, $0x9000;
	s16 =	sadd.s32 $0x180, s30  }
0x64: {  	[tilespmem:s20], [sflag:$0x1] =	stream.indirect.gather [hbm4b:s4+s17], $0x40, s16, s17, $0xb8;
	[tilespmem:$0x17000] =	vst v63  }
0x65: {  	_ =	swait.ge [sflag:s21], $0x2000  }
0x66: {  	[sflag:s21] =	ssyncset.done $0x0  }
0x67: {  	[sflag:s21] =	ssyncadd.s32 $0xFFFFE000  }
0x68: {  	_ =	swait.ge [sflag:s21], $0x2000  }
0x69: {  	[sflag:s21] =	ssyncset.done $0x0  }
0x6a: {  	s16 =	sadd.s32 $0x2800, s30;
	[sflag:s21] =	ssyncadd.s32 $0xFFFFE000  }
0x6b: {  	[spmem:s2] =	stream.indirect.scatter.add.f32 [tilespmem:s14], [sflag:$0x2], $0x40, s16, s17, $0xb8;
	[tilespmem:$0x17000] =	vst v63  }
0x6c: {  	s16 =	sadd.s32 $0x2880, s30  }
0x6d: {  	[spmem:s2] =	stream.indirect.scatter.add.f32 [tilespmem:s18], [sflag:$0x2], $0x40, s16, s17, $0xb8;
	[tilespmem:$0x17000] =	vst v63  }
0x6e: {  	_ =	swait.ge [sflag:s22], $0x2000  }
0x6f: {  	[sflag:s22] =	ssyncset.done $0x0  }
0x70: {  	[sflag:s22] =	ssyncadd.s32 $0xFFFFE000  }
0x71: {  	_ =	swait.ge [sflag:s22], $0x2000  }
0x72: {  	[sflag:s22] =	ssyncset.done $0x0  }
0x73: {  	s16 =	sadd.s32 $0x200, s30;
	[sflag:s22] =	ssyncadd.s32 $0xFFFFE000  }
0x74: {  	[tilespmem:s14], [sflag:$0x1] =	stream.indirect.gather [hbm4b:s4+s17], $0x40, s16, s17, $0xb8;
	[tilespmem:$0x17000] =	vst v63  }
0x75: {  	s16 =	sadd.s32 $0x280, s30  }
0x76: {  	[tilespmem:s18], [sflag:$0x1] =	stream.indirect.gather [hbm4b:s4+s17], $0x40, s16, s17, $0xb8;
	[tilespmem:$0x17000] =	vst v63  }
0x77: {  	_ =	swait.ge [sflag:s21], $0x2000  }
0x78: {  	[sflag:s21] =	ssyncset.done $0x0  }
0x79: {  	[sflag:s21] =	ssyncadd.s32 $0xFFFFE000  }
0x7a: {  	_ =	swait.ge [sflag:s21], $0x2000  }
0x7b: {  	[sflag:s21] =	ssyncset.done $0x0  }
0x7c: {  	s16 =	sadd.s32 $0x2900, s30;
	[sflag:s21] =	ssyncadd.s32 $0xFFFFE000  }
0x7d: {  	[spmem:s2] =	stream.indirect.scatter.add.f32 [tilespmem:s19], [sflag:$0x2], $0x40, s16, s17, $0xb8;
	[tilespmem:$0x17000] =	vst v63  }
0x7e: {  	s16 =	sadd.s32 $0x2980, s30  }
0x7f: {  	[spmem:s2] =	stream.indirect.scatter.add.f32 [tilespmem:s20], [sflag:$0x2], $0x40, s16, s17, $0xb8;
	[tilespmem:$0x17000] =	vst v63  }
.Ltmp1:
0x80: {  	_ =	swait.ge [sflag:s22], $0x2000;
	(pc) =	sbr.rel @p0 .LBB2_4-.Ltmp1, $4  }
0x81: {  	[sflag:s22] =	ssyncset.done $0x0  }
0x82: {  	[sflag:s22] =	ssyncadd.s32 $0xFFFFE000  }
0x83: {  	_ =	swait.ge [sflag:s22], $0x2000  }
0x84: {  	s31 =	smov.u32 s0;
	s30 =	sshra.s32 s1, $0x2;
	[sflag:s22] =	ssyncset.done $0x0  }
0x85: {  	s0 =	sadd.s32 $0x100, s30;
	[sflag:s22] =	ssyncadd.s32 $0xFFFFE000  }
0x86: {  	[tilespmem:s19], [sflag:$0x1] =	stream.indirect.gather [hbm4b:s4+s17], $0x40, s0, s17, $0xb8;
	[tilespmem:$0x17000] =	vst v63  }
0x87: {  	s31 =	sadd.s32 $0x180, s30  }
0x88: {  	[tilespmem:s20], [sflag:$0x1] =	stream.indirect.gather [hbm4b:s4+s17], $0x40, s31, s17, $0xb8;
	[tilespmem:$0x17000] =	vst v63  }
0x89: {  	_ =	swait.ge [sflag:s21], $0x2000  }
0x8a: {  	[sflag:s21] =	ssyncset.done $0x0  }
0x8b: {  	[sflag:s21] =	ssyncadd.s32 $0xFFFFE000  }
0x8c: {  	_ =	swait.ge [sflag:s21], $0x2000  }
0x8d: {  	[sflag:s21] =	ssyncset.done $0x0  }
0x8e: {  	s1 =	sadd.s32 $0x2800, s30;
	[sflag:s21] =	ssyncadd.s32 $0xFFFFE000  }
0x8f: {  	[spmem:s2] =	stream.indirect.scatter.add.f32 [tilespmem:s14], [sflag:$0x2], $0x40, s1, s17, $0xb8;
	[tilespmem:$0x17000] =	vst v63  }
0x90: {  	s16 =	sadd.s32 $0x2880, s30  }
0x91: {  	[spmem:s2] =	stream.indirect.scatter.add.f32 [tilespmem:s18], [sflag:$0x2], $0x40, s16, s17, $0xb8;
	[tilespmem:$0x17000] =	vst v63  }
0x92: {  	_ =	swait.ge [sflag:s22], $0x2000  }
0x93: {  	[sflag:s22] =	ssyncset.done $0x0  }
0x94: {  	[sflag:s22] =	ssyncadd.s32 $0xFFFFE000  }
0x95: {  	_ =	swait.ge [sflag:s22], $0x2000  }
0x96: {  	[sflag:s22] =	ssyncset.done $0x0  }
0x97: {  	s31 =	sadd.s32 $0x200, s30;
	[sflag:s22] =	ssyncadd.s32 $0xFFFFE000  }
0x98: {  	[tilespmem:s14], [sflag:$0x1] =	stream.indirect.gather [hbm4b:s4+s17], $0x40, s31, s17, $0xb8;
	[tilespmem:$0x17000] =	vst v63  }
0x99: {  	s1 =	sadd.s32 $0x280, s30  }
0x9a: {  	[tilespmem:s18], [sflag:$0x1] =	stream.indirect.gather [hbm4b:s4+s17], $0x40, s1, s17, $0xb8;
	[tilespmem:$0x17000] =	vst v63  }
0x9b: {  	_ =	swait.ge [sflag:s21], $0x2000  }
0x9c: {  	[sflag:s21] =	ssyncset.done $0x0  }
0x9d: {  	[sflag:s21] =	ssyncadd.s32 $0xFFFFE000  }
0x9e: {  	_ =	swait.ge [sflag:s21], $0x2000  }
0x9f: {  	[sflag:s21] =	ssyncset.done $0x0  }
0xa0: {  	s16 =	sadd.s32 $0x2900, s30;
	[sflag:s21] =	ssyncadd.s32 $0xFFFFE000  }
0xa1: {  	[spmem:s2] =	stream.indirect.scatter.add.f32 [tilespmem:s19], [sflag:$0x2], $0x40, s16, s17, $0xb8;
	[tilespmem:$0x17000] =	vst v63  }
0xa2: {  	s30 =	sadd.s32 $0x2980, s30  }
0xa3: {  	[spmem:s2] =	stream.indirect.scatter.add.f32 [tilespmem:s20], [sflag:$0x2], $0x40, s30, s17, $0xb8;
	[tilespmem:$0x17000] =	vst v63  }
0xa4: {  	_ =	swait.ge [sflag:s22], $0x2000  }
0xa5: {  	[sflag:s22] =	ssyncset.done $0x0  }
0xa6: {  	[sflag:s22] =	ssyncadd.s32 $0xFFFFE000  }
0xa7: {  	_ =	swait.ge [sflag:s22], $0x2000  }
0xa8: {  	[sflag:s22] =	ssyncset.done $0x0  }
0xa9: {  	[sflag:s22] =	ssyncadd.s32 $0xFFFFE000  }
0xaa: {  	[tilespmem:s19], [sflag:$0x1] =	stream.indirect.gather [hbm4b:s4+s17], $0x40, s23, s17, $0xb8;
	[tilespmem:$0x17000] =	vst v63  }
0xab: {  	_ = 	snop  }
0xac: {  	[tilespmem:s20], [sflag:$0x1] =	stream.indirect.gather [hbm4b:s4+s17], $0x40, s24, s17, $0xb8;
	[tilespmem:$0x17000] =	vst v63  }
0xad: {  	_ =	swait.ge [sflag:s21], $0x2000  }
0xae: {  	[sflag:s21] =	ssyncset.done $0x0  }
0xaf: {  	[sflag:s21] =	ssyncadd.s32 $0xFFFFE000  }
0xb0: {  	_ =	swait.ge [sflag:s21], $0x2000  }
0xb1: {  	[sflag:s21] =	ssyncset.done $0x0  }
0xb2: {  	[sflag:s21] =	ssyncadd.s32 $0xFFFFE000  }
0xb3: {  	[spmem:s2] =	stream.indirect.scatter.add.f32 [tilespmem:s14], [sflag:$0x2], $0x40, s25, s17, $0xb8;
	[tilespmem:$0x17000] =	vst v63  }
0xb4: {  	_ = 	snop  }
0xb5: {  	[spmem:s2] =	stream.indirect.scatter.add.f32 [tilespmem:s18], [sflag:$0x2], $0x40, s26, s17, $0xb8;
	[tilespmem:$0x17000] =	vst v63  }
0xb6: {  	_ =	swait.ge [sflag:s22], $0x2000  }
0xb7: {  	[sflag:s22] =	ssyncset.done $0x0  }
0xb8: {  	[sflag:s22] =	ssyncadd.s32 $0xFFFFE000  }
0xb9: {  	_ =	swait.ge [sflag:s22], $0x2000  }
0xba: {  	[sflag:s22] =	ssyncset.done $0x0  }
0xbb: {  	[sflag:s22] =	ssyncadd.s32 $0xFFFFE000  }
0xbc: {  	_ =	swait.ge [sflag:s21], $0x2000  }
0xbd: {  	[sflag:s21] =	ssyncset.done $0x0  }
0xbe: {  	[sflag:s21] =	ssyncadd.s32 $0xFFFFE000  }
0xbf: {  	_ =	swait.ge [sflag:s21], $0x2000  }
0xc0: {  	[sflag:s21] =	ssyncset.done $0x0  }
0xc1: {  	[sflag:s21] =	ssyncadd.s32 $0xFFFFE000  }
0xc2: {  	[spmem:s2] =	stream.indirect.scatter.add.f32 [tilespmem:s19], [sflag:$0x2], $0x40, s28, s17, $0xb8;
	[tilespmem:$0x17000] =	vst v63  }
0xc3: {  	_ = 	snop  }
0xc4: {  	[spmem:s2] =	stream.indirect.scatter.add.f32 [tilespmem:s20], [sflag:$0x2], $0x40, s29, s17, $0xb8;
	[tilespmem:$0x17000] =	vst v63  }
0xc5: {  	_ =	swait.ge [sflag:s22], $0x2000  }
0xc6: {  	[sflag:s22] =	ssyncset.done $0x0  }
0xc7: {  	[sflag:s22] =	ssyncadd.s32 $0xFFFFE000  }
0xc8: {  	s31 =	stileid.u32;
	_ =	swait.ge [sflag:s22], $0x2000  }
0xc9: {  	s3 =	sadd.s32 $0x1, s3;
	s0 =	sshll.u32 s31, $0x6;
	[sflag:s22] =	ssyncset.done $0x0  }
0xca: {  	p0 =	sne.s32 s3, s13;
	s0 =	sor.u32 $0x1C03, s0;
	[sflag:s22] =	ssyncadd.s32 $0xFFFFE000  }
.Ltmp2:
0xcb: {  	s1 =	sshrl.u32 s5, $0x3;
	[bflag:$0x0] =	sbarrier.arrive $0xFFFF;
	(pc) =	sbr.rel @p0 .LBB2_1-.Ltmp2, $4  }
0xcc: {  	[hbm:s12], [sflag:s0] =	dma.local [spmem:s1], $0x1400  }
0xcd: {  	_ =	swait.ge [sflag:s15], $0x1400  }
0xce: {  	[sflag:s15] =	ssyncset.done $0x0  }
0xcf: {  	[sflag:s15] =	ssyncadd.s32 $0xFFFFEC00  }
0xd0: {  	_ =	sfence.sel $0x180000  }
0xd1: {  	[bflag:$0x0] =	sbarrier.arrive $0xFFFF  }
0xd2: {  	_ =	strace $0x9000004D  }
0xd3: {  	s0 =	stileid.u32;
	[bflag:$0x2] =	sbarrier.arrive $0xFFFF  }
0xd4: {  	p0 =	sne.s32 s0, $0x0;
	s0 =	rddreg [dreg:$0x3]  }
0xd5: {  	s0 =	sadd.s32 @!p0 $0x100000, s0  }
0xd6: {  	[sflag:s0] =	ssyncadd.tile.s32 @!p0 $0x1;
	_ =	shalt  }
.Lfunc_end2:
_tile_overlayer_lowered:
.L_overlay_start_2:
0xd7: {  	(tag) =	ssettag $0x2  }
0xd8: {  	s0 =	rddreg [dreg:$0x0];
	s2 =	stileid.u32  }
0xd9: {  	s1 =	rddreg [dreg:$0x1];
	p0 =	sne.s32 s2, $0x0  }
0xda: {  	s3 =	rddreg [dreg:$0x2];
	[bflag:$0x3] =	sbarrier.arrive $0xFFFF;
	s2 =	simm.s32 @!p0 $0x1C03  }
0xdb: {  	[timem:s3], [sflag:s2] =	dma.local @!p0 [hbm:s0], s1  }
0xdc: {  	s0 =	simm.s32 @!p0 $0x3  }
0xdd: {  	_ =	swait.ge @!p0 [sflag:s0], s1  }
0xde: {  	s1 =	ssub.s32 @!p0 $0x0, s1;
	[sflag:s0] =	ssyncset.done @!p0 $0x0  }
0xdf: {  	[sflag:s0] =	ssyncadd.s32 @!p0 s1  }
0xe0: {  	[bflag:$0x3] =	sbarrier.arrive $0xFFFF  }
0xe1: {  	_ =	shalt  }

// kernel: kernel.9.cloned.1.call-start
scs
__scs_entry_jumppad:
0x0: {  	(pc) =	sbr.rel $0x88, $3  }
0x1: {  	(tag) =	ssettag $0x0;
	lr =	simm.s32 $0x1  }
0x2: {  	[smem:$0x3F9B] =	sst lr;
	_ =	strace $0xD0000000  }
0x3: {  	_ = 	snop  }
0x4: {  	_ = 	snop  }
0x5: {  	_ = 	snop  }
0x6: {  	_ = 	snop  }
0x7: {  	_ = 	snop  }
__scs_overlays_trampoline_lowered:
0x8: {  	[smem:$0x3FAA] =	sst s0  }
0x9: {  	[smem:$0x3FAB] =	sst s1  }
0xa: {  	[smem:$0x3FAC] =	sst s2  }
0xb: {  	[smem:$0x3FAD] =	sst s3  }
0xc: {  	[smem:$0x3FAE] =	sst s4  }
0xd: {  	[smem:$0x3FAF] =	sst s5  }
0xe: {  	[smem:$0x3FB0] =	sst s6  }
0xf: {  	[smem:$0x3FB1] =	sst s7  }
0x10: {  	[smem:$0x3FB2] =	sst s8  }
0x11: {  	[smem:$0x3FB3] =	sst s9;
	s0 =	simm.s32 @!p0 $0x0  }
0x12: {  	s1 =	sld [smem:$0x3F99];
	s0 =	simm.s32 @p0 $0x1  }
0x13: {  	[smem:$0x3FB4] =	sst s0;
	s0 =	simm.s32 @!p1 $0x0  }
0x14: {  	s2 =	sld [smem:$0x3F98];
	s0 =	simm.s32 @p1 $0x1  }
0x15: {  	[smem:$0x3FB5] =	sst s0;
	s0 =	simm.s32 @!p2 $0x0  }
0x16: {  	s3 =	sld [smem:$0x3FDB];
	s0 =	simm.s32 @p2 $0x1  }
0x17: {  	s4 =	simm.s32 $0x1BF5;
	[smem:$0x3FB7] =	sst s0  }
0x18: {  	s0 =	sld [smem:$0x3F9A];
	_ =	swait.ge [sflag:s4], $0x0  }
0x19: {  	s7 =	sld [smem:$0x3F9B]  }
0x1a: {  	s8 =	sadd.s32 $0xFFFFE003, lr  }
0x1b: {  	s9 =	sadd.s32 $0xFFFFFEF7, lr;
	s5 =	simm.s32 $0xFFFFFFFF;
	p2 =	slt.u32 s8, $0xFFFFF086  }
0x1c: {  	p1 =	slt.u32 s9, $0xF7A;
	s5 =	simm.s32 @!p2 $0x0  }
0x1d: {  	s5 =	simm.s32 @p1 $0x1;
	p0 =	seq.s32 s7, s2  }
0x1e: {  	s7 =	smul.u32 @!p0 $0xF7A, s2;
	p2 =	seq.s32 @!p0 s5, $0x0  }
0x1f: {  	s9 =	smul.u32 $0xF7A, s1;
	s8 =	simm.s32 @!p0 $0x1BF5;
	p2 =	por !p2, p0  }
0x20: {  	[sflag:s8] =	ssyncset.s32 @!p0 $0xFFFFF086;
	s6 =	sadd.s32 @!p0 s3, s7;
	s7 =	simm.s32 @!p0 $0x108  }
0x21: {  	s3 =	sadd.s32 s3, s9;
	s6 =	sadd.s32 @!p0 $0x88, s6;
	s7 =	simm.s32 @p2 $0x1082  }
0x22: {  	[simem:s7], [sflag:s8] =	dma.local @!p0 [hbm:s6], $0xF7A  }
0x23: {  	s9 =	sor.u32 $0xD0000000, s2;
	s6 =	simm.s32 $0x108;
	_ =	swait.ge @!p0 [sflag:s8], $0x0  }
0x24: {  	s3 =	sadd.s32 $0x88, s3;
	s6 =	simm.s32 @!p1 $0x1082;
	[sflag:s4] =	ssyncset.s32 $0xFFFFF086  }
0x25: {  	[simem:s6], [sflag:s4] =	dma.local [hbm:s3], $0xF7A  }
0x26: {  	[smem:$0x3F9B] =	sst s1;
	(tag) =	ssettag s2;
	_ =	strace s9  }
0x27: {  	s1 =	sld [smem:$0x3FAB]  }
0x28: {  	s2 =	sld [smem:$0x3FAC]  }
0x29: {  	s4 =	sld [smem:$0x3FAE]  }
0x2a: {  	p0 =	seq.s32 s5, $0x0;
	s5 =	sld [smem:$0x3FAF]  }
0x2b: {  	s6 =	sld [smem:$0x3FB0]  }
0x2c: {  	s7 =	sld [smem:$0x3FB1]  }
0x2d: {  	s3 =	simm.s32 $0x108;
	s8 =	sld [smem:$0x3FB2]  }
0x2e: {  	s3 =	simm.s32 @!p0 $0x1082;
	s9 =	sld [smem:$0x3FB3]  }
0x2f: {  	lr =	sadd.s32 s0, s3;
	s0 =	sld [smem:$0x3FAA]  }
0x30: {  	s3 =	sld [smem:$0x3FAD]  }
0x31: {  	[smem:$0x3FB6] =	sst s10  }
0x32: {  	s10 =	sld [smem:$0x3FB4];
	_ =	sdelay $0x3  }
0x33: {  	p0 =	seq.s32 s10, $0x1;
	s10 =	sld [smem:$0x3FB6];
	_ =	sdelay $0x3  }
0x34: {  	[smem:$0x3FB6] =	sst s10  }
0x35: {  	s10 =	sld [smem:$0x3FB5];
	_ =	sdelay $0x3  }
0x36: {  	p1 =	seq.s32 s10, $0x1;
	s10 =	sld [smem:$0x3FB6];
	_ =	sdelay $0x3  }
0x37: {  	[smem:$0x3FB6] =	sst s10  }
0x38: {  	s10 =	sld [smem:$0x3FB7]  }
0x39: {  	_ = 	snop;
	(pc) =	sbr.ind lr, $3  }
0x3a: {  	_ = 	snop  }
0x3b: {  	_ = 	snop  }
0x3c: {  	p2 =	seq.s32 s10, $0x1;
	s10 =	sld [smem:$0x3FB6]  }
0x3d: {  	_ =	shalt  }
0x3e: {  	_ =	shalt  }
0x3f: {  	_ =	shalt  }
0x40: {  	_ =	shalt  }
0x41: {  	_ =	shalt  }
0x42: {  	_ =	shalt  }
0x43: {  	_ =	shalt  }
0x44: {  	_ =	shalt  }
0x45: {  	_ =	shalt  }
0x46: {  	_ =	shalt  }
0x47: {  	_ =	shalt  }
0x48: {  	_ =	shalt  }
0x49: {  	_ =	shalt  }
0x4a: {  	_ =	shalt  }
0x4b: {  	_ =	shalt  }
0x4c: {  	_ =	shalt  }
0x4d: {  	_ =	shalt  }
0x4e: {  	_ =	shalt  }
0x4f: {  	_ =	shalt  }
0x50: {  	_ =	shalt  }
0x51: {  	_ =	shalt  }
0x52: {  	_ =	shalt  }
0x53: {  	_ =	shalt  }
0x54: {  	_ =	shalt  }
0x55: {  	_ =	shalt  }
0x56: {  	_ =	shalt  }
0x57: {  	_ =	shalt  }
0x58: {  	_ =	shalt  }
0x59: {  	_ =	shalt  }
0x5a: {  	_ =	shalt  }
0x5b: {  	_ =	shalt  }
0x5c: {  	_ =	shalt  }
0x5d: {  	_ =	shalt  }
0x5e: {  	_ =	shalt  }
0x5f: {  	_ =	shalt  }
0x60: {  	_ =	shalt  }
0x61: {  	_ =	shalt  }
0x62: {  	_ =	shalt  }
0x63: {  	_ =	shalt  }
0x64: {  	_ =	shalt  }
0x65: {  	_ =	shalt  }
0x66: {  	_ =	shalt  }
0x67: {  	_ =	shalt  }
0x68: {  	_ =	shalt  }
0x69: {  	_ =	shalt  }
0x6a: {  	_ =	shalt  }
0x6b: {  	_ =	shalt  }
0x6c: {  	_ =	shalt  }
0x6d: {  	_ =	shalt  }
0x6e: {  	_ =	shalt  }
0x6f: {  	_ =	shalt  }
0x70: {  	_ =	shalt  }
0x71: {  	_ =	shalt  }
0x72: {  	_ =	shalt  }
0x73: {  	_ =	shalt  }
0x74: {  	_ =	shalt  }
0x75: {  	_ =	shalt  }
0x76: {  	_ =	shalt  }
0x77: {  	_ =	shalt  }
0x78: {  	_ =	shalt  }
0x79: {  	_ =	shalt  }
0x7a: {  	_ =	shalt  }
0x7b: {  	_ =	shalt  }
0x7c: {  	_ =	shalt  }
0x7d: {  	_ =	shalt  }
0x7e: {  	_ =	shalt  }
0x7f: {  	_ =	shalt  }
0x80: {  	_ =	shalt  }
0x81: {  	_ =	shalt  }
0x82: {  	_ =	shalt  }
0x83: {  	_ =	shalt  }
0x84: {  	_ =	shalt  }
0x85: {  	_ =	shalt  }
0x86: {  	_ =	shalt  }
0x87: {  	_ =	shalt  }
.Lfunc_end0:
.L_simem_size_0:
called_computation_lowered:
.L_overlay_start_0:
0x88: {  	s2 =	sld [smem:$0x3FD9]  }
0x89: {  	s3 =	sld [smem:$0x3FFE];
	_ =	sdelay $0x1  }
0x8a: {  	s1 =	srdreg.scid  }
0x8b: {  	s0 =	sand.u32 $0x1, s1  }
0x8c: {  	s17 =	sshll.u32 s0, $0xA;
	s2 =	sadd.s32 s3, s2  }
0x8d: {  	s2 =	sadd.s32 s2, s17  }
0x8e: {  	[smem:$0x3FC2] =	sst s2  }
0x8f: {  	_ = 	snop  }
0x90: {  	s2 =	sld [smem:$0x3FD0];
	(tm) =	ssettm $0x1  }
0x91: {  	s18 =	sld [smem:$0x3FFB];
	_ =	sdelay $0x3  }
0x92: {  	_ =	strace s18  }
0x93: {  	s3 =	sld [smem:$0x3FFC];
	_ =	sdelay $0x3  }
0x94: {  	_ =	strace s3  }
0x95: {  	s3 =	sld [smem:$0x3FFD];
	_ =	sdelay $0x3  }
0x96: {  	_ =	strace s3  }
0x97: {  	_ =	strace $0x8FFFFFFF  }
0x98: {  	s19 =	sld [smem:$0x3FDB];
	_ =	sdelay $0x1  }
0x99: {  	s4 =	simm.s32 $_scs_section_size  }
0x9a: {  	s5 =	simm.s32 $_size__tile_overlayer_lowered;
	s6 =	simm.s32 $_tile_overlayer_lowered  }
0x9b: {  	s22 =	simm.s32 $0x1BFF;
	s21 =	sshll.u32 s6, $0x1;
	s3 =	sadd.s32 s4, s19  }
0x9c: {  	s7 =	simm.s32 $0x0;
	s20 =	sshll.u32 s5, $0x1;
	s5 =	sadd.s32 s21, s3  }
0x9d: {  	[timem:s7], [sflag:s22] =	dma.local [hbm:s5], s20  }
0x9e: {  	_ =	swait.ge [sflag:s22], s20  }
0x9f: {  	s4 =	ssub.s32 $0x0, s20;
	[sflag:s22] =	ssyncset.done $0x0  }
0xa0: {  	[sflag:s22] =	ssyncadd.s32 s4;
	_ =	sdelay $0x1  }
0xa1: {  	s23 =	simm.s32 $0x1B8B  }
0xa2: {  	_ =	swait.ge [sflag:s23], $0x1  }
0xa3: {  	[sflag:s23] =	ssyncset.done $0x0  }
0xa4: {  	s25 =	simm.s32 $0x1B8E;
	s24 =	sld [smem:$0x3FFE];
	[sflag:s23] =	ssyncadd.s32 $0xFFFFFFFF  }
0xa5: {  	s26 =	simm.s32 $execute0_lowered;
	[smem:$0x3FD2] =	sst s25  }
0xa6: {  	s5 =	sshll.u32 s26, $0x1;
	_ =	strace $0x80000046;
	[dreg:$0x1] =	wrdreg $0xFFFFFFFF  }
0xa7: {  	s28 =	simm.s32 $_size_execute0_lowered;
	s3 =	sadd.s32 s3, s5;
	[dreg:$0x0] =	wrdreg $0x0  }
0xa8: {  	s5 =	sshll.u32 s28, $0x1;
	[dreg:$0x2] =	wrdreg s3  }
0xa9: {  	[dreg:$0x3] =	wrdreg s5  }
0xaa: {  	[dreg:$0x4] =	wrdreg $0xC0  }
0xab: {  	_ =	task [dreg:s7], $0x5FFFF  }
0xac: {  	[dreg:$0x1] =	wrdreg $0xFFFFFFFF  }
0xad: {  	[dreg:$0x0] =	wrdreg $0x60  }
0xae: {  	[dreg:$0x2] =	wrdreg s24  }
0xaf: {  	[dreg:$0x3] =	wrdreg s2  }
0xb0: {  	[dreg:$0x4] =	wrdreg $0x7A800  }
0xb1: {  	[dreg:$0x5] =	wrdreg $0x9  }
0xb2: {  	_ =	task.clear_ibuf [dreg:s7], $0x6FFFF;
	_ =	strace $0x90000046  }
0xb3: {  	s29 =	simm.s32 $0x9;
	_ =	strace $0x80000048  }
0xb4: {  	_ =	swait.ge [sflag:s29], $0x1  }
0xb5: {  	[sflag:s29] =	ssyncadd.s32 $0xFFFFFFFF  }
0xb6: {  	_ =	strace $0x90000048  }
0xb7: {  	_ =	sfence  }
0xb8: {  	s30 =	sld [smem:$0x0];
	_ =	sdelay $0x2  }
0xb9: {  	s31 =	sshll.u32 s1, $0xD;
	s1 =	sshrl.u32 s1, $0x2  }
0xba: {  	s3 =	sand.u32 $0x4000, s31;
	s1 =	sadd.s32 s1, s30  }
0xbb: {  	s0 =	sor.u32 s3, s0;
	s1 =	sshll.u32 s1, $0x11  }
0xbc: {  	s0 =	sor.u32 s1, s0  }
0xbd: {  	s0 =	sadd.s32 $0x8F2B, s0  }
0xbe: {  	[sflag:s0] =	ssyncadd.remote.s32 $0x1  }
0xbf: {  	_ =	sfence.sel $0xFFFF  }
0xc0: {  	[dreg:$0x0] =	wrdreg $0xFFFFFFFF;
	(pc) =	sbr.abs _section_cstart, $3  }
0xc1: {  	[dreg:$0x1] =	wrdreg $0xFFFFFFFF  }
0xc2: {  	_ =	task.clear_ibuf [dreg:s7], $0x2FFFF;
	_ =	strace $0x9FFFFFFF  }
0xc3: {  	(tm) =	ssettm $0x7FFFFFFF  }
tec
execute0_lowered:
.L_overlay_start_1:
0x0: {  	(tag) =	ssettag $0x1  }
0x1: {  	s4 =	rddreg [dreg:$0x0]  }
0x2: {  	s1 =	srdreg.scid;
	s7 =	rddreg [dreg:$0x1]  }
0x3: {  	s0 =	stileid.u32;
	s2 =	rddreg [dreg:$0x2];
	s3 =	simm.s32 $0x0  }
0x4: {  	s14 =	simm.s32 $0x1;
	s15 =	simm.s32 $0x0;
	s8 =	smul.u32 $0x280, s0  }
0x5: {  	s5 =	sand.u32 $0x1, s1;
	s29 =	sshll.u32 s0, $0x1;
	s31 =	smul.u32 $0x5000, s0  }
0x6: {  	[smem:$0x7FF] =	sst s3;
	s1 =	sor.u32 s5, s29;
	s10 =	smul.u32 $0x2800, s5  }
0x7: {  	s5 =	ssub.s32 $0x2, s5;
	s6 =	smul.u32 $0x2800, s1;
	s1 =	rddreg [dreg:$0x3]  }
0x8: {  	_ =	strace $0x80000047;
	s12 =	sshrl.u32 s5, $0x1;
	s30 =	sadd.s32 s8, s10  }
0x9: {  	s12 =	ssub.s32 s5, s12;
	s9 =	sshrl.u32 s6, $0x3;
	s6 =	sshrl.u32 s30, $0x3  }
0xa: {  	s10 =	sadd.s32 s10, s31;
	s11 =	sadd.s32 s9, s4;
	s13 =	sadd.s32 s6, s4  }
0xb: {  	s4 =	sadd.s32 s8, s2;
	s7 =	sadd.s32 s7, s9;
	s9 =	smax.u32 s12, $0x1  }
0xc: {  	s12 =	simm.s32 $0x2;
	s5 =	sadd.s32 $0x2800, s11;
	s6 =	sadd.s32 $0xC800, s11  }
0xd: {  	v0 =	vimm.f32 $0.0e+00;
	v1 =	vlaneseq.u32;
	v2 =	vimm.f32 $1.000000000e+00;
	s8 =	sadd.s32 $0x16800, s13;
	s11 =	simm.s32 $0x7800;
	s13 =	simm.s32 $0x80  }
.LBB2_1:
0xe: {  	[tilespmem:$0x7800] =	vst v0  }
0xf: {  	[tilespmem:$0x7810] =	vst v0  }
0x10: {  	[tilespmem:$0x7820] =	vst v0  }
0x11: {  	[tilespmem:$0x7830] =	vst v0  }
0x12: {  	[tilespmem:$0x7840] =	vst v0  }
0x13: {  	[tilespmem:$0x7850] =	vst v0  }
0x14: {  	[tilespmem:$0x7860] =	vst v0  }
0x15: {  	[tilespmem:$0x7870] =	vst v0  }
0x16: {  	[tilespmem:$0x7880] =	vst v0  }
0x17: {  	[tilespmem:$0x7890] =	vst v0  }
0x18: {  	[tilespmem:$0x78A0] =	vst v0  }
0x19: {  	[tilespmem:$0x78B0] =	vst v0  }
0x1a: {  	[tilespmem:$0x78C0] =	vst v0  }
0x1b: {  	[tilespmem:$0x78D0] =	vst v0  }
0x1c: {  	[tilespmem:$0x78E0] =	vst v0  }
0x1d: {  	[tilespmem:$0x78F0] =	vst v0  }
0x1e: {  	[tilespmem:$0x7900] =	vst v0  }
0x1f: {  	[tilespmem:$0x7910] =	vst v0  }
0x20: {  	[tilespmem:$0x7920] =	vst v0  }
0x21: {  	[tilespmem:$0x7930] =	vst v0  }
0x22: {  	[tilespmem:$0x7940] =	vst v0  }
0x23: {  	[tilespmem:$0x7950] =	vst v0  }
0x24: {  	[tilespmem:$0x7960] =	vst v0  }
0x25: {  	[tilespmem:$0x7970] =	vst v0  }
0x26: {  	[tilespmem:$0x7980] =	vst v0  }
0x27: {  	[tilespmem:$0x7990] =	vst v0  }
0x28: {  	[tilespmem:$0x79A0] =	vst v0  }
0x29: {  	[tilespmem:$0x79B0] =	vst v0  }
0x2a: {  	[tilespmem:$0x79C0] =	vst v0  }
0x2b: {  	[tilespmem:$0x79D0] =	vst v0  }
0x2c: {  	[tilespmem:$0x79E0] =	vst v0  }
0x2d: {  	[tilespmem:$0x79F0] =	vst v0  }
0x2e: {  	[tilespmem:$0x7A00] =	vst v0  }
0x2f: {  	[tilespmem:$0x7A10] =	vst v0  }
0x30: {  	[tilespmem:$0x7A20] =	vst v0  }
0x31: {  	[tilespmem:$0x7A30] =	vst v0  }
0x32: {  	[tilespmem:$0x7A40] =	vst v0  }
0x33: {  	[tilespmem:$0x7A50] =	vst v0  }
0x34: {  	[tilespmem:$0x7A60] =	vst v0  }
0x35: {  	[tilespmem:$0x7A70] =	vst v0  }
0x36: {  	[spmem:s4] =	stream.linear.scatter [tilespmem:s11], [sflag:$0x2], $0x280, $0x38;
	[tilespmem:$0x7D00] =	vst v63  }
0x37: {  	_ =	swait.ge [sflag:s12], $0x280  }
0x38: {  	[sflag:s12] =	ssyncset.done $0x0  }
0x39: {  	[sflag:s12] =	ssyncadd.s32 $0xFFFFFD80  }
0x3a: {  	[tilespmem:s3], [sflag:$0x2] =	stream.linear.gather [hbm4b:s5+s3], $0x2800, $0x38;
	[tilespmem:$0x7D00] =	vst v63  }
0x3b: {  	_ =	swait.ge [sflag:s12], $0x2800  }
0x3c: {  	[sflag:s12] =	ssyncset.done $0x0  }
0x3d: {  	s16 =	simm.s32 $0x2800;
	[sflag:s12] =	ssyncadd.s32 $0xFFFFD800  }
0x3e: {  	[tilespmem:s16], [sflag:$0x2] =	stream.linear.gather [hbm4b:s6+s3], $0x2800, $0x38;
	[tilespmem:$0x7D00] =	vst v63  }
0x3f: {  	_ =	swait.ge [sflag:s12], $0x2800  }
0x40: {  	[sflag:s12] =	ssyncset.done $0x0  }
0x41: {  	s19 =	sadd.s32 $0x0, s10;
	[sflag:s12] =	ssyncadd.s32 $0xFFFFD800  }
0x42: {  	s17 =	simm.s32 $0x40;
	v3 =	vor.u32 s19, v1;
	[bflag:$0x0] =	sbarrier.arrive $0xFFFF  }
0x43: {  	v5 =	vmulhi.u32 $0x88888889, v3;
	v4 =	vld [tilespmem:s17+$0xFFFFFFC0]  }
0x44: {  	v6 =	vld [tilespmem:s16+$0x0]  }
0x45: {  	v5 =	vshrl.u32 v5, $0x7  }
0x46: {  	v5 =	vmul.u32 $0xF0, v5;
	_ =	sdelay $0x1  }
0x47: {  	v3 =	vsub.s32 v3, v5  }
0x48: {  	v3 =	vadd.s32 $0x2710, v3;
	vm0 =	veq.s32 v4, v6  }
0x49: {  	v3 =	vsel vm0, v3, v4  }
0x4a: {  	s18 =	simm.s32 $0x5000;
	s20 =	sadd.s32 $0x10, s19;
	[tilespmem:s17+$0xFFFFFFC0] =	vst v3;
	v3 =	vsel vm0, $0x0, v2  }
0x4b: {  	v4 =	vor.u32 s20, v1;
	[tilespmem:s18+$0x0] =	vst v3  }
0x4c: {  	v3 =	vmulhi.u32 $0x88888889, v4;
	v5 =	vld [tilespmem:s17+$0xFFFFFFD0]  }
0x4d: {  	v6 =	vld [tilespmem:s16+$0x10]  }
0x4e: {  	v3 =	vshrl.u32 v3, $0x7  }
0x4f: {  	v3 =	vmul.u32 $0xF0, v3;
	_ =	sdelay $0x1  }
0x50: {  	v3 =	vsub.s32 v4, v3  }
0x51: {  	v3 =	vadd.s32 $0x2710, v3;
	vm10 =	veq.s32 v5, v6  }
0x52: {  	v3 =	vsel vm10, v3, v5  }
0x53: {  	s26 =	sadd.s32 $0x20, s19;
	v4 =	vsel vm10, $0x0, v2;
	[tilespmem:s17+$0xFFFFFFD0] =	vst v3  }
0x54: {  	v3 =	vor.u32 s26, v1;
	[tilespmem:s18+$0x10] =	vst v4  }
0x55: {  	v4 =	vmulhi.u32 $0x88888889, v3;
	v5 =	vld [tilespmem:s17+$0xFFFFFFE0]  }
0x56: {  	v6 =	vld [tilespmem:s16+$0x20]  }
0x57: {  	v4 =	vshrl.u32 v4, $0x7  }
0x58: {  	v4 =	vmul.u32 $0xF0, v4;
	_ =	sdelay $0x1  }
0x59: {  	v3 =	vsub.s32 v3, v4  }
0x5a: {  	v3 =	vadd.s32 $0x2710, v3;
	vm11 =	veq.s32 v5, v6  }
0x5b: {  	v3 =	vsel vm11, v3, v5  }
0x5c: {  	s28 =	sadd.s32 $0x30, s19;
	v4 =	vsel vm11, $0x0, v2;
	[tilespmem:s17+$0xFFFFFFE0] =	vst v3  }
0x5d: {  	v3 =	vor.u32 s28, v1;
	[tilespmem:s18+$0x20] =	vst v4  }
0x5e: {  	v4 =	vmulhi.u32 $0x88888889, v3;
	v5 =	vld [tilespmem:s17+$0xFFFFFFF0]  }
0x5f: {  	v6 =	vld [tilespmem:s16+$0x30]  }
0x60: {  	v4 =	vshrl.u32 v4, $0x7  }
0x61: {  	v4 =	vmul.u32 $0xF0, v4;
	_ =	sdelay $0x1  }
0x62: {  	v3 =	vsub.s32 v3, v4  }
0x63: {  	v3 =	vadd.s32 $0x2710, v3;
	vm12 =	veq.s32 v5, v6  }
0x64: {  	v3 =	vsel vm12, v3, v5  }
0x65: {  	s29 =	sadd.s32 $0x40, s19;
	v4 =	vsel vm12, $0x0, v2;
	[tilespmem:s17+$0xFFFFFFF0] =	vst v3  }
0x66: {  	v3 =	vor.u32 s29, v1;
	[tilespmem:s18+$0x30] =	vst v4  }
0x67: {  	v4 =	vmulhi.u32 $0x88888889, v3;
	v5 =	vld [tilespmem:s17+$0x0]  }
0x68: {  	v6 =	vld [tilespmem:s16+$0x40]  }
0x69: {  	v4 =	vshrl.u32 v4, $0x7  }
0x6a: {  	v4 =	vmul.u32 $0xF0, v4;
	_ =	sdelay $0x1  }
0x6b: {  	v3 =	vsub.s32 v3, v4  }
0x6c: {  	v3 =	vadd.s32 $0x2710, v3;
	vm13 =	veq.s32 v5, v6  }
0x6d: {  	v3 =	vsel vm13, v3, v5  }
0x6e: {  	s30 =	sadd.s32 $0x50, s19;
	v4 =	vsel vm13, $0x0, v2;
	[tilespmem:s17+$0x0] =	vst v3  }
0x6f: {  	v3 =	vor.u32 s30, v1;
	[tilespmem:s18+$0x40] =	vst v4  }
0x70: {  	v4 =	vmulhi.u32 $0x88888889, v3;
	v5 =	vld [tilespmem:s17+$0x10]  }
0x71: {  	v6 =	vld [tilespmem:s16+$0x50]  }
0x72: {  	v4 =	vshrl.u32 v4, $0x7  }
0x73: {  	v4 =	vmul.u32 $0xF0, v4;
	_ =	sdelay $0x1  }
0x74: {  	v3 =	vsub.s32 v3, v4  }
0x75: {  	v3 =	vadd.s32 $0x2710, v3;
	vm14 =	veq.s32 v5, v6  }
0x76: {  	v3 =	vsel vm14, v3, v5  }
0x77: {  	s31 =	sadd.s32 $0x60, s19;
	v4 =	vsel vm14, $0x0, v2;
	[tilespmem:s17+$0x10] =	vst v3  }
0x78: {  	v3 =	vor.u32 s31, v1;
	[tilespmem:s18+$0x50] =	vst v4  }
0x79: {  	v4 =	vmulhi.u32 $0x88888889, v3;
	v5 =	vld [tilespmem:s17+$0x20]  }
0x7a: {  	v6 =	vld [tilespmem:s16+$0x60]  }
0x7b: {  	v4 =	vshrl.u32 v4, $0x7  }
0x7c: {  	s19 =	sadd.s32 $0x70, s19;
	v4 =	vmul.u32 $0xF0, v4  }
0x7d: {  	v7 =	vor.u32 s19, v1  }
0x7e: {  	v8 =	vmulhi.u32 $0x88888889, v7;
	v3 =	vsub.s32 v3, v4  }
0x7f: {  	v3 =	vadd.s32 $0x2710, v3;
	vm15 =	veq.s32 v5, v6  }
0x80: {  	v4 =	vshrl.u32 v8, $0x7;
	v3 =	vsel vm15, v3, v5  }
0x81: {  	v4 =	vmul.u32 $0xF0, v4;
	v5 =	vsel vm15, $0x0, v2;
	[tilespmem:s17+$0x20] =	vst v3  }
0x82: {  	[tilespmem:s18+$0x60] =	vst v5  }
0x83: {  	s21 =	simm.s32 $0x5000;
	v3 =	vsub.s32 v7, v4;
	v4 =	vld [tilespmem:s17+$0x30]  }
0x84: {  	s22 =	simm.s32 $0x2800;
	s19 =	simm.s32 $0x80;
	s20 =	simm.s32 $0x40;
	v3 =	vadd.s32 $0x2710, v3;
	v5 =	vld [tilespmem:s16+$0x70]  }
.LBB2_2:
0x85: {  	_ = 	snop  }
0x86: {  	s18 =	sadd.s32 $0x80, s18;
	s16 =	sadd.s32 $0x80, s16;
	s17 =	sadd.s32 $0x80, s17  }
0x87: {  	p0 =	sne.s32 s19, $0x2780;
	s23 =	smov.u32 s19;
	s19 =	sadd.s32 $0x80, s19  }
0x88: {  	_ = 	snop  }
0x89: {  	vm0 =	veq.s32 v4, v5  }
0x8a: {  	v3 =	vsel vm0, v3, v4;
	v4 =	vsel vm0, $0x0, v2  }
0x8b: {  	[tilespmem:s20+$0x30] =	vst v3;
	s20 =	smov.u32 s17  }
0x8c: {  	s23 =	sadd.s32 s23, s10;
	[tilespmem:s21+$0x70] =	vst v4  }
0x8d: {  	v3 =	vor.u32 s23, v1;
	[spmem:s2] =	stream.indirect.scatter.add.f32 [tilespmem:s21], [sflag:$0x1], $0x1, s22, s13, $0xb8;
	[tilespmem:$0x7D00] =	vst v63  }
0x8e: {  	s24 =	sadd.s32 $0x30, s23;
	v5 =	vmulhi.u32 $0x88888889, v3;
	s21 =	sadd.s32 $0x10, s23;
	s22 =	sadd.s32 $0x20, s23;
	v4 =	vld [tilespmem:s17+$0xFFFFFFC0]  }
0x8f: {  	s25 =	sadd.s32 $0x60, s23;
	v9 =	vor.u32 s24, v1;
	s24 =	sadd.s32 $0x50, s23;
	v7 =	vor.u32 s21, v1;
	v8 =	vor.u32 s22, v1;
	s21 =	sadd.s32 $0x40, s23;
	v6 =	vld [tilespmem:s16+$0x0]  }
0x90: {  	v5 =	vshrl.u32 v5, $0x7;
	s23 =	sadd.s32 $0x70, s23;
	s22 =	smov.u32 s16;
	v10 =	vmulhi.u32 $0x88888889, v7;
	v11 =	vor.u32 s21, v1;
	s21 =	smov.u32 s18  }
0x91: {  	v13 =	vor.u32 s24, v1;
	v5 =	vmul.u32 $0xF0, v5;
	v12 =	vmulhi.u32 $0x88888889, v8  }
0x92: {  	v15 =	vor.u32 s25, v1;
	v14 =	vmulhi.u32 $0x88888889, v9;
	v10 =	vshrl.u32 v10, $0x7  }
0x93: {  	v3 =	vsub.s32 v3, v5;
	v5 =	vmul.u32 $0xF0, v10;
	v10 =	vshrl.u32 v12, $0x7  }
0x94: {  	v3 =	vadd.s32 $0x2710, v3;
	vm0 =	veq.s32 v4, v6;
	v6 =	vmul.u32 $0xF0, v10  }
0x95: {  	v3 =	vsel vm0, v3, v4;
	v4 =	vsub.s32 v7, v5;
	v5 =	vshrl.u32 v14, $0x7  }
0x96: {  	[tilespmem:s17+$0xFFFFFFC0] =	vst v3;
	v3 =	vsel vm0, $0x0, v2;
	v6 =	vsub.s32 v8, v6;
	v5 =	vmul.u32 $0xF0, v5  }
0x97: {  	v7 =	vor.u32 s23, v1;
	[tilespmem:s18+$0x0] =	vst v3;
	v3 =	vmulhi.u32 $0x88888889, v11  }
0x98: {  	v8 =	vld [tilespmem:s17+$0xFFFFFFD0];
	v5 =	vsub.s32 v9, v5;
	v9 =	vmulhi.u32 $0x88888889, v13  }
0x99: {  	v12 =	vmulhi.u32 $0x88888889, v15;
	v10 =	vld [tilespmem:s16+$0x10];
	v3 =	vshrl.u32 v3, $0x7  }
0x9a: {  	v14 =	vmulhi.u32 $0x88888889, v7;
	v3 =	vmul.u32 $0xF0, v3;
	v9 =	vshrl.u32 v9, $0x7  }
0x9b: {  	v12 =	vshrl.u32 v12, $0x7;
	v9 =	vmul.u32 $0xF0, v9  }
0x9c: {  	v3 =	vsub.s32 v11, v3;
	v11 =	vmul.u32 $0xF0, v12;
	v12 =	vshrl.u32 v14, $0x7  }
0x9d: {  	v4 =	vadd.s32 $0x2710, v4;
	v9 =	vsub.s32 v13, v9;
	v12 =	vmul.u32 $0xF0, v12  }
0x9e: {  	vm0 =	veq.s32 v8, v10;
	v10 =	vsub.s32 v15, v11  }
0x9f: {  	v4 =	vsel vm0, v4, v8;
	v8 =	vsel vm0, $0x0, v2;
	v7 =	vsub.s32 v7, v12  }
0xa0: {  	[tilespmem:s17+$0xFFFFFFD0] =	vst v4  }
0xa1: {  	[tilespmem:s18+$0x10] =	vst v8  }
0xa2: {  	v4 =	vld [tilespmem:s17+$0xFFFFFFE0]  }
0xa3: {  	v8 =	vld [tilespmem:s16+$0x20];
	_ =	sdelay $0x2  }
0xa4: {  	v6 =	vadd.s32 $0x2710, v6;
	_ =	sdelay $0x1  }
0xa5: {  	vm0 =	veq.s32 v4, v8  }
0xa6: {  	v4 =	vsel vm0, v6, v4;
	v6 =	vsel vm0, $0x0, v2  }
0xa7: {  	[tilespmem:s17+$0xFFFFFFE0] =	vst v4  }
0xa8: {  	[tilespmem:s18+$0x20] =	vst v6  }
0xa9: {  	v4 =	vld [tilespmem:s17+$0xFFFFFFF0]  }
0xaa: {  	v6 =	vld [tilespmem:s16+$0x30];
	_ =	sdelay $0x1  }
0xab: {  	v5 =	vadd.s32 $0x2710, v5;
	_ =	sdelay $0x2  }
0xac: {  	vm0 =	veq.s32 v4, v6  }
0xad: {  	v4 =	vsel vm0, v5, v4;
	v5 =	vsel vm0, $0x0, v2  }
0xae: {  	[tilespmem:s17+$0xFFFFFFF0] =	vst v4  }
0xaf: {  	[tilespmem:s18+$0x30] =	vst v5  }
0xb0: {  	v4 =	vld [tilespmem:s17+$0x0]  }
0xb1: {  	v5 =	vld [tilespmem:s16+$0x40]  }
0xb2: {  	v3 =	vadd.s32 $0x2710, v3;
	_ =	sdelay $0x3  }
0xb3: {  	vm0 =	veq.s32 v4, v5  }
0xb4: {  	v3 =	vsel vm0, v3, v4;
	v4 =	vsel vm0, $0x0, v2  }
0xb5: {  	[tilespmem:s17+$0x0] =	vst v3  }
0xb6: {  	[tilespmem:s18+$0x40] =	vst v4  }
0xb7: {  	v3 =	vld [tilespmem:s17+$0x10]  }
0xb8: {  	v5 =	vadd.s32 $0x2710, v9;
	v4 =	vld [tilespmem:s16+$0x50];
	_ =	sdelay $0x4  }
0xb9: {  	vm0 =	veq.s32 v3, v4  }
0xba: {  	v3 =	vsel vm0, v5, v3;
	v4 =	vsel vm0, $0x0, v2  }
0xbb: {  	[tilespmem:s17+$0x10] =	vst v3  }
0xbc: {  	[tilespmem:s18+$0x50] =	vst v4  }
0xbd: {  	v4 =	vadd.s32 $0x2710, v10;
	v3 =	vld [tilespmem:s17+$0x20]  }
0xbe: {  	v5 =	vld [tilespmem:s16+$0x60];
	_ =	sdelay $0x4  }
0xbf: {  	vm0 =	veq.s32 v3, v5  }
.Ltmp0:
0xc0: {  	v3 =	vsel vm0, v4, v3;
	v4 =	vsel vm0, $0x0, v2;
	(pc) =	sbr.rel @p0 .LBB2_2-.Ltmp0, $4  }
0xc1: {  	[tilespmem:s17+$0x20] =	vst v3  }
0xc2: {  	v3 =	vadd.s32 $0x2710, v7;
	[tilespmem:s18+$0x60] =	vst v4  }
0xc3: {  	v4 =	vld [tilespmem:s17+$0x30]  }
0xc4: {  	v5 =	vld [tilespmem:s16+$0x70]  }
0xc5: {  	_ =	sdelay $0x3  }
0xc6: {  	vm0 =	veq.s32 v4, v5  }
0xc7: {  	v3 =	vsel vm0, v3, v4  }
0xc8: {  	v63 =	vsel vm0, $0x0, v2;
	[tilespmem:s20+$0x30] =	vst v3  }
0xc9: {  	[tilespmem:s21+$0x70] =	vst v63  }
0xca: {  	[spmem:s2] =	stream.indirect.scatter.add.f32 [tilespmem:s21], [sflag:$0x1], $0x1, s22, s13, $0xb8;
	[tilespmem:$0x7D00] =	vst v63  }
0xcb: {  	_ = 	snop  }
0xcc: {  	[hbm4b:s7+s3] =	stream.linear.scatter [tilespmem:s3], [sflag:$0x2], $0x2800, $0x38;
	[tilespmem:$0x7D00] =	vst v63  }
0xcd: {  	_ =	swait.ge [sflag:s12], $0x2800  }
0xce: {  	[sflag:s12] =	ssyncset.done $0x0  }
0xcf: {  	[sflag:s12] =	ssyncadd.s32 $0xFFFFD800  }
0xd0: {  	_ =	swait.ge [sflag:s14], $0x80  }
0xd1: {  	s16 =	simm.s32 $0x4F;
	[sflag:s14] =	ssyncset.done $0x0  }
.LBB2_4:
0xd2: {  	p0 =	sne.s32 s16, $0x1;
	s16 =	sadd.s32 $0xFFFFFFFF, s16;
	[sflag:s14] =	ssyncadd.s32 $0xFFFFFF80  }
.Ltmp1:
0xd3: {  	(pc) =	sbr.rel @p0 .LBB2_4-.Ltmp1, $3  }
0xd4: {  	_ =	sdelay $0x1  }
0xd5: {  	_ =	swait.ge [sflag:s14], $0x80  }
0xd6: {  	[sflag:s14] =	ssyncset.done $0x0  }
0xd7: {  	[sflag:s14] =	ssyncadd.s32 $0xFFFFFF80;
	s15 =	sadd.s32 $0x1, s15  }
0xd8: {  	s16 =	sshll.u32 s0, $0x6;
	s17 =	sshrl.u32 s4, $0x3;
	p0 =	sne.s32 s15, s9  }
.Ltmp2:
0xd9: {  	[bflag:$0x0] =	sbarrier.arrive $0xFFFF;
	s16 =	sor.u32 $0x1C02, s16;
	(pc) =	sbr.rel @p0 .LBB2_1-.Ltmp2, $4  }
0xda: {  	[hbm:s8], [sflag:s16] =	dma.local [spmem:s17], $0x50  }
0xdb: {  	_ =	swait.ge [sflag:s12], $0x50  }
0xdc: {  	[sflag:s12] =	ssyncset.done $0x0  }
0xdd: {  	[sflag:s12] =	ssyncadd.s32 $0xFFFFFFB0  }
0xde: {  	_ =	sfence.sel $0x180000  }
0xdf: {  	[bflag:$0x0] =	sbarrier.arrive $0xFFFF  }
0xe0: {  	p0 =	sne.s32 s0, $0x0;
	_ =	strace $0x90000047  }
0xe1: {  	s0 =	sadd.s32 @!p0 $0x100000, s1;
	[bflag:$0x2] =	sbarrier.arrive $0xFFFF  }
0xe2: {  	[sflag:s0] =	ssyncadd.tile.s32 @!p0 $0x1;
	_ =	shalt  }
.Lfunc_end2:
_tile_overlayer_lowered:
.L_overlay_start_2:
0xe3: {  	(tag) =	ssettag $0x2  }
0xe4: {  	s0 =	rddreg [dreg:$0x0];
	s2 =	stileid.u32  }
0xe5: {  	s1 =	rddreg [dreg:$0x1];
	p0 =	sne.s32 s2, $0x0  }
0xe6: {  	s3 =	rddreg [dreg:$0x2];
	[bflag:$0x3] =	sbarrier.arrive $0xFFFF;
	s2 =	simm.s32 @!p0 $0x1C02  }
0xe7: {  	[timem:s3], [sflag:s2] =	dma.local @!p0 [hbm:s0], s1  }
0xe8: {  	s0 =	simm.s32 @!p0 $0x2  }
0xe9: {  	_ =	swait.ge @!p0 [sflag:s0], s1  }
0xea: {  	s1 =	ssub.s32 @!p0 $0x0, s1;
	[sflag:s0] =	ssyncset.done @!p0 $0x0  }
0xeb: {  	[sflag:s0] =	ssyncadd.s32 @!p0 s1  }
0xec: {  	[bflag:$0x3] =	sbarrier.arrive $0xFFFF  }
0xed: {  	_ =	shalt  }

</sc_bundles>
